<compile_context>
chip_gen: v7x
topology: tpu7x:2x2x1
jax: 0.10.2.dev20260603
libtpu: 0.0.44.dev20260713+nightly
codegen_flags: <defaults>
</compile_context>

<pallas_src>
import dataclasses
import functools

import jax
import jax.numpy as jnp
from jax import lax
from jax.experimental import pallas as pl
from jax.experimental.pallas import tpu as pltpu
from jax.experimental.pallas import tpu_sc as plsc

_N = 10000
_E = 160000
_BM = 512
_BK = 2048
_BN_EPS = 1e-5

_NW = 32
_TILE = 64
_SV = _TILE // 16
_T = 80
_EPW = _T * _TILE
_EPAD = _NW * _EPW
_CT = 8



def _make_edge_kernel(two: bool):
    ne = 2 if two else 1
    mesh = plsc.VectorSubcoreMesh(core_axis_name="c", subcore_axis_name="s")
    cp = pltpu.CompilerParams()
    if "needs_layout_passes" in pltpu.CompilerParams.__dataclass_fields__:
        cp = dataclasses.replace(cp, needs_layout_passes=False)

    @functools.partial(
        pl.kernel,
        out_type=(jax.ShapeDtypeStruct((2 * _N, 128), jnp.float32),
                  jax.ShapeDtypeStruct((_NW * ne * _N,), jnp.float32)),
        mesh=mesh,
        compiler_params=cp,
        scratch_types=[
            pltpu.VMEM((_CT, _TILE), jnp.int32),
            pltpu.VMEM((_CT, _TILE), jnp.int32),
            pltpu.VMEM((_TILE, 128), jnp.float32),
            pltpu.VMEM((_TILE, 128), jnp.float32),
            pltpu.VMEM((_TILE,), jnp.float32),
            pltpu.VMEM((_TILE,), jnp.float32),
            pltpu.SemaphoreType.DMA,
            pltpu.SemaphoreType.DMA,
            pltpu.SemaphoreType.DMA,
            pltpu.SemaphoreType.DMA,
            pltpu.VMEM_SHARED((_N, 128), jnp.float32),
        ] + [pltpu.VMEM((_TILE,), jnp.float32)] * (4 * ne)
          + [pltpu.VMEM((_N,), jnp.float32)] * ne,
    )
    def edge_kernel(h_hbm, *args):
        sd_hbm = args[:2 * ne]
        src_hbm, dst_hbm, out_hbm, den_hbm = args[2 * ne:2 * ne + 4]
        (srcb, dstb, grows0, grows1, exb1, exb3, gsem0, gsem1,
         ssem0, ssem1, acc) = args[2 * ne + 4:2 * ne + 15]
        sdb = args[2 * ne + 15:2 * ne + 15 + 4 * ne]
        denb = args[2 * ne + 15 + 4 * ne:]
        growsb = (grows0, grows1)
        gsem = (gsem0, gsem1)
        ssem = (ssem0, ssem1)
        cid = lax.axis_index("c")
        sid = lax.axis_index("s")
        wid = cid * 16 + sid

        zv = jnp.zeros((16,), jnp.float32)

        @pl.loop(0, _TILE)
        def _(r):
            for cg in range(8):
                grows0[r, pl.ds(cg * 16, 16)] = zv

        @pl.loop(0, _N // 16)
        def _(i):
            for g in range(ne):
                denb[g][pl.ds(i * 16, 16)] = zv

        @pl.loop(0, 9)
        def _(i):
            pltpu.sync_copy(grows0, acc.at[pl.ds(sid * 624 + i * 64, 64)])
        pltpu.sync_copy(grows0.at[pl.ds(0, 48)],
                        acc.at[pl.ds(sid * 624 + 576, 48)])

        @pl.when(sid == 15)
        def _():
            pltpu.sync_copy(grows0.at[pl.ds(0, 16)], acc.at[pl.ds(9984, 16)])

        plsc.subcore_barrier()

        ebase = wid * _EPW
        iota = lax.iota(jnp.int32, 16)
        cpe = _CT * _TILE

        @pl.loop(0, _T // _CT)
        def _(c):
            pltpu.sync_copy(src_hbm.at[wid * (_T // _CT) + c], srcb)
            pltpu.sync_copy(dst_hbm.at[wid * (_T // _CT) + c], dstb)

            def fire(tt, s):
                pltpu.async_copy(h_hbm.at[srcb.at[tt]], growsb[s], gsem[s])
                for g in range(ne):
                    pltpu.async_copy(sd_hbm[2 * g].at[srcb.at[tt]],
                                     sdb[4 * g + 2 * s], gsem[s])
                    pltpu.async_copy(sd_hbm[2 * g + 1].at[dstb.at[tt]],
                                     sdb[4 * g + 2 * s + 1], gsem[s])

            def drain(tt, s):
                pltpu.make_async_copy(h_hbm.at[srcb.at[tt]], growsb[s],
                                      gsem[s]).wait()
                for g in range(ne):
                    pltpu.make_async_copy(sd_hbm[2 * g].at[srcb.at[tt]],
                                          sdb[4 * g + 2 * s], gsem[s]).wait()
                    pltpu.make_async_copy(sd_hbm[2 * g + 1].at[dstb.at[tt]],
                                          sdb[4 * g + 2 * s + 1],
                                          gsem[s]).wait()

            def drain_scatter(s):
                pltpu.make_async_copy(growsb[s], acc.at[dstb.at[0]],
                                      ssem[s]).wait()

            fire(0, 0)

            @pl.loop(0, _CT // 2)
            def _(p):
                for s in (0, 1):
                    tt = p * 2 + s
                    drain(tt, s)
                    @pl.when(tt + 1 < _CT)
                    def _():
                        @pl.when(tt >= 1)
                        def _():
                            drain_scatter(1 - s)
                        fire(tt + 1, 1 - s)

                    for v in range(_SV):
                        sl = pl.ds(v * 16, 16)
                        valid = (ebase + c * cpe + tt * _TILE + v * 16
                                 + iota) < _E
                        dstv = dstb[tt, sl]
                        e1 = sdb[2 * s][sl] + sdb[2 * s + 1][sl]
                        e1 = jnp.where(e1 >= 0.0, e1, 0.2 * e1)
                        ex1 = jnp.where(valid, jnp.exp(e1), 0.0)
                        exb1[sl] = ex1
                        plsc.addupdate_scatter(denb[0], [dstv], ex1)
                        if two:
                            e3 = sdb[4 + 2 * s][sl] + sdb[4 + 2 * s + 1][sl]
                            e3 = jnp.where(e3 >= 0.0, e3, 0.2 * e3)
                            ex3 = jnp.where(valid, jnp.exp(e3), 0.0)
                            exb3[sl] = ex3
                            plsc.addupdate_scatter(denb[1], [dstv], ex3)

                    @pl.loop(0, _TILE)
                    def _(r, s=s):
                        rsp = jnp.full((16,), r, jnp.int32)
                        sp1 = plsc.load_gather(exb1, [rsp])
                        if two:
                            sp3 = plsc.load_gather(exb3, [rsp])
                            for cg in range(4):
                                growsb[s][r, pl.ds(cg * 16, 16)] = (
                                    growsb[s][r, pl.ds(cg * 16, 16)] * sp1)
                            for cg in range(4, 8):
                                growsb[s][r, pl.ds(cg * 16, 16)] = (
                                    growsb[s][r, pl.ds(cg * 16, 16)] * sp3)
                        else:
                            for cg in range(8):
                                growsb[s][r, pl.ds(cg * 16, 16)] = (
                                    growsb[s][r, pl.ds(cg * 16, 16)] * sp1)

                    pltpu.async_copy(growsb[s], acc.at[dstb.at[tt]],
                                     ssem[s], add=True)

            drain_scatter(0)
            drain_scatter(1)

        for g in range(ne):
            pltpu.sync_copy(denb[g],
                            den_hbm.at[pl.ds((wid * ne + g) * _N, _N)])

        plsc.subcore_barrier()

        @pl.loop(0, 3)
        def _(i):
            off = sid * 624 + i * 208
            pltpu.sync_copy(acc.at[pl.ds(off, 208)],
                            out_hbm.at[pl.ds(cid * _N + off, 208)])

        @pl.when(sid == 15)
        def _():
            pltpu.sync_copy(acc.at[pl.ds(9984, 16)],
                            out_hbm.at[pl.ds(cid * _N + 9984, 16)])

    return edge_kernel


_EDGE2 = _make_edge_kernel(True)
_EDGE1 = _make_edge_kernel(False)



def _read_body(mask_ref, hi_ref, lo_ref, out_ref, acc_ref):
    k = pl.program_id(1)
    nk = pl.num_programs(1)

    @pl.when(k == 0)
    def _():
        acc_ref[...] = jnp.zeros_like(acc_ref)

    mb = mask_ref[...]
    col = jax.lax.broadcasted_iota(jnp.int32, mb.shape, 1) + k * _BK
    mb = jnp.where(col < _N, mb, 0.0)
    mb16 = mb.astype(jnp.bfloat16)
    acc_ref[...] += (
        jnp.dot(mb16, hi_ref[...], preferred_element_type=jnp.float32)
        + jnp.dot(mb16, lo_ref[...], preferred_element_type=jnp.float32)
    )

    @pl.when(k == nk - 1)
    def _():
        out_ref[...] = acc_ref[...]


def _readout(mask, embcat):
    npad = 5 * _BK
    hi = embcat.astype(jnp.bfloat16)
    lo = (embcat - hi.astype(jnp.float32)).astype(jnp.bfloat16)
    hi_ext = jnp.zeros((npad, 256), jnp.bfloat16)
    hi_ext = hi_ext.at[:_N, :128].set(hi).at[:_N, 128].set(1.0)
    lo_ext = jnp.zeros((npad, 256), jnp.bfloat16).at[:_N, :128].set(lo)
    grid = (pl.cdiv(_N, _BM), npad // _BK)
    out = pl.pallas_call(
        _read_body,
        grid=grid,
        in_specs=[
            pl.BlockSpec((_BM, _BK), lambda i, k: (i, k)),
            pl.BlockSpec((_BK, 256), lambda i, k: (k, 0)),
            pl.BlockSpec((_BK, 256), lambda i, k: (k, 0)),
        ],
        out_specs=pl.BlockSpec((_BM, 256), lambda i, k: (i, 0)),
        out_shape=jax.ShapeDtypeStruct((_N, 256), jnp.float32),
        scratch_shapes=[pltpu.VMEM((_BM, 256), jnp.float32)],
    )(mask, hi_ext, lo_ext)
    return out[:, :128], out[:, 128]



def _bn(x, gamma, beta):
    return x / jnp.sqrt(1.0 + _BN_EPS) * gamma + beta


def kernel(feat, feat_a, adj, graph_neigh, W1, a_src1, a_dst1, W2, a_src2,
           a_dst2, bn1_gamma, bn1_beta, bn2_gamma, bn2_beta, Wb, bb):
    src, dst = adj[0], adj[1]
    pad = jnp.zeros((_EPAD - _E,), jnp.int32)
    nch = _NW * (_T // _CT)
    srcg = jnp.concatenate([src, pad]).reshape(nch, _CT, _TILE)
    dstg = jnp.concatenate([dst, pad]).reshape(nch, _CT, _TILE)

    h1 = feat @ W1
    h3 = feat_a @ W1
    hcat = jnp.concatenate([h1, h3], axis=1)
    out13, dens13 = _EDGE2(hcat, h1 @ a_src1, h1 @ a_dst1,
                           h3 @ a_src1, h3 @ a_dst1, srcg, dstg)
    agg = out13[:_N] + out13[_N:]
    d13 = dens13.reshape(_NW, 2, _N).sum(axis=0)
    den1 = d13[0] + 1e-16
    den3 = d13[1] + 1e-16
    z = _bn(agg[:, :64] / den1[:, None], bn1_gamma, bn1_beta)
    z_a = _bn(agg[:, 64:128] / den3[:, None], bn1_gamma, bn1_beta)
    hiden_emb = z

    h2 = z @ W2
    out2, dens2 = _EDGE1(h2, h2 @ a_src2, h2 @ a_dst2, srcg, dstg)
    agg2 = out2[:_N] + out2[_N:]
    den2 = dens2.reshape(_NW, _N).sum(axis=0) + 1e-16
    h_out = _bn(agg2 / den2[:, None], bn2_gamma, bn2_beta)

    emb = jax.nn.relu(z)
    emb_a = jax.nn.relu(z_a)
    embcat = jnp.concatenate([emb, emb_a], axis=1)

    vsum, rs = _readout(graph_neigh, embcat)
    gb = vsum / rs[:, None]
    n1 = jnp.maximum(jnp.linalg.norm(gb[:, :64], axis=1, keepdims=True), 1e-12)
    n2 = jnp.maximum(jnp.linalg.norm(gb[:, 64:], axis=1, keepdims=True), 1e-12)
    g = jax.nn.sigmoid(gb[:, :64] / n1)
    g_a = jax.nn.sigmoid(gb[:, 64:] / n2)

    t1 = emb @ Wb
    t2 = emb_a @ Wb
    ret = jnp.stack([jnp.sum(t1 * g, 1), jnp.sum(t2 * g, 1)], axis=1) + bb[0]
    ret_a = jnp.stack([jnp.sum(t2 * g_a, 1), jnp.sum(t1 * g_a, 1)], axis=1) + bb[0]
    return (hiden_emb, h_out, ret, ret_a)

# --- scband reference (transcript-rebuilt; emitter-appended) ---
"""Pipeline reference for scband-gac-89610197664017 (READ-ONLY COPY).

The authoritative reference and input builder live on the scoring server;
editing this copy changes nothing except your own understanding.
"""

import jax, jax.numpy as jnp
import numpy as np

N = 10000
E = 160000
IN_DIM = 128
Z_DIM = 64
BN_EPS = 1e-5


def _gat(x, src, dst, W, a_s, a_d):
    # PyG GATConv, heads=1, concat=False, bias=False, add_self_loops=False
    h = x @ W
    e = jax.nn.leaky_relu(h[src] @ a_s + h[dst] @ a_d, negative_slope=0.2)
    m = jax.lax.stop_gradient(jax.ops.segment_max(e, dst, num_segments=N))
    m = jnp.where(jnp.isfinite(m), m, 0.0)
    ex = jnp.exp(e - m[dst])
    den = jax.ops.segment_sum(ex, dst, num_segments=N)
    alpha = ex / (den[dst] + 1e-16)
    return jax.ops.segment_sum(alpha[:, None] * h[src], dst, num_segments=N)


def _bn(x, gamma, beta):
    # eval-mode BatchNorm1d with freshly initialized running stats (mean=0, var=1)
    return x / jnp.sqrt(1.0 + BN_EPS) * gamma + beta


def _read(emb, mask):
    vsum = mask @ emb
    rs = jnp.sum(mask, axis=1)
    ge = vsum / rs[:, None]
    nrm = jnp.maximum(jnp.linalg.norm(ge, axis=1, keepdims=True), 1e-12)
    return ge / nrm


def _disc(c, h_pl, h_mi, Wb, bb):
    sc1 = jnp.einsum('nd,de,ne->n', h_pl, Wb, c) + bb[0]
    sc2 = jnp.einsum('nd,de,ne->n', h_mi, Wb, c) + bb[0]
    return jnp.stack([sc1, sc2], axis=1)


def setup_inputs(seed: int = 0):
    key = jax.random.key(seed)
    ks = jax.random.split(key, 12)
    feat = jax.random.normal(ks[0], (N, IN_DIM), dtype=jnp.float32)
    feat_a = jax.random.normal(ks[1], (N, IN_DIM), dtype=jnp.float32)
    adj = jax.random.randint(ks[2], (2, E), 0, N, dtype=jnp.int32)
    graph_neigh = (jax.random.uniform(ks[3], (N, N)) < 0.003).astype(jnp.float32)
    W1 = jax.random.normal(ks[4], (IN_DIM, Z_DIM), dtype=jnp.float32) / np.sqrt(IN_DIM)
    a_src1 = jax.random.normal(ks[5], (Z_DIM,), dtype=jnp.float32) * 0.1
    a_dst1 = jax.random.normal(ks[6], (Z_DIM,), dtype=jnp.float32) * 0.1
    W2 = jax.random.normal(ks[7], (Z_DIM, IN_DIM), dtype=jnp.float32) / np.sqrt(Z_DIM)
    a_src2 = jax.random.normal(ks[8], (IN_DIM,), dtype=jnp.float32) * 0.1
    a_dst2 = jax.random.normal(ks[9], (IN_DIM,), dtype=jnp.float32) * 0.1
    bn1_gamma = jnp.ones((Z_DIM,), jnp.float32)
    bn1_beta = jnp.zeros((Z_DIM,), jnp.float32)
    bn2_gamma = jnp.ones((IN_DIM,), jnp.float32)
    bn2_beta = jnp.zeros((IN_DIM,), jnp.float32)
    Wb = jax.random.normal(ks[10], (Z_DIM, Z_DIM), dtype=jnp.float32) / np.sqrt(Z_DIM)
    bb = jnp.zeros((1,), jnp.float32)
    return {"feat": feat, "feat_a": feat_a, "adj": adj, "graph_neigh": graph_neigh,
            "W1": W1, "a_src1": a_src1, "a_dst1": a_dst1,
            "W2": W2, "a_src2": a_src2, "a_dst2": a_dst2,
            "bn1_gamma": bn1_gamma, "bn1_beta": bn1_beta,
            "bn2_gamma": bn2_gamma, "bn2_beta": bn2_beta,
            "Wb": Wb, "bb": bb}


def reference(feat, feat_a, adj, graph_neigh, W1, a_src1, a_dst1, W2, a_src2, a_dst2,
              bn1_gamma, bn1_beta, bn2_gamma, bn2_beta, Wb, bb):
    src, dst = adj[0], adj[1]
    # eval mode: dropout is identity
    z = _bn(_gat(feat, src, dst, W1, a_src1, a_dst1), bn1_gamma, bn1_beta)
    hiden_emb = z
    emb = jax.nn.relu(hiden_emb)
    h = _bn(_gat(hiden_emb, src, dst, W2, a_src2, a_dst2), bn2_gamma, bn2_beta)
    z_a = _bn(_gat(feat_a, src, dst, W1, a_src1, a_dst1), bn1_gamma, bn1_beta)
    emb_a = jax.nn.relu(z_a)
    g = jax.nn.sigmoid(_read(emb, graph_neigh))
    g_a = jax.nn.sigmoid(_read(emb_a, graph_neigh))
    ret = _disc(g, emb, emb_a, Wb, bb)
    ret_a = _disc(g_a, emb_a, emb, Wb, bb)
    return (hiden_emb, h, ret, ret_a)

if __name__ == "__main__":
    import jax
    _d = setup_inputs()
    print(jax.jit(kernel)(*tuple(_d.values())))

</pallas_src>

<mosaic_0001>
#map = affine_map<(d0, d1) -> (0, 0)>
#map1 = affine_map<(d0, d1) -> (0)>
#map2 = affine_map<(d0, d1) -> (0, 0, 0)>
module attributes {stable_mosaic.version = 14 : i64} {
  func.func @edge_kernel(%arg0: i32, %arg1: i32, %arg2: memref<10000x128xf32, #tpu.memory_space<hbm>>, %arg3: memref<10000xf32, #tpu.memory_space<hbm>>, %arg4: memref<10000xf32, #tpu.memory_space<hbm>>, %arg5: memref<320x8x64xi32, #tpu.memory_space<hbm>>, %arg6: memref<320x8x64xi32, #tpu.memory_space<hbm>>, %arg7: memref<20000x128xf32, #tpu.memory_space<hbm>>, %arg8: memref<320000xf32, #tpu.memory_space<hbm>>, %arg9: memref<8x64xi32, #tpu.memory_space<vmem>>, %arg10: memref<8x64xi32, #tpu.memory_space<vmem>>, %arg11: memref<64x128xf32, #tpu.memory_space<vmem>>, %arg12: memref<64x128xf32, #tpu.memory_space<vmem>>, %arg13: memref<64xf32, #tpu.memory_space<vmem>>, %arg14: memref<64xf32, #tpu.memory_space<vmem>>, %arg15: memref<!tpu.dma_semaphore, #tpu.memory_space<semaphore_mem>>, %arg16: memref<!tpu.dma_semaphore, #tpu.memory_space<semaphore_mem>>, %arg17: memref<!tpu.dma_semaphore, #tpu.memory_space<semaphore_mem>>, %arg18: memref<!tpu.dma_semaphore, #tpu.memory_space<semaphore_mem>>, %arg19: memref<10000x128xf32, #tpu.memory_space<vmem_shared>>, %arg20: memref<64xf32, #tpu.memory_space<vmem>>, %arg21: memref<64xf32, #tpu.memory_space<vmem>>, %arg22: memref<64xf32, #tpu.memory_space<vmem>>, %arg23: memref<64xf32, #tpu.memory_space<vmem>>, %arg24: memref<10000xf32, #tpu.memory_space<vmem>>) attributes {dimension_semantics = [#tpu.dimension_semantics<core_parallel>, #tpu.dimension_semantics<subcore_parallel>], iteration_bounds = array<i64: 2, 16>, scalar_prefetch = 0 : i64, scratch_operands = 16 : i64, tpu.core_type = #tpu.core_type<sc_vector_subcore>, window_params = [{transform_indices = #map}, {transform_indices = #map1}, {transform_indices = #map1}, {transform_indices = #map2}, {transform_indices = #map2}, {transform_indices = #map}, {transform_indices = #map1}]} {
    %mul3A = arith.constant 16 : i32
    %mul3A_0 = arith.muli %arg0, %mul3A : i32
    %add3A = arith.addi %mul3A_0, %arg1 : i32
    %broadcast_in_dim3A = arith.constant 0.000000e+00 : f32
    %broadcast_in_dim3A_1 = vector.broadcast %broadcast_in_dim3A : f32 to vector<16xf32>
    %scan3A = arith.constant 0 : i32
    %scan3A_2 = arith.constant 64 : i32
    %scan3A_3 = arith.addi %scan3A, %scan3A_2 : i32
    %scan3A_4 = arith.constant 1 : i32
    scf.for %scan3A_46 = %scan3A to %scan3A_3 step %scan3A_4  : i32 {
      %mul3A_47 = arith.constant 1 : i32
      %mul3A_48 = arith.muli %scan3A_46, %mul3A_47 : i32
      %add3A_49 = arith.constant 0 : i32
      %add3A_50 = arith.addi %add3A_49, %mul3A_48 : i32
      %swap3A = arith.index_cast %add3A_50 : i32 to index
      %swap3A_51 = arith.constant 0 : index
      %swap3A_52 = tpu.vector_load %arg11[%swap3A, %swap3A_51] {strides = array<i32>} : memref<64x128xf32, #tpu.memory_space<vmem>>, vector<16xf32>,
      tpu.vector_store %arg11[%swap3A, %swap3A_51], %broadcast_in_dim3A_1 {strides = array<i32>} : memref<64x128xf32, #tpu.memory_space<vmem>>, vector<16xf32>,
      %swap3A_53 = arith.index_cast %add3A_50 : i32 to index
      %swap3A_54 = arith.constant 16 : index
      %swap3A_55 = tpu.vector_load %arg11[%swap3A_53, %swap3A_54] {strides = array<i32>} : memref<64x128xf32, #tpu.memory_space<vmem>>, vector<16xf32>,
      tpu.vector_store %arg11[%swap3A_53, %swap3A_54], %broadcast_in_dim3A_1 {strides = array<i32>} : memref<64x128xf32, #tpu.memory_space<vmem>>, vector<16xf32>,
      %swap3A_56 = arith.index_cast %add3A_50 : i32 to index
      %swap3A_57 = arith.constant 32 : index
      %swap3A_58 = tpu.vector_load %arg11[%swap3A_56, %swap3A_57] {strides = array<i32>} : memref<64x128xf32, #tpu.memory_space<vmem>>, vector<16xf32>,
      tpu.vector_store %arg11[%swap3A_56, %swap3A_57], %broadcast_in_dim3A_1 {strides = array<i32>} : memref<64x128xf32, #tpu.memory_space<vmem>>, vector<16xf32>,
      %swap3A_59 = arith.index_cast %add3A_50 : i32 to index
      %swap3A_60 = arith.constant 48 : index
      %swap3A_61 = tpu.vector_load %arg11[%swap3A_59, %swap3A_60] {strides = array<i32>} : memref<64x128xf32, #tpu.memory_space<vmem>>, vector<16xf32>,
      tpu.vector_store %arg11[%swap3A_59, %swap3A_60], %broadcast_in_dim3A_1 {strides = array<i32>} : memref<64x128xf32, #tpu.memory_space<vmem>>, vector<16xf32>,
      %swap3A_62 = arith.index_cast %add3A_50 : i32 to index
      %swap3A_63 = arith.constant 64 : index
      %swap3A_64 = tpu.vector_load %arg11[%swap3A_62, %swap3A_63] {strides = array<i32>} : memref<64x128xf32, #tpu.memory_space<vmem>>, vector<16xf32>,
      tpu.vector_store %arg11[%swap3A_62, %swap3A_63], %broadcast_in_dim3A_1 {strides = array<i32>} : memref<64x128xf32, #tpu.memory_space<vmem>>, vector<16xf32>,
      %swap3A_65 = arith.index_cast %add3A_50 : i32 to index
      %swap3A_66 = arith.constant 80 : index
      %swap3A_67 = tpu.vector_load %arg11[%swap3A_65, %swap3A_66] {strides = array<i32>} : memref<64x128xf32, #tpu.memory_space<vmem>>, vector<16xf32>,
      tpu.vector_store %arg11[%swap3A_65, %swap3A_66], %broadcast_in_dim3A_1 {strides = array<i32>} : memref<64x128xf32, #tpu.memory_space<vmem>>, vector<16xf32>,
      %swap3A_68 = arith.index_cast %add3A_50 : i32 to index
      %swap3A_69 = arith.constant 96 : index
      %swap3A_70 = tpu.vector_load %arg11[%swap3A_68, %swap3A_69] {strides = array<i32>} : memref<64x128xf32, #tpu.memory_space<vmem>>, vector<16xf32>,
      tpu.vector_store %arg11[%swap3A_68, %swap3A_69], %broadcast_in_dim3A_1 {strides = array<i32>} : memref<64x128xf32, #tpu.memory_space<vmem>>, vector<16xf32>,
      %swap3A_71 = arith.index_cast %add3A_50 : i32 to index
      %swap3A_72 = arith.constant 112 : index
      %swap3A_73 = tpu.vector_load %arg11[%swap3A_71, %swap3A_72] {strides = array<i32>} : memref<64x128xf32, #tpu.memory_space<vmem>>, vector<16xf32>,
      tpu.vector_store %arg11[%swap3A_71, %swap3A_72], %broadcast_in_dim3A_1 {strides = array<i32>} : memref<64x128xf32, #tpu.memory_space<vmem>>, vector<16xf32>,
    }
    %scan3A_5 = arith.constant 64 : i32
    %scan3A_6 = arith.constant 0 : i32
    %scan3A_7 = arith.constant 625 : i32
    %scan3A_8 = arith.addi %scan3A_6, %scan3A_7 : i32
    %scan3A_9 = arith.constant 1 : i32
    scf.for %scan3A_46 = %scan3A_6 to %scan3A_8 step %scan3A_9  : i32 {
      %mul3A_47 = arith.constant 1 : i32
      %mul3A_48 = arith.muli %scan3A_46, %mul3A_47 : i32
      %add3A_49 = arith.constant 0 : i32
      %add3A_50 = arith.addi %add3A_49, %mul3A_48 : i32
      %mul3A_51 = arith.constant 16 : i32
      %mul3A_52 = arith.muli %add3A_50, %mul3A_51 : i32
      %swap3A = arith.index_cast %mul3A_52 : i32 to index
      %swap3A_53 = tpu.vector_load %arg24[%swap3A] {strides = array<i32>} : memref<10000xf32, #tpu.memory_space<vmem>>, vector<16xf32>,
      tpu.vector_store %arg24[%swap3A], %broadcast_in_dim3A_1 {strides = array<i32>} : memref<10000xf32, #tpu.memory_space<vmem>>, vector<16xf32>,
    }
    %scan3A_10 = arith.constant 625 : i32
    %scan3A_11 = arith.constant 0 : i32
    %scan3A_12 = arith.constant 9 : i32
    %scan3A_13 = arith.addi %scan3A_11, %scan3A_12 : i32
    %scan3A_14 = arith.constant 1 : i32
    scf.for %scan3A_46 = %scan3A_11 to %scan3A_13 step %scan3A_14  : i32 {
      %mul3A_47 = arith.constant 1 : i32
      %mul3A_48 = arith.muli %scan3A_46, %mul3A_47 : i32
      %add3A_49 = arith.constant 0 : i32
      %add3A_50 = arith.addi %add3A_49, %mul3A_48 : i32
      %mul3A_51 = arith.constant 624 : i32
      %mul3A_52 = arith.muli %arg1, %mul3A_51 : i32
      %mul3A_53 = arith.constant 64 : i32
      %mul3A_54 = arith.muli %add3A_50, %mul3A_53 : i32
      %add3A_55 = arith.addi %mul3A_52, %mul3A_54 : i32
      "tpu.region"() ({
        %run_scoped3A = tpu.sem_alloc : memref<!tpu.dma_semaphore, #tpu.memory_space<semaphore_mem>>
        %dma_start3A = arith.constant 0 : i32
        %dma_start3A_56 = tpu.memref_slice %arg19[%add3A_55, %dma_start3A] : memref<10000x128xf32, #tpu.memory_space<vmem_shared>> -> memref<64x128xf32, #tpu.memory_space<vmem_shared>>
        %dma_start3A_57 = arith.constant 0 : i32
        %dma_start3A_58 = tpu.memref_slice %arg19[%add3A_55, %dma_start3A_57] : memref<10000x128xf32, #tpu.memory_space<vmem_shared>> -> memref<64x128xf32, #tpu.memory_space<vmem_shared>>
        tpu.enqueue_dma source(%arg11 : memref<64x128xf32, #tpu.memory_space<vmem>>) target(%dma_start3A_58 : memref<64x128xf32, #tpu.memory_space<vmem_shared>>) target_semaphore(%run_scoped3A : memref<!tpu.dma_semaphore, #tpu.memory_space<semaphore_mem>>)
        %dma_wait3A = arith.constant 0 : i32
        %dma_wait3A_59 = tpu.memref_slice %arg19[%add3A_55, %dma_wait3A] : memref<10000x128xf32, #tpu.memory_space<vmem_shared>> -> memref<64x128xf32, #tpu.memory_space<vmem_shared>>
        %dma_wait3A_60 = arith.constant 0 : i32
        %dma_wait3A_61 = tpu.memref_slice %arg19[%add3A_55, %dma_wait3A_60] : memref<10000x128xf32, #tpu.memory_space<vmem_shared>> -> memref<64x128xf32, #tpu.memory_space<vmem_shared>>
        tpu.wait_dma2 semaphore(%run_scoped3A : memref<!tpu.dma_semaphore, #tpu.memory_space<semaphore_mem>>) src(%arg11 : memref<64x128xf32, #tpu.memory_space<vmem>>) dst(%dma_wait3A_61 : memref<64x128xf32, #tpu.memory_space<vmem_shared>>)
        tpu.yield
      }) : () -> ()
    }
    %scan3A_15 = arith.constant 9 : i32
    %mul3A_16 = arith.constant 624 : i32
    %mul3A_17 = arith.muli %arg1, %mul3A_16 : i32
    %add3A_18 = arith.constant 576 : i32
    %add3A_19 = arith.addi %mul3A_17, %add3A_18 : i32
    "tpu.region"() ({
      %run_scoped3A = tpu.sem_alloc : memref<!tpu.dma_semaphore, #tpu.memory_space<semaphore_mem>>
      %dma_start3A = arith.constant 0 : i32
      %dma_start3A_46 = arith.constant 0 : i32
      %dma_start3A_47 = tpu.memref_slice %arg11[%dma_start3A, %dma_start3A_46] : memref<64x128xf32, #tpu.memory_space<vmem>> -> memref<48x128xf32, #tpu.memory_space<vmem>>
      %dma_start3A_48 = arith.constant 0 : i32
      %dma_start3A_49 = tpu.memref_slice %arg19[%add3A_19, %dma_start3A_48] : memref<10000x128xf32, #tpu.memory_space<vmem_shared>> -> memref<48x128xf32, #tpu.memory_space<vmem_shared>>
      %dma_start3A_50 = arith.constant 0 : i32
      %dma_start3A_51 = tpu.memref_slice %arg19[%add3A_19, %dma_start3A_50] : memref<10000x128xf32, #tpu.memory_space<vmem_shared>> -> memref<48x128xf32, #tpu.memory_space<vmem_shared>>
      %dma_start3A_52 = arith.constant 0 : i32
      %dma_start3A_53 = arith.constant 0 : i32
      %dma_start3A_54 = tpu.memref_slice %arg11[%dma_start3A_52, %dma_start3A_53] : memref<64x128xf32, #tpu.memory_space<vmem>> -> memref<48x128xf32, #tpu.memory_space<vmem>>
      tpu.enqueue_dma source(%dma_start3A_54 : memref<48x128xf32, #tpu.memory_space<vmem>>) target(%dma_start3A_51 : memref<48x128xf32, #tpu.memory_space<vmem_shared>>) target_semaphore(%run_scoped3A : memref<!tpu.dma_semaphore, #tpu.memory_space<semaphore_mem>>)
      %dma_wait3A = arith.constant 0 : i32
      %dma_wait3A_55 = arith.constant 0 : i32
      %dma_wait3A_56 = tpu.memref_slice %arg11[%dma_wait3A, %dma_wait3A_55] : memref<64x128xf32, #tpu.memory_space<vmem>> -> memref<48x128xf32, #tpu.memory_space<vmem>>
      %dma_wait3A_57 = arith.constant 0 : i32
      %dma_wait3A_58 = tpu.memref_slice %arg19[%add3A_19, %dma_wait3A_57] : memref<10000x128xf32, #tpu.memory_space<vmem_shared>> -> memref<48x128xf32, #tpu.memory_space<vmem_shared>>
      %dma_wait3A_59 = arith.constant 0 : i32
      %dma_wait3A_60 = tpu.memref_slice %arg19[%add3A_19, %dma_wait3A_59] : memref<10000x128xf32, #tpu.memory_space<vmem_shared>> -> memref<48x128xf32, #tpu.memory_space<vmem_shared>>
      %dma_wait3A_61 = arith.constant 0 : i32
      %dma_wait3A_62 = arith.constant 0 : i32
      %dma_wait3A_63 = tpu.memref_slice %arg11[%dma_wait3A_61, %dma_wait3A_62] : memref<64x128xf32, #tpu.memory_space<vmem>> -> memref<48x128xf32, #tpu.memory_space<vmem>>
      tpu.wait_dma2 semaphore(%run_scoped3A : memref<!tpu.dma_semaphore, #tpu.memory_space<semaphore_mem>>) src(%dma_wait3A_63 : memref<48x128xf32, #tpu.memory_space<vmem>>) dst(%dma_wait3A_60 : memref<48x128xf32, #tpu.memory_space<vmem_shared>>)
      tpu.yield
    }) : () -> ()
    %eq3A = arith.constant 15 : i32
    %eq3A_20 = arith.cmpi eq, %arg1, %eq3A : i32
    %convert_element_type3A = arith.extui %eq3A_20 : i1 to i32
    %cond3A = arith.constant 0 : i32
    %cond3A_21 = arith.cmpi ne, %convert_element_type3A, %cond3A : i32
    scf.if %cond3A_21 {
      "tpu.region"() ({
        %run_scoped3A = tpu.sem_alloc : memref<!tpu.dma_semaphore, #tpu.memory_space<semaphore_mem>>
        %dma_start3A = arith.constant 0 : i32
        %dma_start3A_46 = arith.constant 0 : i32
        %dma_start3A_47 = tpu.memref_slice %arg11[%dma_start3A, %dma_start3A_46] : memref<64x128xf32, #tpu.memory_space<vmem>> -> memref<16x128xf32, #tpu.memory_space<vmem>>
        %dma_start3A_48 = arith.constant 9984 : i32
        %dma_start3A_49 = arith.constant 0 : i32
        %dma_start3A_50 = tpu.memref_slice %arg19[%dma_start3A_48, %dma_start3A_49] : memref<10000x128xf32, #tpu.memory_space<vmem_shared>> -> memref<16x128xf32, #tpu.memory_space<vmem_shared>>
        %dma_start3A_51 = arith.constant 9984 : i32
        %dma_start3A_52 = arith.constant 0 : i32
        %dma_start3A_53 = tpu.memref_slice %arg19[%dma_start3A_51, %dma_start3A_52] : memref<10000x128xf32, #tpu.memory_space<vmem_shared>> -> memref<16x128xf32, #tpu.memory_space<vmem_shared>>
        %dma_start3A_54 = arith.constant 0 : i32
        %dma_start3A_55 = arith.constant 0 : i32
        %dma_start3A_56 = tpu.memref_slice %arg11[%dma_start3A_54, %dma_start3A_55] : memref<64x128xf32, #tpu.memory_space<vmem>> -> memref<16x128xf32, #tpu.memory_space<vmem>>
        tpu.enqueue_dma source(%dma_start3A_56 : memref<16x128xf32, #tpu.memory_space<vmem>>) target(%dma_start3A_53 : memref<16x128xf32, #tpu.memory_space<vmem_shared>>) target_semaphore(%run_scoped3A : memref<!tpu.dma_semaphore, #tpu.memory_space<semaphore_mem>>)
        %dma_wait3A = arith.constant 0 : i32
        %dma_wait3A_57 = arith.constant 0 : i32
        %dma_wait3A_58 = tpu.memref_slice %arg11[%dma_wait3A, %dma_wait3A_57] : memref<64x128xf32, #tpu.memory_space<vmem>> -> memref<16x128xf32, #tpu.memory_space<vmem>>
        %dma_wait3A_59 = arith.constant 9984 : i32
        %dma_wait3A_60 = arith.constant 0 : i32
        %dma_wait3A_61 = tpu.memref_slice %arg19[%dma_wait3A_59, %dma_wait3A_60] : memref<10000x128xf32, #tpu.memory_space<vmem_shared>> -> memref<16x128xf32, #tpu.memory_space<vmem_shared>>
        %dma_wait3A_62 = arith.constant 9984 : i32
        %dma_wait3A_63 = arith.constant 0 : i32
        %dma_wait3A_64 = tpu.memref_slice %arg19[%dma_wait3A_62, %dma_wait3A_63] : memref<10000x128xf32, #tpu.memory_space<vmem_shared>> -> memref<16x128xf32, #tpu.memory_space<vmem_shared>>
        %dma_wait3A_65 = arith.constant 0 : i32
        %dma_wait3A_66 = arith.constant 0 : i32
        %dma_wait3A_67 = tpu.memref_slice %arg11[%dma_wait3A_65, %dma_wait3A_66] : memref<64x128xf32, #tpu.memory_space<vmem>> -> memref<16x128xf32, #tpu.memory_space<vmem>>
        tpu.wait_dma2 semaphore(%run_scoped3A : memref<!tpu.dma_semaphore, #tpu.memory_space<semaphore_mem>>) src(%dma_wait3A_67 : memref<16x128xf32, #tpu.memory_space<vmem>>) dst(%dma_wait3A_64 : memref<16x128xf32, #tpu.memory_space<vmem_shared>>)
        tpu.yield
      }) : () -> ()
    } else {
    }
    %barrier3A = arith.constant 0 : index
    tpu.barrier barrier_id(%barrier3A)
    %mul3A_22 = arith.constant 5120 : i32
    %mul3A_23 = arith.muli %add3A, %mul3A_22 : i32
    %iota3A = tpu.iota {dimensions = array<i32: 0>} : vector<16xi32>
    %scan3A_24 = arith.constant 0 : i32
    %scan3A_25 = arith.constant 10 : i32
    %scan3A_26 = arith.addi %scan3A_24, %scan3A_25 : i32
    %scan3A_27 = arith.constant 1 : i32
    scf.for %scan3A_46 = %scan3A_24 to %scan3A_26 step %scan3A_27  : i32 {
      %mul3A_47 = arith.constant 1 : i32
      %mul3A_48 = arith.muli %scan3A_46, %mul3A_47 : i32
      %add3A_49 = arith.constant 0 : i32
      %add3A_50 = arith.addi %add3A_49, %mul3A_48 : i32
      %mul3A_51 = arith.constant 10 : i32
      %mul3A_52 = arith.muli %add3A, %mul3A_51 : i32
      %add3A_53 = arith.addi %mul3A_52, %add3A_50 : i32
      "tpu.region"() ({
        %run_scoped3A = tpu.sem_alloc : memref<!tpu.dma_semaphore, #tpu.memory_space<semaphore_mem>>
        %dma_start3A_93 = arith.constant 0 : i32
        %dma_start3A_94 = arith.constant 0 : i32
        %dma_start3A_95 = tpu.memref_slice %arg5[%add3A_53, %dma_start3A_93, %dma_start3A_94] : memref<320x8x64xi32, #tpu.memory_space<hbm>> -> memref<1x8x64xi32, #tpu.memory_space<hbm>>
        %dma_start3A_96 = tpu.memref_squeeze %dma_start3A_95 : memref<1x8x64xi32, #tpu.memory_space<hbm>> -> memref<8x64xi32, #tpu.memory_space<hbm>>
        %dma_start3A_97 = arith.constant 0 : i32
        %dma_start3A_98 = arith.constant 0 : i32
        %dma_start3A_99 = tpu.memref_slice %arg5[%add3A_53, %dma_start3A_97, %dma_start3A_98] : memref<320x8x64xi32, #tpu.memory_space<hbm>> -> memref<1x8x64xi32, #tpu.memory_space<hbm>>
        %dma_start3A_100 = tpu.memref_squeeze %dma_start3A_99 : memref<1x8x64xi32, #tpu.memory_space<hbm>> -> memref<8x64xi32, #tpu.memory_space<hbm>>
        tpu.enqueue_dma source(%dma_start3A_100 : memref<8x64xi32, #tpu.memory_space<hbm>>) target(%arg9 : memref<8x64xi32, #tpu.memory_space<vmem>>) target_semaphore(%run_scoped3A : memref<!tpu.dma_semaphore, #tpu.memory_space<semaphore_mem>>)
        %dma_wait3A_101 = arith.constant 0 : i32
        %dma_wait3A_102 = arith.constant 0 : i32
        %dma_wait3A_103 = tpu.memref_slice %arg5[%add3A_53, %dma_wait3A_101, %dma_wait3A_102] : memref<320x8x64xi32, #tpu.memory_space<hbm>> -> memref<1x8x64xi32, #tpu.memory_space<hbm>>
        %dma_wait3A_104 = tpu.memref_squeeze %dma_wait3A_103 : memref<1x8x64xi32, #tpu.memory_space<hbm>> -> memref<8x64xi32, #tpu.memory_space<hbm>>
        %dma_wait3A_105 = arith.constant 0 : i32
        %dma_wait3A_106 = arith.constant 0 : i32
        %dma_wait3A_107 = tpu.memref_slice %arg5[%add3A_53, %dma_wait3A_105, %dma_wait3A_106] : memref<320x8x64xi32, #tpu.memory_space<hbm>> -> memref<1x8x64xi32, #tpu.memory_space<hbm>>
        %dma_wait3A_108 = tpu.memref_squeeze %dma_wait3A_107 : memref<1x8x64xi32, #tpu.memory_space<hbm>> -> memref<8x64xi32, #tpu.memory_space<hbm>>
        tpu.wait_dma2 semaphore(%run_scoped3A : memref<!tpu.dma_semaphore, #tpu.memory_space<semaphore_mem>>) src(%dma_wait3A_108 : memref<8x64xi32, #tpu.memory_space<hbm>>) dst(%arg9 : memref<8x64xi32, #tpu.memory_space<vmem>>)
        tpu.yield
      }) : () -> ()
      %mul3A_54 = arith.constant 10 : i32
      %mul3A_55 = arith.muli %add3A, %mul3A_54 : i32
      %add3A_56 = arith.addi %mul3A_55, %add3A_50 : i32
      "tpu.region"() ({
        %run_scoped3A = tpu.sem_alloc : memref<!tpu.dma_semaphore, #tpu.memory_space<semaphore_mem>>
        %dma_start3A_93 = arith.constant 0 : i32
        %dma_start3A_94 = arith.constant 0 : i32
        %dma_start3A_95 = tpu.memref_slice %arg6[%add3A_56, %dma_start3A_93, %dma_start3A_94] : memref<320x8x64xi32, #tpu.memory_space<hbm>> -> memref<1x8x64xi32, #tpu.memory_space<hbm>>
        %dma_start3A_96 = tpu.memref_squeeze %dma_start3A_95 : memref<1x8x64xi32, #tpu.memory_space<hbm>> -> memref<8x64xi32, #tpu.memory_space<hbm>>
        %dma_start3A_97 = arith.constant 0 : i32
        %dma_start3A_98 = arith.constant 0 : i32
        %dma_start3A_99 = tpu.memref_slice %arg6[%add3A_56, %dma_start3A_97, %dma_start3A_98] : memref<320x8x64xi32, #tpu.memory_space<hbm>> -> memref<1x8x64xi32, #tpu.memory_space<hbm>>
        %dma_start3A_100 = tpu.memref_squeeze %dma_start3A_99 : memref<1x8x64xi32, #tpu.memory_space<hbm>> -> memref<8x64xi32, #tpu.memory_space<hbm>>
        tpu.enqueue_dma source(%dma_start3A_100 : memref<8x64xi32, #tpu.memory_space<hbm>>) target(%arg10 : memref<8x64xi32, #tpu.memory_space<vmem>>) target_semaphore(%run_scoped3A : memref<!tpu.dma_semaphore, #tpu.memory_space<semaphore_mem>>)
        %dma_wait3A_101 = arith.constant 0 : i32
        %dma_wait3A_102 = arith.constant 0 : i32
        %dma_wait3A_103 = tpu.memref_slice %arg6[%add3A_56, %dma_wait3A_101, %dma_wait3A_102] : memref<320x8x64xi32, #tpu.memory_space<hbm>> -> memref<1x8x64xi32, #tpu.memory_space<hbm>>
        %dma_wait3A_104 = tpu.memref_squeeze %dma_wait3A_103 : memref<1x8x64xi32, #tpu.memory_space<hbm>> -> memref<8x64xi32, #tpu.memory_space<hbm>>
        %dma_wait3A_105 = arith.constant 0 : i32
        %dma_wait3A_106 = arith.constant 0 : i32
        %dma_wait3A_107 = tpu.memref_slice %arg6[%add3A_56, %dma_wait3A_105, %dma_wait3A_106] : memref<320x8x64xi32, #tpu.memory_space<hbm>> -> memref<1x8x64xi32, #tpu.memory_space<hbm>>
        %dma_wait3A_108 = tpu.memref_squeeze %dma_wait3A_107 : memref<1x8x64xi32, #tpu.memory_space<hbm>> -> memref<8x64xi32, #tpu.memory_space<hbm>>
        tpu.wait_dma2 semaphore(%run_scoped3A : memref<!tpu.dma_semaphore, #tpu.memory_space<semaphore_mem>>) src(%dma_wait3A_108 : memref<8x64xi32, #tpu.memory_space<hbm>>) dst(%arg10 : memref<8x64xi32, #tpu.memory_space<vmem>>)
        tpu.yield
      }) : () -> ()
      %dma_start3A = arith.constant 0 : i32
      %dma_start3A_57 = arith.constant 0 : i32
      %dma_start3A_58 = tpu.memref_slice %arg9[%dma_start3A, %dma_start3A_57] : memref<8x64xi32, #tpu.memory_space<vmem>> -> memref<1x64xi32, #tpu.memory_space<vmem>>
      %dma_start3A_59 = tpu.memref_squeeze %dma_start3A_58 : memref<1x64xi32, #tpu.memory_space<vmem>> -> memref<64xi32, #tpu.memory_space<vmem>>
      %dma_start3A_60 = arith.constant 0 : i32
      %dma_start3A_61 = arith.constant 0 : i32
      %dma_start3A_62 = tpu.memref_slice %arg2[%dma_start3A_60, %dma_start3A_61] : memref<10000x128xf32, #tpu.memory_space<hbm>> -> memref<10000x128xf32, #tpu.memory_space<hbm>>
      tpu.enqueue_indirect_dma source(%dma_start3A_62 : memref<10000x128xf32, #tpu.memory_space<hbm>>) target(%arg11 : memref<64x128xf32, #tpu.memory_space<vmem>>) offsets(%dma_start3A_59 : memref<64xi32, #tpu.memory_space<vmem>>) semaphore(%arg15 : memref<!tpu.dma_semaphore, #tpu.memory_space<semaphore_mem>>)
      %dma_start3A_63 = arith.constant 0 : i32
      %dma_start3A_64 = arith.constant 0 : i32
      %dma_start3A_65 = tpu.memref_slice %arg9[%dma_start3A_63, %dma_start3A_64] : memref<8x64xi32, #tpu.memory_space<vmem>> -> memref<1x64xi32, #tpu.memory_space<vmem>>
      %dma_start3A_66 = tpu.memref_squeeze %dma_start3A_65 : memref<1x64xi32, #tpu.memory_space<vmem>> -> memref<64xi32, #tpu.memory_space<vmem>>
      %dma_start3A_67 = arith.constant 0 : i32
      %dma_start3A_68 = tpu.memref_slice %arg3[%dma_start3A_67] : memref<10000xf32, #tpu.memory_space<hbm>> -> memref<10000xf32, #tpu.memory_space<hbm>>
      tpu.enqueue_indirect_dma source(%dma_start3A_68 : memref<10000xf32, #tpu.memory_space<hbm>>) target(%arg20 : memref<64xf32, #tpu.memory_space<vmem>>) offsets(%dma_start3A_66 : memref<64xi32, #tpu.memory_space<vmem>>) semaphore(%arg15 : memref<!tpu.dma_semaphore, #tpu.memory_space<semaphore_mem>>)
      %dma_start3A_69 = arith.constant 0 : i32
      %dma_start3A_70 = arith.constant 0 : i32
      %dma_start3A_71 = tpu.memref_slice %arg10[%dma_start3A_69, %dma_start3A_70] : memref<8x64xi32, #tpu.memory_space<vmem>> -> memref<1x64xi32, #tpu.memory_space<vmem>>
      %dma_start3A_72 = tpu.memref_squeeze %dma_start3A_71 : memref<1x64xi32, #tpu.memory_space<vmem>> -> memref<64xi32, #tpu.memory_space<vmem>>
      %dma_start3A_73 = arith.constant 0 : i32
      %dma_start3A_74 = tpu.memref_slice %arg4[%dma_start3A_73] : memref<10000xf32, #tpu.memory_space<hbm>> -> memref<10000xf32, #tpu.memory_space<hbm>>
      tpu.enqueue_indirect_dma source(%dma_start3A_74 : memref<10000xf32, #tpu.memory_space<hbm>>) target(%arg21 : memref<64xf32, #tpu.memory_space<vmem>>) offsets(%dma_start3A_72 : memref<64xi32, #tpu.memory_space<vmem>>) semaphore(%arg15 : memref<!tpu.dma_semaphore, #tpu.memory_space<semaphore_mem>>)
      %scan3A_75 = arith.constant 0 : i32
      %scan3A_76 = arith.constant 4 : i32
      %scan3A_77 = arith.addi %scan3A_75, %scan3A_76 : i32
      %scan3A_78 = arith.constant 1 : i32
      scf.for %scan3A_93 = %scan3A_75 to %scan3A_77 step %scan3A_78  : i32 {
        %mul3A_94 = arith.constant 1 : i32
        %mul3A_95 = arith.muli %scan3A_93, %mul3A_94 : i32
        %add3A_96 = arith.constant 0 : i32
        %add3A_97 = arith.addi %add3A_96, %mul3A_95 : i32
        %mul3A_98 = arith.constant 2 : i32
        %mul3A_99 = arith.muli %add3A_97, %mul3A_98 : i32
        %add3A_100 = arith.constant 0 : i32
        %add3A_101 = arith.addi %mul3A_99, %add3A_100 : i32
        %dma_wait3A_102 = arith.constant 0 : i32
        %dma_wait3A_103 = tpu.memref_slice %arg9[%add3A_101, %dma_wait3A_102] : memref<8x64xi32, #tpu.memory_space<vmem>> -> memref<1x64xi32, #tpu.memory_space<vmem>>
        %dma_wait3A_104 = tpu.memref_squeeze %dma_wait3A_103 : memref<1x64xi32, #tpu.memory_space<vmem>> -> memref<64xi32, #tpu.memory_space<vmem>>
        %dma_wait3A_105 = arith.constant 0 : i32
        %dma_wait3A_106 = arith.constant 0 : i32
        %dma_wait3A_107 = tpu.memref_slice %arg2[%dma_wait3A_105, %dma_wait3A_106] : memref<10000x128xf32, #tpu.memory_space<hbm>> -> memref<10000x128xf32, #tpu.memory_space<hbm>>
        tpu.wait_indirect_dma semaphore(%arg15 : memref<!tpu.dma_semaphore, #tpu.memory_space<semaphore_mem>>) src(%dma_wait3A_107 : memref<10000x128xf32, #tpu.memory_space<hbm>>) dst(%arg11 : memref<64x128xf32, #tpu.memory_space<vmem>>)
        %dma_wait3A_108 = arith.constant 0 : i32
        %dma_wait3A_109 = tpu.memref_slice %arg9[%add3A_101, %dma_wait3A_108] : memref<8x64xi32, #tpu.memory_space<vmem>> -> memref<1x64xi32, #tpu.memory_space<vmem>>
        %dma_wait3A_110 = tpu.memref_squeeze %dma_wait3A_109 : memref<1x64xi32, #tpu.memory_space<vmem>> -> memref<64xi32, #tpu.memory_space<vmem>>
        %dma_wait3A_111 = arith.constant 0 : i32
        %dma_wait3A_112 = tpu.memref_slice %arg3[%dma_wait3A_111] : memref<10000xf32, #tpu.memory_space<hbm>> -> memref<10000xf32, #tpu.memory_space<hbm>>
        tpu.wait_indirect_dma semaphore(%arg15 : memref<!tpu.dma_semaphore, #tpu.memory_space<semaphore_mem>>) src(%dma_wait3A_112 : memref<10000xf32, #tpu.memory_space<hbm>>) dst(%arg20 : memref<64xf32, #tpu.memory_space<vmem>>)
        %dma_wait3A_113 = arith.constant 0 : i32
        %dma_wait3A_114 = tpu.memref_slice %arg10[%add3A_101, %dma_wait3A_113] : memref<8x64xi32, #tpu.memory_space<vmem>> -> memref<1x64xi32, #tpu.memory_space<vmem>>
        %dma_wait3A_115 = tpu.memref_squeeze %dma_wait3A_114 : memref<1x64xi32, #tpu.memory_space<vmem>> -> memref<64xi32, #tpu.memory_space<vmem>>
        %dma_wait3A_116 = arith.constant 0 : i32
        %dma_wait3A_117 = tpu.memref_slice %arg4[%dma_wait3A_116] : memref<10000xf32, #tpu.memory_space<hbm>> -> memref<10000xf32, #tpu.memory_space<hbm>>
        tpu.wait_indirect_dma semaphore(%arg15 : memref<!tpu.dma_semaphore, #tpu.memory_space<semaphore_mem>>) src(%dma_wait3A_117 : memref<10000xf32, #tpu.memory_space<hbm>>) dst(%arg21 : memref<64xf32, #tpu.memory_space<vmem>>)
        %add3A_118 = arith.constant 1 : i32
        %add3A_119 = arith.addi %add3A_101, %add3A_118 : i32
        %lt3A = arith.constant 8 : i32
        %lt3A_120 = arith.cmpi slt, %add3A_119, %lt3A : i32
        %convert_element_type3A_121 = arith.extui %lt3A_120 : i1 to i32
        %cond3A_122 = arith.constant 0 : i32
        %cond3A_123 = arith.cmpi ne, %convert_element_type3A_121, %cond3A_122 : i32
        scf.if %cond3A_123 {
          %ge3A_439 = arith.constant 1 : i32
          %ge3A_440 = arith.cmpi sge, %add3A_101, %ge3A_439 : i32
          %convert_element_type3A_441 = arith.extui %ge3A_440 : i1 to i32
          %cond3A_442 = arith.constant 0 : i32
          %cond3A_443 = arith.cmpi ne, %convert_element_type3A_441, %cond3A_442 : i32
          scf.if %cond3A_443 {
            %dma_wait3A_462 = arith.constant 0 : i32
            %dma_wait3A_463 = arith.constant 0 : i32
            %dma_wait3A_464 = tpu.memref_slice %arg10[%dma_wait3A_462, %dma_wait3A_463] : memref<8x64xi32, #tpu.memory_space<vmem>> -> memref<1x64xi32, #tpu.memory_space<vmem>>
            %dma_wait3A_465 = tpu.memref_squeeze %dma_wait3A_464 : memref<1x64xi32, #tpu.memory_space<vmem>> -> memref<64xi32, #tpu.memory_space<vmem>>
            %dma_wait3A_466 = arith.constant 0 : i32
            %dma_wait3A_467 = arith.constant 0 : i32
            %dma_wait3A_468 = tpu.memref_slice %arg19[%dma_wait3A_466, %dma_wait3A_467] : memref<10000x128xf32, #tpu.memory_space<vmem_shared>> -> memref<10000x128xf32, #tpu.memory_space<vmem_shared>>
            tpu.wait_indirect_dma semaphore(%arg18 : memref<!tpu.dma_semaphore, #tpu.memory_space<semaphore_mem>>) src(%arg12 : memref<64x128xf32, #tpu.memory_space<vmem>>) dst(%dma_wait3A_468 : memref<10000x128xf32, #tpu.memory_space<vmem_shared>>)
          } else {
          }
          %add3A_444 = arith.constant 1 : i32
          %add3A_445 = arith.addi %add3A_101, %add3A_444 : i32
          %dma_start3A_446 = arith.constant 0 : i32
          %dma_start3A_447 = tpu.memref_slice %arg9[%add3A_445, %dma_start3A_446] : memref<8x64xi32, #tpu.memory_space<vmem>> -> memref<1x64xi32, #tpu.memory_space<vmem>>
          %dma_start3A_448 = tpu.memref_squeeze %dma_start3A_447 : memref<1x64xi32, #tpu.memory_space<vmem>> -> memref<64xi32, #tpu.memory_space<vmem>>
          %dma_start3A_449 = arith.constant 0 : i32
          %dma_start3A_450 = arith.constant 0 : i32
          %dma_start3A_451 = tpu.memref_slice %arg2[%dma_start3A_449, %dma_start3A_450] : memref<10000x128xf32, #tpu.memory_space<hbm>> -> memref<10000x128xf32, #tpu.memory_space<hbm>>
          tpu.enqueue_indirect_dma source(%dma_start3A_451 : memref<10000x128xf32, #tpu.memory_space<hbm>>) target(%arg12 : memref<64x128xf32, #tpu.memory_space<vmem>>) offsets(%dma_start3A_448 : memref<64xi32, #tpu.memory_space<vmem>>) semaphore(%arg16 : memref<!tpu.dma_semaphore, #tpu.memory_space<semaphore_mem>>)
          %dma_start3A_452 = arith.constant 0 : i32
          %dma_start3A_453 = tpu.memref_slice %arg9[%add3A_445, %dma_start3A_452] : memref<8x64xi32, #tpu.memory_space<vmem>> -> memref<1x64xi32, #tpu.memory_space<vmem>>
          %dma_start3A_454 = tpu.memref_squeeze %dma_start3A_453 : memref<1x64xi32, #tpu.memory_space<vmem>> -> memref<64xi32, #tpu.memory_space<vmem>>
          %dma_start3A_455 = arith.constant 0 : i32
          %dma_start3A_456 = tpu.memref_slice %arg3[%dma_start3A_455] : memref<10000xf32, #tpu.memory_space<hbm>> -> memref<10000xf32, #tpu.memory_space<hbm>>
          tpu.enqueue_indirect_dma source(%dma_start3A_456 : memref<10000xf32, #tpu.memory_space<hbm>>) target(%arg22 : memref<64xf32, #tpu.memory_space<vmem>>) offsets(%dma_start3A_454 : memref<64xi32, #tpu.memory_space<vmem>>) semaphore(%arg16 : memref<!tpu.dma_semaphore, #tpu.memory_space<semaphore_mem>>)
          %dma_start3A_457 = arith.constant 0 : i32
          %dma_start3A_458 = tpu.memref_slice %arg10[%add3A_445, %dma_start3A_457] : memref<8x64xi32, #tpu.memory_space<vmem>> -> memref<1x64xi32, #tpu.memory_space<vmem>>
          %dma_start3A_459 = tpu.memref_squeeze %dma_start3A_458 : memref<1x64xi32, #tpu.memory_space<vmem>> -> memref<64xi32, #tpu.memory_space<vmem>>
          %dma_start3A_460 = arith.constant 0 : i32
          %dma_start3A_461 = tpu.memref_slice %arg4[%dma_start3A_460] : memref<10000xf32, #tpu.memory_space<hbm>> -> memref<10000xf32, #tpu.memory_space<hbm>>
          tpu.enqueue_indirect_dma source(%dma_start3A_461 : memref<10000xf32, #tpu.memory_space<hbm>>) target(%arg23 : memref<64xf32, #tpu.memory_space<vmem>>) offsets(%dma_start3A_459 : memref<64xi32, #tpu.memory_space<vmem>>) semaphore(%arg16 : memref<!tpu.dma_semaphore, #tpu.memory_space<semaphore_mem>>)
        } else {
        }
        %mul3A_124 = arith.constant 512 : i32
        %mul3A_125 = arith.muli %add3A_50, %mul3A_124 : i32
        %add3A_126 = arith.addi %mul3A_23, %mul3A_125 : i32
        %mul3A_127 = arith.constant 64 : i32
        %mul3A_128 = arith.muli %add3A_101, %mul3A_127 : i32
        %add3A_129 = arith.addi %add3A_126, %mul3A_128 : i32
        %add3A_130 = arith.constant 0 : i32
        %add3A_131 = arith.addi %add3A_129, %add3A_130 : i32
        %add3A_132 = vector.broadcast %add3A_131 : i32 to vector<16xi32>
        %add3A_133 = arith.addi %add3A_132, %iota3A : vector<16xi32>
        %lt3A_134 = arith.constant 160000 : i32
        %lt3A_135 = vector.broadcast %lt3A_134 : i32 to vector<16xi32>
        %lt3A_136 = arith.cmpi slt, %add3A_133, %lt3A_135 : vector<16xi32>
        %get3A = arith.index_cast %add3A_101 : i32 to index
        %get3A_137 = arith.constant 0 : index
        %get3A_138 = tpu.vector_load %arg10[%get3A, %get3A_137] {strides = array<i32>} : memref<8x64xi32, #tpu.memory_space<vmem>>, vector<16xi32>,
        %get3A_139 = arith.constant 0 : index
        %get3A_140 = tpu.vector_load %arg20[%get3A_139] {strides = array<i32>} : memref<64xf32, #tpu.memory_space<vmem>>, vector<16xf32>,
        %get3A_141 = arith.constant 0 : index
        %get3A_142 = tpu.vector_load %arg21[%get3A_141] {strides = array<i32>} : memref<64xf32, #tpu.memory_space<vmem>>, vector<16xf32>,
        %add3A_143 = arith.addf %get3A_140, %get3A_142 : vector<16xf32>
        %ge3A = arith.constant 0.000000e+00 : f32
        %ge3A_144 = vector.broadcast %ge3A : f32 to vector<16xf32>
        %ge3A_145 = arith.cmpf oge, %add3A_143, %ge3A_144 : vector<16xf32>
        %mul3A_146 = arith.constant 2.000000e-01 : f32
        %mul3A_147 = vector.broadcast %mul3A_146 : f32 to vector<16xf32>
        %mul3A_148 = arith.mulf %mul3A_147, %add3A_143 : vector<16xf32>
        %select_n3A = arith.select %ge3A_145, %add3A_143, %mul3A_148 : vector<16xi1>, vector<16xf32>
        %exp3A = math.exp %select_n3A : vector<16xf32>
        %jit3A = arith.constant 0.000000e+00 : f32
        %broadcast_in_dim3A_149 = vector.broadcast %jit3A : f32 to vector<16xf32>
        %select_n3A_150 = arith.select %lt3A_136, %exp3A, %broadcast_in_dim3A_149 : vector<16xi1>, vector<16xf32>
        %swap3A = arith.constant 0 : index
        %swap3A_151 = tpu.vector_load %arg13[%swap3A] {strides = array<i32>} : memref<64xf32, #tpu.memory_space<vmem>>, vector<16xf32>,
        tpu.vector_store %arg13[%swap3A], %select_n3A_150 {strides = array<i32>} : memref<64xf32, #tpu.memory_space<vmem>>, vector<16xf32>,
        tpu.vector_store_idx %arg24[%get3A_138], %select_n3A_150 {add = true} : memref<10000xf32, #tpu.memory_space<vmem>>[vector<16xi32>], vector<16xf32>,
        %mul3A_152 = arith.constant 512 : i32
        %mul3A_153 = arith.muli %add3A_50, %mul3A_152 : i32
        %add3A_154 = arith.addi %mul3A_23, %mul3A_153 : i32
        %mul3A_155 = arith.constant 64 : i32
        %mul3A_156 = arith.muli %add3A_101, %mul3A_155 : i32
        %add3A_157 = arith.addi %add3A_154, %mul3A_156 : i32
        %add3A_158 = arith.constant 16 : i32
        %add3A_159 = arith.addi %add3A_157, %add3A_158 : i32
        %add3A_160 = vector.broadcast %add3A_159 : i32 to vector<16xi32>
        %add3A_161 = arith.addi %add3A_160, %iota3A : vector<16xi32>
        %lt3A_162 = arith.constant 160000 : i32
        %lt3A_163 = vector.broadcast %lt3A_162 : i32 to vector<16xi32>
        %lt3A_164 = arith.cmpi slt, %add3A_161, %lt3A_163 : vector<16xi32>
        %get3A_165 = arith.index_cast %add3A_101 : i32 to index
        %get3A_166 = arith.constant 16 : index
        %get3A_167 = tpu.vector_load %arg10[%get3A_165, %get3A_166] {strides = array<i32>} : memref<8x64xi32, #tpu.memory_space<vmem>>, vector<16xi32>,
        %get3A_168 = arith.constant 16 : index
        %get3A_169 = tpu.vector_load %arg20[%get3A_168] {strides = array<i32>} : memref<64xf32, #tpu.memory_space<vmem>>, vector<16xf32>,
        %get3A_170 = arith.constant 16 : index
        %get3A_171 = tpu.vector_load %arg21[%get3A_170] {strides = array<i32>} : memref<64xf32, #tpu.memory_space<vmem>>, vector<16xf32>,
        %add3A_172 = arith.addf %get3A_169, %get3A_171 : vector<16xf32>
        %ge3A_173 = arith.constant 0.000000e+00 : f32
        %ge3A_174 = vector.broadcast %ge3A_173 : f32 to vector<16xf32>
        %ge3A_175 = arith.cmpf oge, %add3A_172, %ge3A_174 : vector<16xf32>
        %mul3A_176 = arith.constant 2.000000e-01 : f32
        %mul3A_177 = vector.broadcast %mul3A_176 : f32 to vector<16xf32>
        %mul3A_178 = arith.mulf %mul3A_177, %add3A_172 : vector<16xf32>
        %select_n3A_179 = arith.select %ge3A_175, %add3A_172, %mul3A_178 : vector<16xi1>, vector<16xf32>
        %exp3A_180 = math.exp %select_n3A_179 : vector<16xf32>
        %jit3A_181 = arith.constant 0.000000e+00 : f32
        %broadcast_in_dim3A_182 = vector.broadcast %jit3A_181 : f32 to vector<16xf32>
        %select_n3A_183 = arith.select %lt3A_164, %exp3A_180, %broadcast_in_dim3A_182 : vector<16xi1>, vector<16xf32>
        %swap3A_184 = arith.constant 16 : index
        %swap3A_185 = tpu.vector_load %arg13[%swap3A_184] {strides = array<i32>} : memref<64xf32, #tpu.memory_space<vmem>>, vector<16xf32>,
        tpu.vector_store %arg13[%swap3A_184], %select_n3A_183 {strides = array<i32>} : memref<64xf32, #tpu.memory_space<vmem>>, vector<16xf32>,
        tpu.vector_store_idx %arg24[%get3A_167], %select_n3A_183 {add = true} : memref<10000xf32, #tpu.memory_space<vmem>>[vector<16xi32>], vector<16xf32>,
        %mul3A_186 = arith.constant 512 : i32
        %mul3A_187 = arith.muli %add3A_50, %mul3A_186 : i32
        %add3A_188 = arith.addi %mul3A_23, %mul3A_187 : i32
        %mul3A_189 = arith.constant 64 : i32
        %mul3A_190 = arith.muli %add3A_101, %mul3A_189 : i32
        %add3A_191 = arith.addi %add3A_188, %mul3A_190 : i32
        %add3A_192 = arith.constant 32 : i32
        %add3A_193 = arith.addi %add3A_191, %add3A_192 : i32
        %add3A_194 = vector.broadcast %add3A_193 : i32 to vector<16xi32>
        %add3A_195 = arith.addi %add3A_194, %iota3A : vector<16xi32>
        %lt3A_196 = arith.constant 160000 : i32
        %lt3A_197 = vector.broadcast %lt3A_196 : i32 to vector<16xi32>
        %lt3A_198 = arith.cmpi slt, %add3A_195, %lt3A_197 : vector<16xi32>
        %get3A_199 = arith.index_cast %add3A_101 : i32 to index
        %get3A_200 = arith.constant 32 : index
        %get3A_201 = tpu.vector_load %arg10[%get3A_199, %get3A_200] {strides = array<i32>} : memref<8x64xi32, #tpu.memory_space<vmem>>, vector<16xi32>,
        %get3A_202 = arith.constant 32 : index
        %get3A_203 = tpu.vector_load %arg20[%get3A_202] {strides = array<i32>} : memref<64xf32, #tpu.memory_space<vmem>>, vector<16xf32>,
        %get3A_204 = arith.constant 32 : index
        %get3A_205 = tpu.vector_load %arg21[%get3A_204] {strides = array<i32>} : memref<64xf32, #tpu.memory_space<vmem>>, vector<16xf32>,
        %add3A_206 = arith.addf %get3A_203, %get3A_205 : vector<16xf32>
        %ge3A_207 = arith.constant 0.000000e+00 : f32
        %ge3A_208 = vector.broadcast %ge3A_207 : f32 to vector<16xf32>
        %ge3A_209 = arith.cmpf oge, %add3A_206, %ge3A_208 : vector<16xf32>
        %mul3A_210 = arith.constant 2.000000e-01 : f32
        %mul3A_211 = vector.broadcast %mul3A_210 : f32 to vector<16xf32>
        %mul3A_212 = arith.mulf %mul3A_211, %add3A_206 : vector<16xf32>
        %select_n3A_213 = arith.select %ge3A_209, %add3A_206, %mul3A_212 : vector<16xi1>, vector<16xf32>
        %exp3A_214 = math.exp %select_n3A_213 : vector<16xf32>
        %jit3A_215 = arith.constant 0.000000e+00 : f32
        %broadcast_in_dim3A_216 = vector.broadcast %jit3A_215 : f32 to vector<16xf32>
        %select_n3A_217 = arith.select %lt3A_198, %exp3A_214, %broadcast_in_dim3A_216 : vector<16xi1>, vector<16xf32>
        %swap3A_218 = arith.constant 32 : index
        %swap3A_219 = tpu.vector_load %arg13[%swap3A_218] {strides = array<i32>} : memref<64xf32, #tpu.memory_space<vmem>>, vector<16xf32>,
        tpu.vector_store %arg13[%swap3A_218], %select_n3A_217 {strides = array<i32>} : memref<64xf32, #tpu.memory_space<vmem>>, vector<16xf32>,
        tpu.vector_store_idx %arg24[%get3A_201], %select_n3A_217 {add = true} : memref<10000xf32, #tpu.memory_space<vmem>>[vector<16xi32>], vector<16xf32>,
        %mul3A_220 = arith.constant 512 : i32
        %mul3A_221 = arith.muli %add3A_50, %mul3A_220 : i32
        %add3A_222 = arith.addi %mul3A_23, %mul3A_221 : i32
        %mul3A_223 = arith.constant 64 : i32
        %mul3A_224 = arith.muli %add3A_101, %mul3A_223 : i32
        %add3A_225 = arith.addi %add3A_222, %mul3A_224 : i32
        %add3A_226 = arith.constant 48 : i32
        %add3A_227 = arith.addi %add3A_225, %add3A_226 : i32
        %add3A_228 = vector.broadcast %add3A_227 : i32 to vector<16xi32>
        %add3A_229 = arith.addi %add3A_228, %iota3A : vector<16xi32>
        %lt3A_230 = arith.constant 160000 : i32
        %lt3A_231 = vector.broadcast %lt3A_230 : i32 to vector<16xi32>
        %lt3A_232 = arith.cmpi slt, %add3A_229, %lt3A_231 : vector<16xi32>
        %get3A_233 = arith.index_cast %add3A_101 : i32 to index
        %get3A_234 = arith.constant 48 : index
        %get3A_235 = tpu.vector_load %arg10[%get3A_233, %get3A_234] {strides = array<i32>} : memref<8x64xi32, #tpu.memory_space<vmem>>, vector<16xi32>,
        %get3A_236 = arith.constant 48 : index
        %get3A_237 = tpu.vector_load %arg20[%get3A_236] {strides = array<i32>} : memref<64xf32, #tpu.memory_space<vmem>>, vector<16xf32>,
        %get3A_238 = arith.constant 48 : index
        %get3A_239 = tpu.vector_load %arg21[%get3A_238] {strides = array<i32>} : memref<64xf32, #tpu.memory_space<vmem>>, vector<16xf32>,
        %add3A_240 = arith.addf %get3A_237, %get3A_239 : vector<16xf32>
        %ge3A_241 = arith.constant 0.000000e+00 : f32
        %ge3A_242 = vector.broadcast %ge3A_241 : f32 to vector<16xf32>
        %ge3A_243 = arith.cmpf oge, %add3A_240, %ge3A_242 : vector<16xf32>
        %mul3A_244 = arith.constant 2.000000e-01 : f32
        %mul3A_245 = vector.broadcast %mul3A_244 : f32 to vector<16xf32>
        %mul3A_246 = arith.mulf %mul3A_245, %add3A_240 : vector<16xf32>
        %select_n3A_247 = arith.select %ge3A_243, %add3A_240, %mul3A_246 : vector<16xi1>, vector<16xf32>
        %exp3A_248 = math.exp %select_n3A_247 : vector<16xf32>
        %jit3A_249 = arith.constant 0.000000e+00 : f32
        %broadcast_in_dim3A_250 = vector.broadcast %jit3A_249 : f32 to vector<16xf32>
        %select_n3A_251 = arith.select %lt3A_232, %exp3A_248, %broadcast_in_dim3A_250 : vector<16xi1>, vector<16xf32>
        %swap3A_252 = arith.constant 48 : index
        %swap3A_253 = tpu.vector_load %arg13[%swap3A_252] {strides = array<i32>} : memref<64xf32, #tpu.memory_space<vmem>>, vector<16xf32>,
        tpu.vector_store %arg13[%swap3A_252], %select_n3A_251 {strides = array<i32>} : memref<64xf32, #tpu.memory_space<vmem>>, vector<16xf32>,
        tpu.vector_store_idx %arg24[%get3A_235], %select_n3A_251 {add = true} : memref<10000xf32, #tpu.memory_space<vmem>>[vector<16xi32>], vector<16xf32>,
        %scan3A_254 = arith.constant 0 : i32
        %scan3A_255 = arith.constant 64 : i32
        %scan3A_256 = arith.addi %scan3A_254, %scan3A_255 : i32
        %scan3A_257 = arith.constant 1 : i32
        scf.for %scan3A_439 = %scan3A_254 to %scan3A_256 step %scan3A_257  : i32 {
          %mul3A_440 = arith.constant 1 : i32
          %mul3A_441 = arith.muli %scan3A_439, %mul3A_440 : i32
          %add3A_442 = arith.constant 0 : i32
          %add3A_443 = arith.addi %add3A_442, %mul3A_441 : i32
          %broadcast_in_dim3A_444 = vector.broadcast %add3A_443 : i32 to vector<16xi32>
          %gather3A = tpu.vector_load_idx %arg13[%broadcast_in_dim3A_444] : memref<64xf32, #tpu.memory_space<vmem>>[vector<16xi32>], vector<16xf32>,
          %get3A_445 = arith.index_cast %add3A_443 : i32 to index
          %get3A_446 = arith.constant 0 : index
          %get3A_447 = tpu.vector_load %arg11[%get3A_445, %get3A_446] {strides = array<i32>} : memref<64x128xf32, #tpu.memory_space<vmem>>, vector<16xf32>,
          %mul3A_448 = arith.mulf %get3A_447, %gather3A : vector<16xf32>
          %swap3A_449 = arith.index_cast %add3A_443 : i32 to index
          %swap3A_450 = arith.constant 0 : index
          %swap3A_451 = tpu.vector_load %arg11[%swap3A_449, %swap3A_450] {strides = array<i32>} : memref<64x128xf32, #tpu.memory_space<vmem>>, vector<16xf32>,
          tpu.vector_store %arg11[%swap3A_449, %swap3A_450], %mul3A_448 {strides = array<i32>} : memref<64x128xf32, #tpu.memory_space<vmem>>, vector<16xf32>,
          %get3A_452 = arith.index_cast %add3A_443 : i32 to index
          %get3A_453 = arith.constant 16 : index
          %get3A_454 = tpu.vector_load %arg11[%get3A_452, %get3A_453] {strides = array<i32>} : memref<64x128xf32, #tpu.memory_space<vmem>>, vector<16xf32>,
          %mul3A_455 = arith.mulf %get3A_454, %gather3A : vector<16xf32>
          %swap3A_456 = arith.index_cast %add3A_443 : i32 to index
          %swap3A_457 = arith.constant 16 : index
          %swap3A_458 = tpu.vector_load %arg11[%swap3A_456, %swap3A_457] {strides = array<i32>} : memref<64x128xf32, #tpu.memory_space<vmem>>, vector<16xf32>,
          tpu.vector_store %arg11[%swap3A_456, %swap3A_457], %mul3A_455 {strides = array<i32>} : memref<64x128xf32, #tpu.memory_space<vmem>>, vector<16xf32>,
          %get3A_459 = arith.index_cast %add3A_443 : i32 to index
          %get3A_460 = arith.constant 32 : index
          %get3A_461 = tpu.vector_load %arg11[%get3A_459, %get3A_460] {strides = array<i32>} : memref<64x128xf32, #tpu.memory_space<vmem>>, vector<16xf32>,
          %mul3A_462 = arith.mulf %get3A_461, %gather3A : vector<16xf32>
          %swap3A_463 = arith.index_cast %add3A_443 : i32 to index
          %swap3A_464 = arith.constant 32 : index
          %swap3A_465 = tpu.vector_load %arg11[%swap3A_463, %swap3A_464] {strides = array<i32>} : memref<64x128xf32, #tpu.memory_space<vmem>>, vector<16xf32>,
          tpu.vector_store %arg11[%swap3A_463, %swap3A_464], %mul3A_462 {strides = array<i32>} : memref<64x128xf32, #tpu.memory_space<vmem>>, vector<16xf32>,
          %get3A_466 = arith.index_cast %add3A_443 : i32 to index
          %get3A_467 = arith.constant 48 : index
          %get3A_468 = tpu.vector_load %arg11[%get3A_466, %get3A_467] {strides = array<i32>} : memref<64x128xf32, #tpu.memory_space<vmem>>, vector<16xf32>,
          %mul3A_469 = arith.mulf %get3A_468, %gather3A : vector<16xf32>
          %swap3A_470 = arith.index_cast %add3A_443 : i32 to index
          %swap3A_471 = arith.constant 48 : index
          %swap3A_472 = tpu.vector_load %arg11[%swap3A_470, %swap3A_471] {strides = array<i32>} : memref<64x128xf32, #tpu.memory_space<vmem>>, vector<16xf32>,
          tpu.vector_store %arg11[%swap3A_470, %swap3A_471], %mul3A_469 {strides = array<i32>} : memref<64x128xf32, #tpu.memory_space<vmem>>, vector<16xf32>,
          %get3A_473 = arith.index_cast %add3A_443 : i32 to index
          %get3A_474 = arith.constant 64 : index
          %get3A_475 = tpu.vector_load %arg11[%get3A_473, %get3A_474] {strides = array<i32>} : memref<64x128xf32, #tpu.memory_space<vmem>>, vector<16xf32>,
          %mul3A_476 = arith.mulf %get3A_475, %gather3A : vector<16xf32>
          %swap3A_477 = arith.index_cast %add3A_443 : i32 to index
          %swap3A_478 = arith.constant 64 : index
          %swap3A_479 = tpu.vector_load %arg11[%swap3A_477, %swap3A_478] {strides = array<i32>} : memref<64x128xf32, #tpu.memory_space<vmem>>, vector<16xf32>,
          tpu.vector_store %arg11[%swap3A_477, %swap3A_478], %mul3A_476 {strides = array<i32>} : memref<64x128xf32, #tpu.memory_space<vmem>>, vector<16xf32>,
          %get3A_480 = arith.index_cast %add3A_443 : i32 to index
          %get3A_481 = arith.constant 80 : index
          %get3A_482 = tpu.vector_load %arg11[%get3A_480, %get3A_481] {strides = array<i32>} : memref<64x128xf32, #tpu.memory_space<vmem>>, vector<16xf32>,
          %mul3A_483 = arith.mulf %get3A_482, %gather3A : vector<16xf32>
          %swap3A_484 = arith.index_cast %add3A_443 : i32 to index
          %swap3A_485 = arith.constant 80 : index
          %swap3A_486 = tpu.vector_load %arg11[%swap3A_484, %swap3A_485] {strides = array<i32>} : memref<64x128xf32, #tpu.memory_space<vmem>>, vector<16xf32>,
          tpu.vector_store %arg11[%swap3A_484, %swap3A_485], %mul3A_483 {strides = array<i32>} : memref<64x128xf32, #tpu.memory_space<vmem>>, vector<16xf32>,
          %get3A_487 = arith.index_cast %add3A_443 : i32 to index
          %get3A_488 = arith.constant 96 : index
          %get3A_489 = tpu.vector_load %arg11[%get3A_487, %get3A_488] {strides = array<i32>} : memref<64x128xf32, #tpu.memory_space<vmem>>, vector<16xf32>,
          %mul3A_490 = arith.mulf %get3A_489, %gather3A : vector<16xf32>
          %swap3A_491 = arith.index_cast %add3A_443 : i32 to index
          %swap3A_492 = arith.constant 96 : index
          %swap3A_493 = tpu.vector_load %arg11[%swap3A_491, %swap3A_492] {strides = array<i32>} : memref<64x128xf32, #tpu.memory_space<vmem>>, vector<16xf32>,
          tpu.vector_store %arg11[%swap3A_491, %swap3A_492], %mul3A_490 {strides = array<i32>} : memref<64x128xf32, #tpu.memory_space<vmem>>, vector<16xf32>,
          %get3A_494 = arith.index_cast %add3A_443 : i32 to index
          %get3A_495 = arith.constant 112 : index
          %get3A_496 = tpu.vector_load %arg11[%get3A_494, %get3A_495] {strides = array<i32>} : memref<64x128xf32, #tpu.memory_space<vmem>>, vector<16xf32>,
          %mul3A_497 = arith.mulf %get3A_496, %gather3A : vector<16xf32>
          %swap3A_498 = arith.index_cast %add3A_443 : i32 to index
          %swap3A_499 = arith.constant 112 : index
          %swap3A_500 = tpu.vector_load %arg11[%swap3A_498, %swap3A_499] {strides = array<i32>} : memref<64x128xf32, #tpu.memory_space<vmem>>, vector<16xf32>,
          tpu.vector_store %arg11[%swap3A_498, %swap3A_499], %mul3A_497 {strides = array<i32>} : memref<64x128xf32, #tpu.memory_space<vmem>>, vector<16xf32>,
        }
        %scan3A_258 = arith.constant 64 : i32
        %dma_start3A_259 = arith.constant 0 : i32
        %dma_start3A_260 = tpu.memref_slice %arg10[%add3A_101, %dma_start3A_259] : memref<8x64xi32, #tpu.memory_space<vmem>> -> memref<1x64xi32, #tpu.memory_space<vmem>>
        %dma_start3A_261 = tpu.memref_squeeze %dma_start3A_260 : memref<1x64xi32, #tpu.memory_space<vmem>> -> memref<64xi32, #tpu.memory_space<vmem>>
        %dma_start3A_262 = arith.constant 0 : i32
        %dma_start3A_263 = arith.constant 0 : i32
        %dma_start3A_264 = tpu.memref_slice %arg19[%dma_start3A_262, %dma_start3A_263] : memref<10000x128xf32, #tpu.memory_space<vmem_shared>> -> memref<10000x128xf32, #tpu.memory_space<vmem_shared>>
        tpu.enqueue_indirect_dma source(%arg11 : memref<64x128xf32, #tpu.memory_space<vmem>>) target(%dma_start3A_264 : memref<10000x128xf32, #tpu.memory_space<vmem_shared>>) offsets(%dma_start3A_261 : memref<64xi32, #tpu.memory_space<vmem>>) semaphore(%arg17 : memref<!tpu.dma_semaphore, #tpu.memory_space<semaphore_mem>>) {add = true}
        %mul3A_265 = arith.constant 2 : i32
        %mul3A_266 = arith.muli %add3A_97, %mul3A_265 : i32
        %add3A_267 = arith.constant 1 : i32
        %add3A_268 = arith.addi %mul3A_266, %add3A_267 : i32
        %dma_wait3A_269 = arith.constant 0 : i32
        %dma_wait3A_270 = tpu.memref_slice %arg9[%add3A_268, %dma_wait3A_269] : memref<8x64xi32, #tpu.memory_space<vmem>> -> memref<1x64xi32, #tpu.memory_space<vmem>>
        %dma_wait3A_271 = tpu.memref_squeeze %dma_wait3A_270 : memref<1x64xi32, #tpu.memory_space<vmem>> -> memref<64xi32, #tpu.memory_space<vmem>>
        %dma_wait3A_272 = arith.constant 0 : i32
        %dma_wait3A_273 = arith.constant 0 : i32
        %dma_wait3A_274 = tpu.memref_slice %arg2[%dma_wait3A_272, %dma_wait3A_273] : memref<10000x128xf32, #tpu.memory_space<hbm>> -> memref<10000x128xf32, #tpu.memory_space<hbm>>
        tpu.wait_indirect_dma semaphore(%arg16 : memref<!tpu.dma_semaphore, #tpu.memory_space<semaphore_mem>>) src(%dma_wait3A_274 : memref<10000x128xf32, #tpu.memory_space<hbm>>) dst(%arg12 : memref<64x128xf32, #tpu.memory_space<vmem>>)
        %dma_wait3A_275 = arith.constant 0 : i32
        %dma_wait3A_276 = tpu.memref_slice %arg9[%add3A_268, %dma_wait3A_275] : memref<8x64xi32, #tpu.memory_space<vmem>> -> memref<1x64xi32, #tpu.memory_space<vmem>>
        %dma_wait3A_277 = tpu.memref_squeeze %dma_wait3A_276 : memref<1x64xi32, #tpu.memory_space<vmem>> -> memref<64xi32, #tpu.memory_space<vmem>>
        %dma_wait3A_278 = arith.constant 0 : i32
        %dma_wait3A_279 = tpu.memref_slice %arg3[%dma_wait3A_278] : memref<10000xf32, #tpu.memory_space<hbm>> -> memref<10000xf32, #tpu.memory_space<hbm>>
        tpu.wait_indirect_dma semaphore(%arg16 : memref<!tpu.dma_semaphore, #tpu.memory_space<semaphore_mem>>) src(%dma_wait3A_279 : memref<10000xf32, #tpu.memory_space<hbm>>) dst(%arg22 : memref<64xf32, #tpu.memory_space<vmem>>)
        %dma_wait3A_280 = arith.constant 0 : i32
        %dma_wait3A_281 = tpu.memref_slice %arg10[%add3A_268, %dma_wait3A_280] : memref<8x64xi32, #tpu.memory_space<vmem>> -> memref<1x64xi32, #tpu.memory_space<vmem>>
        %dma_wait3A_282 = tpu.memref_squeeze %dma_wait3A_281 : memref<1x64xi32, #tpu.memory_space<vmem>> -> memref<64xi32, #tpu.memory_space<vmem>>
        %dma_wait3A_283 = arith.constant 0 : i32
        %dma_wait3A_284 = tpu.memref_slice %arg4[%dma_wait3A_283] : memref<10000xf32, #tpu.memory_space<hbm>> -> memref<10000xf32, #tpu.memory_space<hbm>>
        tpu.wait_indirect_dma semaphore(%arg16 : memref<!tpu.dma_semaphore, #tpu.memory_space<semaphore_mem>>) src(%dma_wait3A_284 : memref<10000xf32, #tpu.memory_space<hbm>>) dst(%arg23 : memref<64xf32, #tpu.memory_space<vmem>>)
        %add3A_285 = arith.constant 1 : i32
        %add3A_286 = arith.addi %add3A_268, %add3A_285 : i32
        %lt3A_287 = arith.constant 8 : i32
        %lt3A_288 = arith.cmpi slt, %add3A_286, %lt3A_287 : i32
        %convert_element_type3A_289 = arith.extui %lt3A_288 : i1 to i32
        %cond3A_290 = arith.constant 0 : i32
        %cond3A_291 = arith.cmpi ne, %convert_element_type3A_289, %cond3A_290 : i32
        scf.if %cond3A_291 {
          %ge3A_439 = arith.constant 1 : i32
          %ge3A_440 = arith.cmpi sge, %add3A_268, %ge3A_439 : i32
          %convert_element_type3A_441 = arith.extui %ge3A_440 : i1 to i32
          %cond3A_442 = arith.constant 0 : i32
          %cond3A_443 = arith.cmpi ne, %convert_element_type3A_441, %cond3A_442 : i32
          scf.if %cond3A_443 {
            %dma_wait3A_462 = arith.constant 0 : i32
            %dma_wait3A_463 = arith.constant 0 : i32
            %dma_wait3A_464 = tpu.memref_slice %arg10[%dma_wait3A_462, %dma_wait3A_463] : memref<8x64xi32, #tpu.memory_space<vmem>> -> memref<1x64xi32, #tpu.memory_space<vmem>>
            %dma_wait3A_465 = tpu.memref_squeeze %dma_wait3A_464 : memref<1x64xi32, #tpu.memory_space<vmem>> -> memref<64xi32, #tpu.memory_space<vmem>>
            %dma_wait3A_466 = arith.constant 0 : i32
            %dma_wait3A_467 = arith.constant 0 : i32
            %dma_wait3A_468 = tpu.memref_slice %arg19[%dma_wait3A_466, %dma_wait3A_467] : memref<10000x128xf32, #tpu.memory_space<vmem_shared>> -> memref<10000x128xf32, #tpu.memory_space<vmem_shared>>
            tpu.wait_indirect_dma semaphore(%arg17 : memref<!tpu.dma_semaphore, #tpu.memory_space<semaphore_mem>>) src(%arg11 : memref<64x128xf32, #tpu.memory_space<vmem>>) dst(%dma_wait3A_468 : memref<10000x128xf32, #tpu.memory_space<vmem_shared>>)
          } else {
          }
          %add3A_444 = arith.constant 1 : i32
          %add3A_445 = arith.addi %add3A_268, %add3A_444 : i32
          %dma_start3A_446 = arith.constant 0 : i32
          %dma_start3A_447 = tpu.memref_slice %arg9[%add3A_445, %dma_start3A_446] : memref<8x64xi32, #tpu.memory_space<vmem>> -> memref<1x64xi32, #tpu.memory_space<vmem>>
          %dma_start3A_448 = tpu.memref_squeeze %dma_start3A_447 : memref<1x64xi32, #tpu.memory_space<vmem>> -> memref<64xi32, #tpu.memory_space<vmem>>
          %dma_start3A_449 = arith.constant 0 : i32
          %dma_start3A_450 = arith.constant 0 : i32
          %dma_start3A_451 = tpu.memref_slice %arg2[%dma_start3A_449, %dma_start3A_450] : memref<10000x128xf32, #tpu.memory_space<hbm>> -> memref<10000x128xf32, #tpu.memory_space<hbm>>
          tpu.enqueue_indirect_dma source(%dma_start3A_451 : memref<10000x128xf32, #tpu.memory_space<hbm>>) target(%arg11 : memref<64x128xf32, #tpu.memory_space<vmem>>) offsets(%dma_start3A_448 : memref<64xi32, #tpu.memory_space<vmem>>) semaphore(%arg15 : memref<!tpu.dma_semaphore, #tpu.memory_space<semaphore_mem>>)
          %dma_start3A_452 = arith.constant 0 : i32
          %dma_start3A_453 = tpu.memref_slice %arg9[%add3A_445, %dma_start3A_452] : memref<8x64xi32, #tpu.memory_space<vmem>> -> memref<1x64xi32, #tpu.memory_space<vmem>>
          %dma_start3A_454 = tpu.memref_squeeze %dma_start3A_453 : memref<1x64xi32, #tpu.memory_space<vmem>> -> memref<64xi32, #tpu.memory_space<vmem>>
          %dma_start3A_455 = arith.constant 0 : i32
          %dma_start3A_456 = tpu.memref_slice %arg3[%dma_start3A_455] : memref<10000xf32, #tpu.memory_space<hbm>> -> memref<10000xf32, #tpu.memory_space<hbm>>
          tpu.enqueue_indirect_dma source(%dma_start3A_456 : memref<10000xf32, #tpu.memory_space<hbm>>) target(%arg20 : memref<64xf32, #tpu.memory_space<vmem>>) offsets(%dma_start3A_454 : memref<64xi32, #tpu.memory_space<vmem>>) semaphore(%arg15 : memref<!tpu.dma_semaphore, #tpu.memory_space<semaphore_mem>>)
          %dma_start3A_457 = arith.constant 0 : i32
          %dma_start3A_458 = tpu.memref_slice %arg10[%add3A_445, %dma_start3A_457] : memref<8x64xi32, #tpu.memory_space<vmem>> -> memref<1x64xi32, #tpu.memory_space<vmem>>
          %dma_start3A_459 = tpu.memref_squeeze %dma_start3A_458 : memref<1x64xi32, #tpu.memory_space<vmem>> -> memref<64xi32, #tpu.memory_space<vmem>>
          %dma_start3A_460 = arith.constant 0 : i32
          %dma_start3A_461 = tpu.memref_slice %arg4[%dma_start3A_460] : memref<10000xf32, #tpu.memory_space<hbm>> -> memref<10000xf32, #tpu.memory_space<hbm>>
          tpu.enqueue_indirect_dma source(%dma_start3A_461 : memref<10000xf32, #tpu.memory_space<hbm>>) target(%arg21 : memref<64xf32, #tpu.memory_space<vmem>>) offsets(%dma_start3A_459 : memref<64xi32, #tpu.memory_space<vmem>>) semaphore(%arg15 : memref<!tpu.dma_semaphore, #tpu.memory_space<semaphore_mem>>)
        } else {
        }
        %mul3A_292 = arith.constant 512 : i32
        %mul3A_293 = arith.muli %add3A_50, %mul3A_292 : i32
        %add3A_294 = arith.addi %mul3A_23, %mul3A_293 : i32
        %mul3A_295 = arith.constant 64 : i32
        %mul3A_296 = arith.muli %add3A_268, %mul3A_295 : i32
        %add3A_297 = arith.addi %add3A_294, %mul3A_296 : i32
        %add3A_298 = arith.constant 0 : i32
        %add3A_299 = arith.addi %add3A_297, %add3A_298 : i32
        %add3A_300 = vector.broadcast %add3A_299 : i32 to vector<16xi32>
        %add3A_301 = arith.addi %add3A_300, %iota3A : vector<16xi32>
        %lt3A_302 = arith.constant 160000 : i32
        %lt3A_303 = vector.broadcast %lt3A_302 : i32 to vector<16xi32>
        %lt3A_304 = arith.cmpi slt, %add3A_301, %lt3A_303 : vector<16xi32>
        %get3A_305 = arith.index_cast %add3A_268 : i32 to index
        %get3A_306 = arith.constant 0 : index
        %get3A_307 = tpu.vector_load %arg10[%get3A_305, %get3A_306] {strides = array<i32>} : memref<8x64xi32, #tpu.memory_space<vmem>>, vector<16xi32>,
        %get3A_308 = arith.constant 0 : index
        %get3A_309 = tpu.vector_load %arg22[%get3A_308] {strides = array<i32>} : memref<64xf32, #tpu.memory_space<vmem>>, vector<16xf32>,
        %get3A_310 = arith.constant 0 : index
        %get3A_311 = tpu.vector_load %arg23[%get3A_310] {strides = array<i32>} : memref<64xf32, #tpu.memory_space<vmem>>, vector<16xf32>,
        %add3A_312 = arith.addf %get3A_309, %get3A_311 : vector<16xf32>
        %ge3A_313 = arith.constant 0.000000e+00 : f32
        %ge3A_314 = vector.broadcast %ge3A_313 : f32 to vector<16xf32>
        %ge3A_315 = arith.cmpf oge, %add3A_312, %ge3A_314 : vector<16xf32>
        %mul3A_316 = arith.constant 2.000000e-01 : f32
        %mul3A_317 = vector.broadcast %mul3A_316 : f32 to vector<16xf32>
        %mul3A_318 = arith.mulf %mul3A_317, %add3A_312 : vector<16xf32>
        %select_n3A_319 = arith.select %ge3A_315, %add3A_312, %mul3A_318 : vector<16xi1>, vector<16xf32>
        %exp3A_320 = math.exp %select_n3A_319 : vector<16xf32>
        %jit3A_321 = arith.constant 0.000000e+00 : f32
        %broadcast_in_dim3A_322 = vector.broadcast %jit3A_321 : f32 to vector<16xf32>
        %select_n3A_323 = arith.select %lt3A_304, %exp3A_320, %broadcast_in_dim3A_322 : vector<16xi1>, vector<16xf32>
        %swap3A_324 = arith.constant 0 : index
        %swap3A_325 = tpu.vector_load %arg13[%swap3A_324] {strides = array<i32>} : memref<64xf32, #tpu.memory_space<vmem>>, vector<16xf32>,
        tpu.vector_store %arg13[%swap3A_324], %select_n3A_323 {strides = array<i32>} : memref<64xf32, #tpu.memory_space<vmem>>, vector<16xf32>,
        tpu.vector_store_idx %arg24[%get3A_307], %select_n3A_323 {add = true} : memref<10000xf32, #tpu.memory_space<vmem>>[vector<16xi32>], vector<16xf32>,
        %mul3A_326 = arith.constant 512 : i32
        %mul3A_327 = arith.muli %add3A_50, %mul3A_326 : i32
        %add3A_328 = arith.addi %mul3A_23, %mul3A_327 : i32
        %mul3A_329 = arith.constant 64 : i32
        %mul3A_330 = arith.muli %add3A_268, %mul3A_329 : i32
        %add3A_331 = arith.addi %add3A_328, %mul3A_330 : i32
        %add3A_332 = arith.constant 16 : i32
        %add3A_333 = arith.addi %add3A_331, %add3A_332 : i32
        %add3A_334 = vector.broadcast %add3A_333 : i32 to vector<16xi32>
        %add3A_335 = arith.addi %add3A_334, %iota3A : vector<16xi32>
        %lt3A_336 = arith.constant 160000 : i32
        %lt3A_337 = vector.broadcast %lt3A_336 : i32 to vector<16xi32>
        %lt3A_338 = arith.cmpi slt, %add3A_335, %lt3A_337 : vector<16xi32>
        %get3A_339 = arith.index_cast %add3A_268 : i32 to index
        %get3A_340 = arith.constant 16 : index
        %get3A_341 = tpu.vector_load %arg10[%get3A_339, %get3A_340] {strides = array<i32>} : memref<8x64xi32, #tpu.memory_space<vmem>>, vector<16xi32>,
        %get3A_342 = arith.constant 16 : index
        %get3A_343 = tpu.vector_load %arg22[%get3A_342] {strides = array<i32>} : memref<64xf32, #tpu.memory_space<vmem>>, vector<16xf32>,
        %get3A_344 = arith.constant 16 : index
        %get3A_345 = tpu.vector_load %arg23[%get3A_344] {strides = array<i32>} : memref<64xf32, #tpu.memory_space<vmem>>, vector<16xf32>,
        %add3A_346 = arith.addf %get3A_343, %get3A_345 : vector<16xf32>
        %ge3A_347 = arith.constant 0.000000e+00 : f32
        %ge3A_348 = vector.broadcast %ge3A_347 : f32 to vector<16xf32>
        %ge3A_349 = arith.cmpf oge, %add3A_346, %ge3A_348 : vector<16xf32>
        %mul3A_350 = arith.constant 2.000000e-01 : f32
        %mul3A_351 = vector.broadcast %mul3A_350 : f32 to vector<16xf32>
        %mul3A_352 = arith.mulf %mul3A_351, %add3A_346 : vector<16xf32>
        %select_n3A_353 = arith.select %ge3A_349, %add3A_346, %mul3A_352 : vector<16xi1>, vector<16xf32>
        %exp3A_354 = math.exp %select_n3A_353 : vector<16xf32>
        %jit3A_355 = arith.constant 0.000000e+00 : f32
        %broadcast_in_dim3A_356 = vector.broadcast %jit3A_355 : f32 to vector<16xf32>
        %select_n3A_357 = arith.select %lt3A_338, %exp3A_354, %broadcast_in_dim3A_356 : vector<16xi1>, vector<16xf32>
        %swap3A_358 = arith.constant 16 : index
        %swap3A_359 = tpu.vector_load %arg13[%swap3A_358] {strides = array<i32>} : memref<64xf32, #tpu.memory_space<vmem>>, vector<16xf32>,
        tpu.vector_store %arg13[%swap3A_358], %select_n3A_357 {strides = array<i32>} : memref<64xf32, #tpu.memory_space<vmem>>, vector<16xf32>,
        tpu.vector_store_idx %arg24[%get3A_341], %select_n3A_357 {add = true} : memref<10000xf32, #tpu.memory_space<vmem>>[vector<16xi32>], vector<16xf32>,
        %mul3A_360 = arith.constant 512 : i32
        %mul3A_361 = arith.muli %add3A_50, %mul3A_360 : i32
        %add3A_362 = arith.addi %mul3A_23, %mul3A_361 : i32
        %mul3A_363 = arith.constant 64 : i32
        %mul3A_364 = arith.muli %add3A_268, %mul3A_363 : i32
        %add3A_365 = arith.addi %add3A_362, %mul3A_364 : i32
        %add3A_366 = arith.constant 32 : i32
        %add3A_367 = arith.addi %add3A_365, %add3A_366 : i32
        %add3A_368 = vector.broadcast %add3A_367 : i32 to vector<16xi32>
        %add3A_369 = arith.addi %add3A_368, %iota3A : vector<16xi32>
        %lt3A_370 = arith.constant 160000 : i32
        %lt3A_371 = vector.broadcast %lt3A_370 : i32 to vector<16xi32>
        %lt3A_372 = arith.cmpi slt, %add3A_369, %lt3A_371 : vector<16xi32>
        %get3A_373 = arith.index_cast %add3A_268 : i32 to index
        %get3A_374 = arith.constant 32 : index
        %get3A_375 = tpu.vector_load %arg10[%get3A_373, %get3A_374] {strides = array<i32>} : memref<8x64xi32, #tpu.memory_space<vmem>>, vector<16xi32>,
        %get3A_376 = arith.constant 32 : index
        %get3A_377 = tpu.vector_load %arg22[%get3A_376] {strides = array<i32>} : memref<64xf32, #tpu.memory_space<vmem>>, vector<16xf32>,
        %get3A_378 = arith.constant 32 : index
        %get3A_379 = tpu.vector_load %arg23[%get3A_378] {strides = array<i32>} : memref<64xf32, #tpu.memory_space<vmem>>, vector<16xf32>,
        %add3A_380 = arith.addf %get3A_377, %get3A_379 : vector<16xf32>
        %ge3A_381 = arith.constant 0.000000e+00 : f32
        %ge3A_382 = vector.broadcast %ge3A_381 : f32 to vector<16xf32>
        %ge3A_383 = arith.cmpf oge, %add3A_380, %ge3A_382 : vector<16xf32>
        %mul3A_384 = arith.constant 2.000000e-01 : f32
        %mul3A_385 = vector.broadcast %mul3A_384 : f32 to vector<16xf32>
        %mul3A_386 = arith.mulf %mul3A_385, %add3A_380 : vector<16xf32>
        %select_n3A_387 = arith.select %ge3A_383, %add3A_380, %mul3A_386 : vector<16xi1>, vector<16xf32>
        %exp3A_388 = math.exp %select_n3A_387 : vector<16xf32>
        %jit3A_389 = arith.constant 0.000000e+00 : f32
        %broadcast_in_dim3A_390 = vector.broadcast %jit3A_389 : f32 to vector<16xf32>
        %select_n3A_391 = arith.select %lt3A_372, %exp3A_388, %broadcast_in_dim3A_390 : vector<16xi1>, vector<16xf32>
        %swap3A_392 = arith.constant 32 : index
        %swap3A_393 = tpu.vector_load %arg13[%swap3A_392] {strides = array<i32>} : memref<64xf32, #tpu.memory_space<vmem>>, vector<16xf32>,
        tpu.vector_store %arg13[%swap3A_392], %select_n3A_391 {strides = array<i32>} : memref<64xf32, #tpu.memory_space<vmem>>, vector<16xf32>,
        tpu.vector_store_idx %arg24[%get3A_375], %select_n3A_391 {add = true} : memref<10000xf32, #tpu.memory_space<vmem>>[vector<16xi32>], vector<16xf32>,
        %mul3A_394 = arith.constant 512 : i32
        %mul3A_395 = arith.muli %add3A_50, %mul3A_394 : i32
        %add3A_396 = arith.addi %mul3A_23, %mul3A_395 : i32
        %mul3A_397 = arith.constant 64 : i32
        %mul3A_398 = arith.muli %add3A_268, %mul3A_397 : i32
        %add3A_399 = arith.addi %add3A_396, %mul3A_398 : i32
        %add3A_400 = arith.constant 48 : i32
        %add3A_401 = arith.addi %add3A_399, %add3A_400 : i32
        %add3A_402 = vector.broadcast %add3A_401 : i32 to vector<16xi32>
        %add3A_403 = arith.addi %add3A_402, %iota3A : vector<16xi32>
        %lt3A_404 = arith.constant 160000 : i32
        %lt3A_405 = vector.broadcast %lt3A_404 : i32 to vector<16xi32>
        %lt3A_406 = arith.cmpi slt, %add3A_403, %lt3A_405 : vector<16xi32>
        %get3A_407 = arith.index_cast %add3A_268 : i32 to index
        %get3A_408 = arith.constant 48 : index
        %get3A_409 = tpu.vector_load %arg10[%get3A_407, %get3A_408] {strides = array<i32>} : memref<8x64xi32, #tpu.memory_space<vmem>>, vector<16xi32>,
        %get3A_410 = arith.constant 48 : index
        %get3A_411 = tpu.vector_load %arg22[%get3A_410] {strides = array<i32>} : memref<64xf32, #tpu.memory_space<vmem>>, vector<16xf32>,
        %get3A_412 = arith.constant 48 : index
        %get3A_413 = tpu.vector_load %arg23[%get3A_412] {strides = array<i32>} : memref<64xf32, #tpu.memory_space<vmem>>, vector<16xf32>,
        %add3A_414 = arith.addf %get3A_411, %get3A_413 : vector<16xf32>
        %ge3A_415 = arith.constant 0.000000e+00 : f32
        %ge3A_416 = vector.broadcast %ge3A_415 : f32 to vector<16xf32>
        %ge3A_417 = arith.cmpf oge, %add3A_414, %ge3A_416 : vector<16xf32>
        %mul3A_418 = arith.constant 2.000000e-01 : f32
        %mul3A_419 = vector.broadcast %mul3A_418 : f32 to vector<16xf32>
        %mul3A_420 = arith.mulf %mul3A_419, %add3A_414 : vector<16xf32>
        %select_n3A_421 = arith.select %ge3A_417, %add3A_414, %mul3A_420 : vector<16xi1>, vector<16xf32>
        %exp3A_422 = math.exp %select_n3A_421 : vector<16xf32>
        %jit3A_423 = arith.constant 0.000000e+00 : f32
        %broadcast_in_dim3A_424 = vector.broadcast %jit3A_423 : f32 to vector<16xf32>
        %select_n3A_425 = arith.select %lt3A_406, %exp3A_422, %broadcast_in_dim3A_424 : vector<16xi1>, vector<16xf32>
        %swap3A_426 = arith.constant 48 : index
        %swap3A_427 = tpu.vector_load %arg13[%swap3A_426] {strides = array<i32>} : memref<64xf32, #tpu.memory_space<vmem>>, vector<16xf32>,
        tpu.vector_store %arg13[%swap3A_426], %select_n3A_425 {strides = array<i32>} : memref<64xf32, #tpu.memory_space<vmem>>, vector<16xf32>,
        tpu.vector_store_idx %arg24[%get3A_409], %select_n3A_425 {add = true} : memref<10000xf32, #tpu.memory_space<vmem>>[vector<16xi32>], vector<16xf32>,
        %scan3A_428 = arith.constant 0 : i32
        %scan3A_429 = arith.constant 64 : i32
        %scan3A_430 = arith.addi %scan3A_428, %scan3A_429 : i32
        %scan3A_431 = arith.constant 1 : i32
        scf.for %scan3A_439 = %scan3A_428 to %scan3A_430 step %scan3A_431  : i32 {
          %mul3A_440 = arith.constant 1 : i32
          %mul3A_441 = arith.muli %scan3A_439, %mul3A_440 : i32
          %add3A_442 = arith.constant 0 : i32
          %add3A_443 = arith.addi %add3A_442, %mul3A_441 : i32
          %broadcast_in_dim3A_444 = vector.broadcast %add3A_443 : i32 to vector<16xi32>
          %gather3A = tpu.vector_load_idx %arg13[%broadcast_in_dim3A_444] : memref<64xf32, #tpu.memory_space<vmem>>[vector<16xi32>], vector<16xf32>,
          %get3A_445 = arith.index_cast %add3A_443 : i32 to index
          %get3A_446 = arith.constant 0 : index
          %get3A_447 = tpu.vector_load %arg12[%get3A_445, %get3A_446] {strides = array<i32>} : memref<64x128xf32, #tpu.memory_space<vmem>>, vector<16xf32>,
          %mul3A_448 = arith.mulf %get3A_447, %gather3A : vector<16xf32>
          %swap3A_449 = arith.index_cast %add3A_443 : i32 to index
          %swap3A_450 = arith.constant 0 : index
          %swap3A_451 = tpu.vector_load %arg12[%swap3A_449, %swap3A_450] {strides = array<i32>} : memref<64x128xf32, #tpu.memory_space<vmem>>, vector<16xf32>,
          tpu.vector_store %arg12[%swap3A_449, %swap3A_450], %mul3A_448 {strides = array<i32>} : memref<64x128xf32, #tpu.memory_space<vmem>>, vector<16xf32>,
          %get3A_452 = arith.index_cast %add3A_443 : i32 to index
          %get3A_453 = arith.constant 16 : index
          %get3A_454 = tpu.vector_load %arg12[%get3A_452, %get3A_453] {strides = array<i32>} : memref<64x128xf32, #tpu.memory_space<vmem>>, vector<16xf32>,
          %mul3A_455 = arith.mulf %get3A_454, %gather3A : vector<16xf32>
          %swap3A_456 = arith.index_cast %add3A_443 : i32 to index
          %swap3A_457 = arith.constant 16 : index
          %swap3A_458 = tpu.vector_load %arg12[%swap3A_456, %swap3A_457] {strides = array<i32>} : memref<64x128xf32, #tpu.memory_space<vmem>>, vector<16xf32>,
          tpu.vector_store %arg12[%swap3A_456, %swap3A_457], %mul3A_455 {strides = array<i32>} : memref<64x128xf32, #tpu.memory_space<vmem>>, vector<16xf32>,
          %get3A_459 = arith.index_cast %add3A_443 : i32 to index
          %get3A_460 = arith.constant 32 : index
          %get3A_461 = tpu.vector_load %arg12[%get3A_459, %get3A_460] {strides = array<i32>} : memref<64x128xf32, #tpu.memory_space<vmem>>, vector<16xf32>,
          %mul3A_462 = arith.mulf %get3A_461, %gather3A : vector<16xf32>
          %swap3A_463 = arith.index_cast %add3A_443 : i32 to index
          %swap3A_464 = arith.constant 32 : index
          %swap3A_465 = tpu.vector_load %arg12[%swap3A_463, %swap3A_464] {strides = array<i32>} : memref<64x128xf32, #tpu.memory_space<vmem>>, vector<16xf32>,
          tpu.vector_store %arg12[%swap3A_463, %swap3A_464], %mul3A_462 {strides = array<i32>} : memref<64x128xf32, #tpu.memory_space<vmem>>, vector<16xf32>,
          %get3A_466 = arith.index_cast %add3A_443 : i32 to index
          %get3A_467 = arith.constant 48 : index
          %get3A_468 = tpu.vector_load %arg12[%get3A_466, %get3A_467] {strides = array<i32>} : memref<64x128xf32, #tpu.memory_space<vmem>>, vector<16xf32>,
          %mul3A_469 = arith.mulf %get3A_468, %gather3A : vector<16xf32>
          %swap3A_470 = arith.index_cast %add3A_443 : i32 to index
          %swap3A_471 = arith.constant 48 : index
          %swap3A_472 = tpu.vector_load %arg12[%swap3A_470, %swap3A_471] {strides = array<i32>} : memref<64x128xf32, #tpu.memory_space<vmem>>, vector<16xf32>,
          tpu.vector_store %arg12[%swap3A_470, %swap3A_471], %mul3A_469 {strides = array<i32>} : memref<64x128xf32, #tpu.memory_space<vmem>>, vector<16xf32>,
          %get3A_473 = arith.index_cast %add3A_443 : i32 to index
          %get3A_474 = arith.constant 64 : index
          %get3A_475 = tpu.vector_load %arg12[%get3A_473, %get3A_474] {strides = array<i32>} : memref<64x128xf32, #tpu.memory_space<vmem>>, vector<16xf32>,
          %mul3A_476 = arith.mulf %get3A_475, %gather3A : vector<16xf32>
          %swap3A_477 = arith.index_cast %add3A_443 : i32 to index
          %swap3A_478 = arith.constant 64 : index
          %swap3A_479 = tpu.vector_load %arg12[%swap3A_477, %swap3A_478] {strides = array<i32>} : memref<64x128xf32, #tpu.memory_space<vmem>>, vector<16xf32>,
          tpu.vector_store %arg12[%swap3A_477, %swap3A_478], %mul3A_476 {strides = array<i32>} : memref<64x128xf32, #tpu.memory_space<vmem>>, vector<16xf32>,
          %get3A_480 = arith.index_cast %add3A_443 : i32 to index
          %get3A_481 = arith.constant 80 : index
          %get3A_482 = tpu.vector_load %arg12[%get3A_480, %get3A_481] {strides = array<i32>} : memref<64x128xf32, #tpu.memory_space<vmem>>, vector<16xf32>,
          %mul3A_483 = arith.mulf %get3A_482, %gather3A : vector<16xf32>
          %swap3A_484 = arith.index_cast %add3A_443 : i32 to index
          %swap3A_485 = arith.constant 80 : index
          %swap3A_486 = tpu.vector_load %arg12[%swap3A_484, %swap3A_485] {strides = array<i32>} : memref<64x128xf32, #tpu.memory_space<vmem>>, vector<16xf32>,
          tpu.vector_store %arg12[%swap3A_484, %swap3A_485], %mul3A_483 {strides = array<i32>} : memref<64x128xf32, #tpu.memory_space<vmem>>, vector<16xf32>,
          %get3A_487 = arith.index_cast %add3A_443 : i32 to index
          %get3A_488 = arith.constant 96 : index
          %get3A_489 = tpu.vector_load %arg12[%get3A_487, %get3A_488] {strides = array<i32>} : memref<64x128xf32, #tpu.memory_space<vmem>>, vector<16xf32>,
          %mul3A_490 = arith.mulf %get3A_489, %gather3A : vector<16xf32>
          %swap3A_491 = arith.index_cast %add3A_443 : i32 to index
          %swap3A_492 = arith.constant 96 : index
          %swap3A_493 = tpu.vector_load %arg12[%swap3A_491, %swap3A_492] {strides = array<i32>} : memref<64x128xf32, #tpu.memory_space<vmem>>, vector<16xf32>,
          tpu.vector_store %arg12[%swap3A_491, %swap3A_492], %mul3A_490 {strides = array<i32>} : memref<64x128xf32, #tpu.memory_space<vmem>>, vector<16xf32>,
          %get3A_494 = arith.index_cast %add3A_443 : i32 to index
          %get3A_495 = arith.constant 112 : index
          %get3A_496 = tpu.vector_load %arg12[%get3A_494, %get3A_495] {strides = array<i32>} : memref<64x128xf32, #tpu.memory_space<vmem>>, vector<16xf32>,
          %mul3A_497 = arith.mulf %get3A_496, %gather3A : vector<16xf32>
          %swap3A_498 = arith.index_cast %add3A_443 : i32 to index
          %swap3A_499 = arith.constant 112 : index
          %swap3A_500 = tpu.vector_load %arg12[%swap3A_498, %swap3A_499] {strides = array<i32>} : memref<64x128xf32, #tpu.memory_space<vmem>>, vector<16xf32>,
          tpu.vector_store %arg12[%swap3A_498, %swap3A_499], %mul3A_497 {strides = array<i32>} : memref<64x128xf32, #tpu.memory_space<vmem>>, vector<16xf32>,
        }
        %scan3A_432 = arith.constant 64 : i32
        %dma_start3A_433 = arith.constant 0 : i32
        %dma_start3A_434 = tpu.memref_slice %arg10[%add3A_268, %dma_start3A_433] : memref<8x64xi32, #tpu.memory_space<vmem>> -> memref<1x64xi32, #tpu.memory_space<vmem>>
        %dma_start3A_435 = tpu.memref_squeeze %dma_start3A_434 : memref<1x64xi32, #tpu.memory_space<vmem>> -> memref<64xi32, #tpu.memory_space<vmem>>
        %dma_start3A_436 = arith.constant 0 : i32
        %dma_start3A_437 = arith.constant 0 : i32
        %dma_start3A_438 = tpu.memref_slice %arg19[%dma_start3A_436, %dma_start3A_437] : memref<10000x128xf32, #tpu.memory_space<vmem_shared>> -> memref<10000x128xf32, #tpu.memory_space<vmem_shared>>
        tpu.enqueue_indirect_dma source(%arg12 : memref<64x128xf32, #tpu.memory_space<vmem>>) target(%dma_start3A_438 : memref<10000x128xf32, #tpu.memory_space<vmem_shared>>) offsets(%dma_start3A_435 : memref<64xi32, #tpu.memory_space<vmem>>) semaphore(%arg18 : memref<!tpu.dma_semaphore, #tpu.memory_space<semaphore_mem>>) {add = true}
      }
      %scan3A_79 = arith.constant 4 : i32
      %dma_wait3A = arith.constant 0 : i32
      %dma_wait3A_80 = arith.constant 0 : i32
      %dma_wait3A_81 = tpu.memref_slice %arg10[%dma_wait3A, %dma_wait3A_80] : memref<8x64xi32, #tpu.memory_space<vmem>> -> memref<1x64xi32, #tpu.memory_space<vmem>>
      %dma_wait3A_82 = tpu.memref_squeeze %dma_wait3A_81 : memref<1x64xi32, #tpu.memory_space<vmem>> -> memref<64xi32, #tpu.memory_space<vmem>>
      %dma_wait3A_83 = arith.constant 0 : i32
      %dma_wait3A_84 = arith.constant 0 : i32
      %dma_wait3A_85 = tpu.memref_slice %arg19[%dma_wait3A_83, %dma_wait3A_84] : memref<10000x128xf32, #tpu.memory_space<vmem_shared>> -> memref<10000x128xf32, #tpu.memory_space<vmem_shared>>
      tpu.wait_indirect_dma semaphore(%arg17 : memref<!tpu.dma_semaphore, #tpu.memory_space<semaphore_mem>>) src(%arg11 : memref<64x128xf32, #tpu.memory_space<vmem>>) dst(%dma_wait3A_85 : memref<10000x128xf32, #tpu.memory_space<vmem_shared>>)
      %dma_wait3A_86 = arith.constant 0 : i32
      %dma_wait3A_87 = arith.constant 0 : i32
      %dma_wait3A_88 = tpu.memref_slice %arg10[%dma_wait3A_86, %dma_wait3A_87] : memref<8x64xi32, #tpu.memory_space<vmem>> -> memref<1x64xi32, #tpu.memory_space<vmem>>
      %dma_wait3A_89 = tpu.memref_squeeze %dma_wait3A_88 : memref<1x64xi32, #tpu.memory_space<vmem>> -> memref<64xi32, #tpu.memory_space<vmem>>
      %dma_wait3A_90 = arith.constant 0 : i32
      %dma_wait3A_91 = arith.constant 0 : i32
      %dma_wait3A_92 = tpu.memref_slice %arg19[%dma_wait3A_90, %dma_wait3A_91] : memref<10000x128xf32, #tpu.memory_space<vmem_shared>> -> memref<10000x128xf32, #tpu.memory_space<vmem_shared>>
      tpu.wait_indirect_dma semaphore(%arg18 : memref<!tpu.dma_semaphore, #tpu.memory_space<semaphore_mem>>) src(%arg12 : memref<64x128xf32, #tpu.memory_space<vmem>>) dst(%dma_wait3A_92 : memref<10000x128xf32, #tpu.memory_space<vmem_shared>>)
    }
    %scan3A_28 = arith.constant 10 : i32
    %mul3A_29 = arith.constant 1 : i32
    %mul3A_30 = arith.muli %add3A, %mul3A_29 : i32
    %add3A_31 = arith.constant 0 : i32
    %add3A_32 = arith.addi %mul3A_30, %add3A_31 : i32
    %mul3A_33 = arith.constant 10000 : i32
    %mul3A_34 = arith.muli %add3A_32, %mul3A_33 : i32
    "tpu.region"() ({
      %run_scoped3A = tpu.sem_alloc : memref<!tpu.dma_semaphore, #tpu.memory_space<semaphore_mem>>
      %dma_start3A = tpu.memref_slice %arg8[%mul3A_34] : memref<320000xf32, #tpu.memory_space<hbm>> -> memref<10000xf32, #tpu.memory_space<hbm>>
      %dma_start3A_46 = tpu.memref_slice %arg8[%mul3A_34] : memref<320000xf32, #tpu.memory_space<hbm>> -> memref<10000xf32, #tpu.memory_space<hbm>>
      tpu.enqueue_dma source(%arg24 : memref<10000xf32, #tpu.memory_space<vmem>>) target(%dma_start3A_46 : memref<10000xf32, #tpu.memory_space<hbm>>) target_semaphore(%run_scoped3A : memref<!tpu.dma_semaphore, #tpu.memory_space<semaphore_mem>>)
      %dma_wait3A = tpu.memref_slice %arg8[%mul3A_34] : memref<320000xf32, #tpu.memory_space<hbm>> -> memref<10000xf32, #tpu.memory_space<hbm>>
      %dma_wait3A_47 = tpu.memref_slice %arg8[%mul3A_34] : memref<320000xf32, #tpu.memory_space<hbm>> -> memref<10000xf32, #tpu.memory_space<hbm>>
      tpu.wait_dma2 semaphore(%run_scoped3A : memref<!tpu.dma_semaphore, #tpu.memory_space<semaphore_mem>>) src(%arg24 : memref<10000xf32, #tpu.memory_space<vmem>>) dst(%dma_wait3A_47 : memref<10000xf32, #tpu.memory_space<hbm>>)
      tpu.yield
    }) : () -> ()
    %barrier3A_35 = arith.constant 0 : index
    tpu.barrier barrier_id(%barrier3A_35)
    %scan3A_36 = arith.constant 0 : i32
    %scan3A_37 = arith.constant 3 : i32
    %scan3A_38 = arith.addi %scan3A_36, %scan3A_37 : i32
    %scan3A_39 = arith.constant 1 : i32
    scf.for %scan3A_46 = %scan3A_36 to %scan3A_38 step %scan3A_39  : i32 {
      %mul3A_47 = arith.constant 1 : i32
      %mul3A_48 = arith.muli %scan3A_46, %mul3A_47 : i32
      %add3A_49 = arith.constant 0 : i32
      %add3A_50 = arith.addi %add3A_49, %mul3A_48 : i32
      %mul3A_51 = arith.constant 624 : i32
      %mul3A_52 = arith.muli %arg1, %mul3A_51 : i32
      %mul3A_53 = arith.constant 208 : i32
      %mul3A_54 = arith.muli %add3A_50, %mul3A_53 : i32
      %add3A_55 = arith.addi %mul3A_52, %mul3A_54 : i32
      %mul3A_56 = arith.constant 10000 : i32
      %mul3A_57 = arith.muli %arg0, %mul3A_56 : i32
      %add3A_58 = arith.addi %mul3A_57, %add3A_55 : i32
      "tpu.region"() ({
        %run_scoped3A = tpu.sem_alloc : memref<!tpu.dma_semaphore, #tpu.memory_space<semaphore_mem>>
        %dma_start3A = arith.constant 0 : i32
        %dma_start3A_59 = tpu.memref_slice %arg7[%add3A_58, %dma_start3A] : memref<20000x128xf32, #tpu.memory_space<hbm>> -> memref<208x128xf32, #tpu.memory_space<hbm>>
        %dma_start3A_60 = arith.constant 0 : i32
        %dma_start3A_61 = tpu.memref_slice %arg19[%add3A_55, %dma_start3A_60] : memref<10000x128xf32, #tpu.memory_space<vmem_shared>> -> memref<208x128xf32, #tpu.memory_space<vmem_shared>>
        tpu.enqueue_dma source(%dma_start3A_61 : memref<208x128xf32, #tpu.memory_space<vmem_shared>>) target(%dma_start3A_59 : memref<208x128xf32, #tpu.memory_space<hbm>>) target_semaphore(%run_scoped3A : memref<!tpu.dma_semaphore, #tpu.memory_space<semaphore_mem>>)
        %dma_wait3A = arith.constant 0 : i32
        %dma_wait3A_62 = tpu.memref_slice %arg7[%add3A_58, %dma_wait3A] : memref<20000x128xf32, #tpu.memory_space<hbm>> -> memref<208x128xf32, #tpu.memory_space<hbm>>
        %dma_wait3A_63 = arith.constant 0 : i32
        %dma_wait3A_64 = tpu.memref_slice %arg19[%add3A_55, %dma_wait3A_63] : memref<10000x128xf32, #tpu.memory_space<vmem_shared>> -> memref<208x128xf32, #tpu.memory_space<vmem_shared>>
        tpu.wait_dma2 semaphore(%run_scoped3A : memref<!tpu.dma_semaphore, #tpu.memory_space<semaphore_mem>>) src(%dma_wait3A_64 : memref<208x128xf32, #tpu.memory_space<vmem_shared>>) dst(%dma_wait3A_62 : memref<208x128xf32, #tpu.memory_space<hbm>>)
        tpu.yield
      }) : () -> ()
    }
    %scan3A_40 = arith.constant 3 : i32
    %eq3A_41 = arith.constant 15 : i32
    %eq3A_42 = arith.cmpi eq, %arg1, %eq3A_41 : i32
    %convert_element_type3A_43 = arith.extui %eq3A_42 : i1 to i32
    %cond3A_44 = arith.constant 0 : i32
    %cond3A_45 = arith.cmpi ne, %convert_element_type3A_43, %cond3A_44 : i32
    scf.if %cond3A_45 {
      %mul3A_46 = arith.constant 10000 : i32
      %mul3A_47 = arith.muli %arg0, %mul3A_46 : i32
      %add3A_48 = arith.constant 9984 : i32
      %add3A_49 = arith.addi %mul3A_47, %add3A_48 : i32
      "tpu.region"() ({
        %run_scoped3A = tpu.sem_alloc : memref<!tpu.dma_semaphore, #tpu.memory_space<semaphore_mem>>
        %dma_start3A = arith.constant 0 : i32
        %dma_start3A_50 = tpu.memref_slice %arg7[%add3A_49, %dma_start3A] : memref<20000x128xf32, #tpu.memory_space<hbm>> -> memref<16x128xf32, #tpu.memory_space<hbm>>
        %dma_start3A_51 = arith.constant 9984 : i32
        %dma_start3A_52 = arith.constant 0 : i32
        %dma_start3A_53 = tpu.memref_slice %arg19[%dma_start3A_51, %dma_start3A_52] : memref<10000x128xf32, #tpu.memory_space<vmem_shared>> -> memref<16x128xf32, #tpu.memory_space<vmem_shared>>
        tpu.enqueue_dma source(%dma_start3A_53 : memref<16x128xf32, #tpu.memory_space<vmem_shared>>) target(%dma_start3A_50 : memref<16x128xf32, #tpu.memory_space<hbm>>) target_semaphore(%run_scoped3A : memref<!tpu.dma_semaphore, #tpu.memory_space<semaphore_mem>>)
        %dma_wait3A = arith.constant 0 : i32
        %dma_wait3A_54 = tpu.memref_slice %arg7[%add3A_49, %dma_wait3A] : memref<20000x128xf32, #tpu.memory_space<hbm>> -> memref<16x128xf32, #tpu.memory_space<hbm>>
        %dma_wait3A_55 = arith.constant 9984 : i32
        %dma_wait3A_56 = arith.constant 0 : i32
        %dma_wait3A_57 = tpu.memref_slice %arg19[%dma_wait3A_55, %dma_wait3A_56] : memref<10000x128xf32, #tpu.memory_space<vmem_shared>> -> memref<16x128xf32, #tpu.memory_space<vmem_shared>>
        tpu.wait_dma2 semaphore(%run_scoped3A : memref<!tpu.dma_semaphore, #tpu.memory_space<semaphore_mem>>) src(%dma_wait3A_57 : memref<16x128xf32, #tpu.memory_space<vmem_shared>>) dst(%dma_wait3A_54 : memref<16x128xf32, #tpu.memory_space<hbm>>)
        tpu.yield
      }) : () -> ()
    } else {
    }
    return
  }
}

#map = affine_map<(d0, d1) -> (0, 0)>
#map1 = affine_map<(d0, d1) -> (0)>
#map2 = affine_map<(d0, d1) -> (0, 0, 0)>
module attributes {stable_mosaic.version = 14 : i64} {
  func.func @edge_kernel(%arg0: i32, %arg1: i32, %arg2: memref<10000x128xf32, #tpu.memory_space<hbm>>, %arg3: memref<10000xf32, #tpu.memory_space<hbm>>, %arg4: memref<10000xf32, #tpu.memory_space<hbm>>, %arg5: memref<10000xf32, #tpu.memory_space<hbm>>, %arg6: memref<10000xf32, #tpu.memory_space<hbm>>, %arg7: memref<320x8x64xi32, #tpu.memory_space<hbm>>, %arg8: memref<320x8x64xi32, #tpu.memory_space<hbm>>, %arg9: memref<20000x128xf32, #tpu.memory_space<hbm>>, %arg10: memref<640000xf32, #tpu.memory_space<hbm>>, %arg11: memref<8x64xi32, #tpu.memory_space<vmem>>, %arg12: memref<8x64xi32, #tpu.memory_space<vmem>>, %arg13: memref<64x128xf32, #tpu.memory_space<vmem>>, %arg14: memref<64x128xf32, #tpu.memory_space<vmem>>, %arg15: memref<64xf32, #tpu.memory_space<vmem>>, %arg16: memref<64xf32, #tpu.memory_space<vmem>>, %arg17: memref<!tpu.dma_semaphore, #tpu.memory_space<semaphore_mem>>, %arg18: memref<!tpu.dma_semaphore, #tpu.memory_space<semaphore_mem>>, %arg19: memref<!tpu.dma_semaphore, #tpu.memory_space<semaphore_mem>>, %arg20: memref<!tpu.dma_semaphore, #tpu.memory_space<semaphore_mem>>, %arg21: memref<10000x128xf32, #tpu.memory_space<vmem_shared>>, %arg22: memref<64xf32, #tpu.memory_space<vmem>>, %arg23: memref<64xf32, #tpu.memory_space<vmem>>, %arg24: memref<64xf32, #tpu.memory_space<vmem>>, %arg25: memref<64xf32, #tpu.memory_space<vmem>>, %arg26: memref<64xf32, #tpu.memory_space<vmem>>, %arg27: memref<64xf32, #tpu.memory_space<vmem>>, %arg28: memref<64xf32, #tpu.memory_space<vmem>>, %arg29: memref<64xf32, #tpu.memory_space<vmem>>, %arg30: memref<10000xf32, #tpu.memory_space<vmem>>, %arg31: memref<10000xf32, #tpu.memory_space<vmem>>) attributes {dimension_semantics = [#tpu.dimension_semantics<core_parallel>, #tpu.dimension_semantics<subcore_parallel>], iteration_bounds = array<i64: 2, 16>, scalar_prefetch = 0 : i64, scratch_operands = 21 : i64, tpu.core_type = #tpu.core_type<sc_vector_subcore>, window_params = [{transform_indices = #map}, {transform_indices = #map1}, {transform_indices = #map1}, {transform_indices = #map1}, {transform_indices = #map1}, {transform_indices = #map2}, {transform_indices = #map2}, {transform_indices = #map}, {transform_indices = #map1}]} {
    %mul3A = arith.constant 16 : i32
    %mul3A_0 = arith.muli %arg0, %mul3A : i32
    %add3A = arith.addi %mul3A_0, %arg1 : i32
    %broadcast_in_dim3A = arith.constant 0.000000e+00 : f32
    %broadcast_in_dim3A_1 = vector.broadcast %broadcast_in_dim3A : f32 to vector<16xf32>
    %scan3A = arith.constant 0 : i32
    %scan3A_2 = arith.constant 64 : i32
    %scan3A_3 = arith.addi %scan3A, %scan3A_2 : i32
    %scan3A_4 = arith.constant 1 : i32
    scf.for %scan3A_52 = %scan3A to %scan3A_3 step %scan3A_4  : i32 {
      %mul3A_53 = arith.constant 1 : i32
      %mul3A_54 = arith.muli %scan3A_52, %mul3A_53 : i32
      %add3A_55 = arith.constant 0 : i32
      %add3A_56 = arith.addi %add3A_55, %mul3A_54 : i32
      %swap3A = arith.index_cast %add3A_56 : i32 to index
      %swap3A_57 = arith.constant 0 : index
      %swap3A_58 = tpu.vector_load %arg13[%swap3A, %swap3A_57] {strides = array<i32>} : memref<64x128xf32, #tpu.memory_space<vmem>>, vector<16xf32>,
      tpu.vector_store %arg13[%swap3A, %swap3A_57], %broadcast_in_dim3A_1 {strides = array<i32>} : memref<64x128xf32, #tpu.memory_space<vmem>>, vector<16xf32>,
      %swap3A_59 = arith.index_cast %add3A_56 : i32 to index
      %swap3A_60 = arith.constant 16 : index
      %swap3A_61 = tpu.vector_load %arg13[%swap3A_59, %swap3A_60] {strides = array<i32>} : memref<64x128xf32, #tpu.memory_space<vmem>>, vector<16xf32>,
      tpu.vector_store %arg13[%swap3A_59, %swap3A_60], %broadcast_in_dim3A_1 {strides = array<i32>} : memref<64x128xf32, #tpu.memory_space<vmem>>, vector<16xf32>,
      %swap3A_62 = arith.index_cast %add3A_56 : i32 to index
      %swap3A_63 = arith.constant 32 : index
      %swap3A_64 = tpu.vector_load %arg13[%swap3A_62, %swap3A_63] {strides = array<i32>} : memref<64x128xf32, #tpu.memory_space<vmem>>, vector<16xf32>,
      tpu.vector_store %arg13[%swap3A_62, %swap3A_63], %broadcast_in_dim3A_1 {strides = array<i32>} : memref<64x128xf32, #tpu.memory_space<vmem>>, vector<16xf32>,
      %swap3A_65 = arith.index_cast %add3A_56 : i32 to index
      %swap3A_66 = arith.constant 48 : index
      %swap3A_67 = tpu.vector_load %arg13[%swap3A_65, %swap3A_66] {strides = array<i32>} : memref<64x128xf32, #tpu.memory_space<vmem>>, vector<16xf32>,
      tpu.vector_store %arg13[%swap3A_65, %swap3A_66], %broadcast_in_dim3A_1 {strides = array<i32>} : memref<64x128xf32, #tpu.memory_space<vmem>>, vector<16xf32>,
      %swap3A_68 = arith.index_cast %add3A_56 : i32 to index
      %swap3A_69 = arith.constant 64 : index
      %swap3A_70 = tpu.vector_load %arg13[%swap3A_68, %swap3A_69] {strides = array<i32>} : memref<64x128xf32, #tpu.memory_space<vmem>>, vector<16xf32>,
      tpu.vector_store %arg13[%swap3A_68, %swap3A_69], %broadcast_in_dim3A_1 {strides = array<i32>} : memref<64x128xf32, #tpu.memory_space<vmem>>, vector<16xf32>,
      %swap3A_71 = arith.index_cast %add3A_56 : i32 to index
      %swap3A_72 = arith.constant 80 : index
      %swap3A_73 = tpu.vector_load %arg13[%swap3A_71, %swap3A_72] {strides = array<i32>} : memref<64x128xf32, #tpu.memory_space<vmem>>, vector<16xf32>,
      tpu.vector_store %arg13[%swap3A_71, %swap3A_72], %broadcast_in_dim3A_1 {strides = array<i32>} : memref<64x128xf32, #tpu.memory_space<vmem>>, vector<16xf32>,
      %swap3A_74 = arith.index_cast %add3A_56 : i32 to index
      %swap3A_75 = arith.constant 96 : index
      %swap3A_76 = tpu.vector_load %arg13[%swap3A_74, %swap3A_75] {strides = array<i32>} : memref<64x128xf32, #tpu.memory_space<vmem>>, vector<16xf32>,
      tpu.vector_store %arg13[%swap3A_74, %swap3A_75], %broadcast_in_dim3A_1 {strides = array<i32>} : memref<64x128xf32, #tpu.memory_space<vmem>>, vector<16xf32>,
      %swap3A_77 = arith.index_cast %add3A_56 : i32 to index
      %swap3A_78 = arith.constant 112 : index
      %swap3A_79 = tpu.vector_load %arg13[%swap3A_77, %swap3A_78] {strides = array<i32>} : memref<64x128xf32, #tpu.memory_space<vmem>>, vector<16xf32>,
      tpu.vector_store %arg13[%swap3A_77, %swap3A_78], %broadcast_in_dim3A_1 {strides = array<i32>} : memref<64x128xf32, #tpu.memory_space<vmem>>, vector<16xf32>,
    }
    %scan3A_5 = arith.constant 64 : i32
    %scan3A_6 = arith.constant 0 : i32
    %scan3A_7 = arith.constant 625 : i32
    %scan3A_8 = arith.addi %scan3A_6, %scan3A_7 : i32
    %scan3A_9 = arith.constant 1 : i32
    scf.for %scan3A_52 = %scan3A_6 to %scan3A_8 step %scan3A_9  : i32 {
      %mul3A_53 = arith.constant 1 : i32
      %mul3A_54 = arith.muli %scan3A_52, %mul3A_53 : i32
      %add3A_55 = arith.constant 0 : i32
      %add3A_56 = arith.addi %add3A_55, %mul3A_54 : i32
      %mul3A_57 = arith.constant 16 : i32
      %mul3A_58 = arith.muli %add3A_56, %mul3A_57 : i32
      %swap3A = arith.index_cast %mul3A_58 : i32 to index
      %swap3A_59 = tpu.vector_load %arg30[%swap3A] {strides = array<i32>} : memref<10000xf32, #tpu.memory_space<vmem>>, vector<16xf32>,
      tpu.vector_store %arg30[%swap3A], %broadcast_in_dim3A_1 {strides = array<i32>} : memref<10000xf32, #tpu.memory_space<vmem>>, vector<16xf32>,
      %mul3A_60 = arith.constant 16 : i32
      %mul3A_61 = arith.muli %add3A_56, %mul3A_60 : i32
      %swap3A_62 = arith.index_cast %mul3A_61 : i32 to index
      %swap3A_63 = tpu.vector_load %arg31[%swap3A_62] {strides = array<i32>} : memref<10000xf32, #tpu.memory_space<vmem>>, vector<16xf32>,
      tpu.vector_store %arg31[%swap3A_62], %broadcast_in_dim3A_1 {strides = array<i32>} : memref<10000xf32, #tpu.memory_space<vmem>>, vector<16xf32>,
    }
    %scan3A_10 = arith.constant 625 : i32
    %scan3A_11 = arith.constant 0 : i32
    %scan3A_12 = arith.constant 9 : i32
    %scan3A_13 = arith.addi %scan3A_11, %scan3A_12 : i32
    %scan3A_14 = arith.constant 1 : i32
    scf.for %scan3A_52 = %scan3A_11 to %scan3A_13 step %scan3A_14  : i32 {
      %mul3A_53 = arith.constant 1 : i32
      %mul3A_54 = arith.muli %scan3A_52, %mul3A_53 : i32
      %add3A_55 = arith.constant 0 : i32
      %add3A_56 = arith.addi %add3A_55, %mul3A_54 : i32
      %mul3A_57 = arith.constant 624 : i32
      %mul3A_58 = arith.muli %arg1, %mul3A_57 : i32
      %mul3A_59 = arith.constant 64 : i32
      %mul3A_60 = arith.muli %add3A_56, %mul3A_59 : i32
      %add3A_61 = arith.addi %mul3A_58, %mul3A_60 : i32
      "tpu.region"() ({
        %run_scoped3A = tpu.sem_alloc : memref<!tpu.dma_semaphore, #tpu.memory_space<semaphore_mem>>
        %dma_start3A = arith.constant 0 : i32
        %dma_start3A_62 = tpu.memref_slice %arg21[%add3A_61, %dma_start3A] : memref<10000x128xf32, #tpu.memory_space<vmem_shared>> -> memref<64x128xf32, #tpu.memory_space<vmem_shared>>
        %dma_start3A_63 = arith.constant 0 : i32
        %dma_start3A_64 = tpu.memref_slice %arg21[%add3A_61, %dma_start3A_63] : memref<10000x128xf32, #tpu.memory_space<vmem_shared>> -> memref<64x128xf32, #tpu.memory_space<vmem_shared>>
        tpu.enqueue_dma source(%arg13 : memref<64x128xf32, #tpu.memory_space<vmem>>) target(%dma_start3A_64 : memref<64x128xf32, #tpu.memory_space<vmem_shared>>) target_semaphore(%run_scoped3A : memref<!tpu.dma_semaphore, #tpu.memory_space<semaphore_mem>>)
        %dma_wait3A = arith.constant 0 : i32
        %dma_wait3A_65 = tpu.memref_slice %arg21[%add3A_61, %dma_wait3A] : memref<10000x128xf32, #tpu.memory_space<vmem_shared>> -> memref<64x128xf32, #tpu.memory_space<vmem_shared>>
        %dma_wait3A_66 = arith.constant 0 : i32
        %dma_wait3A_67 = tpu.memref_slice %arg21[%add3A_61, %dma_wait3A_66] : memref<10000x128xf32, #tpu.memory_space<vmem_shared>> -> memref<64x128xf32, #tpu.memory_space<vmem_shared>>
        tpu.wait_dma2 semaphore(%run_scoped3A : memref<!tpu.dma_semaphore, #tpu.memory_space<semaphore_mem>>) src(%arg13 : memref<64x128xf32, #tpu.memory_space<vmem>>) dst(%dma_wait3A_67 : memref<64x128xf32, #tpu.memory_space<vmem_shared>>)
        tpu.yield
      }) : () -> ()
    }
    %scan3A_15 = arith.constant 9 : i32
    %mul3A_16 = arith.constant 624 : i32
    %mul3A_17 = arith.muli %arg1, %mul3A_16 : i32
    %add3A_18 = arith.constant 576 : i32
    %add3A_19 = arith.addi %mul3A_17, %add3A_18 : i32
    "tpu.region"() ({
      %run_scoped3A = tpu.sem_alloc : memref<!tpu.dma_semaphore, #tpu.memory_space<semaphore_mem>>
      %dma_start3A = arith.constant 0 : i32
      %dma_start3A_52 = arith.constant 0 : i32
      %dma_start3A_53 = tpu.memref_slice %arg13[%dma_start3A, %dma_start3A_52] : memref<64x128xf32, #tpu.memory_space<vmem>> -> memref<48x128xf32, #tpu.memory_space<vmem>>
      %dma_start3A_54 = arith.constant 0 : i32
      %dma_start3A_55 = tpu.memref_slice %arg21[%add3A_19, %dma_start3A_54] : memref<10000x128xf32, #tpu.memory_space<vmem_shared>> -> memref<48x128xf32, #tpu.memory_space<vmem_shared>>
      %dma_start3A_56 = arith.constant 0 : i32
      %dma_start3A_57 = tpu.memref_slice %arg21[%add3A_19, %dma_start3A_56] : memref<10000x128xf32, #tpu.memory_space<vmem_shared>> -> memref<48x128xf32, #tpu.memory_space<vmem_shared>>
      %dma_start3A_58 = arith.constant 0 : i32
      %dma_start3A_59 = arith.constant 0 : i32
      %dma_start3A_60 = tpu.memref_slice %arg13[%dma_start3A_58, %dma_start3A_59] : memref<64x128xf32, #tpu.memory_space<vmem>> -> memref<48x128xf32, #tpu.memory_space<vmem>>
      tpu.enqueue_dma source(%dma_start3A_60 : memref<48x128xf32, #tpu.memory_space<vmem>>) target(%dma_start3A_57 : memref<48x128xf32, #tpu.memory_space<vmem_shared>>) target_semaphore(%run_scoped3A : memref<!tpu.dma_semaphore, #tpu.memory_space<semaphore_mem>>)
      %dma_wait3A = arith.constant 0 : i32
      %dma_wait3A_61 = arith.constant 0 : i32
      %dma_wait3A_62 = tpu.memref_slice %arg13[%dma_wait3A, %dma_wait3A_61] : memref<64x128xf32, #tpu.memory_space<vmem>> -> memref<48x128xf32, #tpu.memory_space<vmem>>
      %dma_wait3A_63 = arith.constant 0 : i32
      %dma_wait3A_64 = tpu.memref_slice %arg21[%add3A_19, %dma_wait3A_63] : memref<10000x128xf32, #tpu.memory_space<vmem_shared>> -> memref<48x128xf32, #tpu.memory_space<vmem_shared>>
      %dma_wait3A_65 = arith.constant 0 : i32
      %dma_wait3A_66 = tpu.memref_slice %arg21[%add3A_19, %dma_wait3A_65] : memref<10000x128xf32, #tpu.memory_space<vmem_shared>> -> memref<48x128xf32, #tpu.memory_space<vmem_shared>>
      %dma_wait3A_67 = arith.constant 0 : i32
      %dma_wait3A_68 = arith.constant 0 : i32
      %dma_wait3A_69 = tpu.memref_slice %arg13[%dma_wait3A_67, %dma_wait3A_68] : memref<64x128xf32, #tpu.memory_space<vmem>> -> memref<48x128xf32, #tpu.memory_space<vmem>>
      tpu.wait_dma2 semaphore(%run_scoped3A : memref<!tpu.dma_semaphore, #tpu.memory_space<semaphore_mem>>) src(%dma_wait3A_69 : memref<48x128xf32, #tpu.memory_space<vmem>>) dst(%dma_wait3A_66 : memref<48x128xf32, #tpu.memory_space<vmem_shared>>)
      tpu.yield
    }) : () -> ()
    %eq3A = arith.constant 15 : i32
    %eq3A_20 = arith.cmpi eq, %arg1, %eq3A : i32
    %convert_element_type3A = arith.extui %eq3A_20 : i1 to i32
    %cond3A = arith.constant 0 : i32
    %cond3A_21 = arith.cmpi ne, %convert_element_type3A, %cond3A : i32
    scf.if %cond3A_21 {
      "tpu.region"() ({
        %run_scoped3A = tpu.sem_alloc : memref<!tpu.dma_semaphore, #tpu.memory_space<semaphore_mem>>
        %dma_start3A = arith.constant 0 : i32
        %dma_start3A_52 = arith.constant 0 : i32
        %dma_start3A_53 = tpu.memref_slice %arg13[%dma_start3A, %dma_start3A_52] : memref<64x128xf32, #tpu.memory_space<vmem>> -> memref<16x128xf32, #tpu.memory_space<vmem>>
        %dma_start3A_54 = arith.constant 9984 : i32
        %dma_start3A_55 = arith.constant 0 : i32
        %dma_start3A_56 = tpu.memref_slice %arg21[%dma_start3A_54, %dma_start3A_55] : memref<10000x128xf32, #tpu.memory_space<vmem_shared>> -> memref<16x128xf32, #tpu.memory_space<vmem_shared>>
        %dma_start3A_57 = arith.constant 9984 : i32
        %dma_start3A_58 = arith.constant 0 : i32
        %dma_start3A_59 = tpu.memref_slice %arg21[%dma_start3A_57, %dma_start3A_58] : memref<10000x128xf32, #tpu.memory_space<vmem_shared>> -> memref<16x128xf32, #tpu.memory_space<vmem_shared>>
        %dma_start3A_60 = arith.constant 0 : i32
        %dma_start3A_61 = arith.constant 0 : i32
        %dma_start3A_62 = tpu.memref_slice %arg13[%dma_start3A_60, %dma_start3A_61] : memref<64x128xf32, #tpu.memory_space<vmem>> -> memref<16x128xf32, #tpu.memory_space<vmem>>
        tpu.enqueue_dma source(%dma_start3A_62 : memref<16x128xf32, #tpu.memory_space<vmem>>) target(%dma_start3A_59 : memref<16x128xf32, #tpu.memory_space<vmem_shared>>) target_semaphore(%run_scoped3A : memref<!tpu.dma_semaphore, #tpu.memory_space<semaphore_mem>>)
        %dma_wait3A = arith.constant 0 : i32
        %dma_wait3A_63 = arith.constant 0 : i32
        %dma_wait3A_64 = tpu.memref_slice %arg13[%dma_wait3A, %dma_wait3A_63] : memref<64x128xf32, #tpu.memory_space<vmem>> -> memref<16x128xf32, #tpu.memory_space<vmem>>
        %dma_wait3A_65 = arith.constant 9984 : i32
        %dma_wait3A_66 = arith.constant 0 : i32
        %dma_wait3A_67 = tpu.memref_slice %arg21[%dma_wait3A_65, %dma_wait3A_66] : memref<10000x128xf32, #tpu.memory_space<vmem_shared>> -> memref<16x128xf32, #tpu.memory_space<vmem_shared>>
        %dma_wait3A_68 = arith.constant 9984 : i32
        %dma_wait3A_69 = arith.constant 0 : i32
        %dma_wait3A_70 = tpu.memref_slice %arg21[%dma_wait3A_68, %dma_wait3A_69] : memref<10000x128xf32, #tpu.memory_space<vmem_shared>> -> memref<16x128xf32, #tpu.memory_space<vmem_shared>>
        %dma_wait3A_71 = arith.constant 0 : i32
        %dma_wait3A_72 = arith.constant 0 : i32
        %dma_wait3A_73 = tpu.memref_slice %arg13[%dma_wait3A_71, %dma_wait3A_72] : memref<64x128xf32, #tpu.memory_space<vmem>> -> memref<16x128xf32, #tpu.memory_space<vmem>>
        tpu.wait_dma2 semaphore(%run_scoped3A : memref<!tpu.dma_semaphore, #tpu.memory_space<semaphore_mem>>) src(%dma_wait3A_73 : memref<16x128xf32, #tpu.memory_space<vmem>>) dst(%dma_wait3A_70 : memref<16x128xf32, #tpu.memory_space<vmem_shared>>)
        tpu.yield
      }) : () -> ()
    } else {
    }
    %barrier3A = arith.constant 0 : index
    tpu.barrier barrier_id(%barrier3A)
    %mul3A_22 = arith.constant 5120 : i32
    %mul3A_23 = arith.muli %add3A, %mul3A_22 : i32
    %iota3A = tpu.iota {dimensions = array<i32: 0>} : vector<16xi32>
    %scan3A_24 = arith.constant 0 : i32
    %scan3A_25 = arith.constant 10 : i32
    %scan3A_26 = arith.addi %scan3A_24, %scan3A_25 : i32
    %scan3A_27 = arith.constant 1 : i32
    scf.for %scan3A_52 = %scan3A_24 to %scan3A_26 step %scan3A_27  : i32 {
      %mul3A_53 = arith.constant 1 : i32
      %mul3A_54 = arith.muli %scan3A_52, %mul3A_53 : i32
      %add3A_55 = arith.constant 0 : i32
      %add3A_56 = arith.addi %add3A_55, %mul3A_54 : i32
      %mul3A_57 = arith.constant 10 : i32
      %mul3A_58 = arith.muli %add3A, %mul3A_57 : i32
      %add3A_59 = arith.addi %mul3A_58, %add3A_56 : i32
      "tpu.region"() ({
        %run_scoped3A = tpu.sem_alloc : memref<!tpu.dma_semaphore, #tpu.memory_space<semaphore_mem>>
        %dma_start3A_111 = arith.constant 0 : i32
        %dma_start3A_112 = arith.constant 0 : i32
        %dma_start3A_113 = tpu.memref_slice %arg7[%add3A_59, %dma_start3A_111, %dma_start3A_112] : memref<320x8x64xi32, #tpu.memory_space<hbm>> -> memref<1x8x64xi32, #tpu.memory_space<hbm>>
        %dma_start3A_114 = tpu.memref_squeeze %dma_start3A_113 : memref<1x8x64xi32, #tpu.memory_space<hbm>> -> memref<8x64xi32, #tpu.memory_space<hbm>>
        %dma_start3A_115 = arith.constant 0 : i32
        %dma_start3A_116 = arith.constant 0 : i32
        %dma_start3A_117 = tpu.memref_slice %arg7[%add3A_59, %dma_start3A_115, %dma_start3A_116] : memref<320x8x64xi32, #tpu.memory_space<hbm>> -> memref<1x8x64xi32, #tpu.memory_space<hbm>>
        %dma_start3A_118 = tpu.memref_squeeze %dma_start3A_117 : memref<1x8x64xi32, #tpu.memory_space<hbm>> -> memref<8x64xi32, #tpu.memory_space<hbm>>
        tpu.enqueue_dma source(%dma_start3A_118 : memref<8x64xi32, #tpu.memory_space<hbm>>) target(%arg11 : memref<8x64xi32, #tpu.memory_space<vmem>>) target_semaphore(%run_scoped3A : memref<!tpu.dma_semaphore, #tpu.memory_space<semaphore_mem>>)
        %dma_wait3A_119 = arith.constant 0 : i32
        %dma_wait3A_120 = arith.constant 0 : i32
        %dma_wait3A_121 = tpu.memref_slice %arg7[%add3A_59, %dma_wait3A_119, %dma_wait3A_120] : memref<320x8x64xi32, #tpu.memory_space<hbm>> -> memref<1x8x64xi32, #tpu.memory_space<hbm>>
        %dma_wait3A_122 = tpu.memref_squeeze %dma_wait3A_121 : memref<1x8x64xi32, #tpu.memory_space<hbm>> -> memref<8x64xi32, #tpu.memory_space<hbm>>
        %dma_wait3A_123 = arith.constant 0 : i32
        %dma_wait3A_124 = arith.constant 0 : i32
        %dma_wait3A_125 = tpu.memref_slice %arg7[%add3A_59, %dma_wait3A_123, %dma_wait3A_124] : memref<320x8x64xi32, #tpu.memory_space<hbm>> -> memref<1x8x64xi32, #tpu.memory_space<hbm>>
        %dma_wait3A_126 = tpu.memref_squeeze %dma_wait3A_125 : memref<1x8x64xi32, #tpu.memory_space<hbm>> -> memref<8x64xi32, #tpu.memory_space<hbm>>
        tpu.wait_dma2 semaphore(%run_scoped3A : memref<!tpu.dma_semaphore, #tpu.memory_space<semaphore_mem>>) src(%dma_wait3A_126 : memref<8x64xi32, #tpu.memory_space<hbm>>) dst(%arg11 : memref<8x64xi32, #tpu.memory_space<vmem>>)
        tpu.yield
      }) : () -> ()
      %mul3A_60 = arith.constant 10 : i32
      %mul3A_61 = arith.muli %add3A, %mul3A_60 : i32
      %add3A_62 = arith.addi %mul3A_61, %add3A_56 : i32
      "tpu.region"() ({
        %run_scoped3A = tpu.sem_alloc : memref<!tpu.dma_semaphore, #tpu.memory_space<semaphore_mem>>
        %dma_start3A_111 = arith.constant 0 : i32
        %dma_start3A_112 = arith.constant 0 : i32
        %dma_start3A_113 = tpu.memref_slice %arg8[%add3A_62, %dma_start3A_111, %dma_start3A_112] : memref<320x8x64xi32, #tpu.memory_space<hbm>> -> memref<1x8x64xi32, #tpu.memory_space<hbm>>
        %dma_start3A_114 = tpu.memref_squeeze %dma_start3A_113 : memref<1x8x64xi32, #tpu.memory_space<hbm>> -> memref<8x64xi32, #tpu.memory_space<hbm>>
        %dma_start3A_115 = arith.constant 0 : i32
        %dma_start3A_116 = arith.constant 0 : i32
        %dma_start3A_117 = tpu.memref_slice %arg8[%add3A_62, %dma_start3A_115, %dma_start3A_116] : memref<320x8x64xi32, #tpu.memory_space<hbm>> -> memref<1x8x64xi32, #tpu.memory_space<hbm>>
        %dma_start3A_118 = tpu.memref_squeeze %dma_start3A_117 : memref<1x8x64xi32, #tpu.memory_space<hbm>> -> memref<8x64xi32, #tpu.memory_space<hbm>>
        tpu.enqueue_dma source(%dma_start3A_118 : memref<8x64xi32, #tpu.memory_space<hbm>>) target(%arg12 : memref<8x64xi32, #tpu.memory_space<vmem>>) target_semaphore(%run_scoped3A : memref<!tpu.dma_semaphore, #tpu.memory_space<semaphore_mem>>)
        %dma_wait3A_119 = arith.constant 0 : i32
        %dma_wait3A_120 = arith.constant 0 : i32
        %dma_wait3A_121 = tpu.memref_slice %arg8[%add3A_62, %dma_wait3A_119, %dma_wait3A_120] : memref<320x8x64xi32, #tpu.memory_space<hbm>> -> memref<1x8x64xi32, #tpu.memory_space<hbm>>
        %dma_wait3A_122 = tpu.memref_squeeze %dma_wait3A_121 : memref<1x8x64xi32, #tpu.memory_space<hbm>> -> memref<8x64xi32, #tpu.memory_space<hbm>>
        %dma_wait3A_123 = arith.constant 0 : i32
        %dma_wait3A_124 = arith.constant 0 : i32
        %dma_wait3A_125 = tpu.memref_slice %arg8[%add3A_62, %dma_wait3A_123, %dma_wait3A_124] : memref<320x8x64xi32, #tpu.memory_space<hbm>> -> memref<1x8x64xi32, #tpu.memory_space<hbm>>
        %dma_wait3A_126 = tpu.memref_squeeze %dma_wait3A_125 : memref<1x8x64xi32, #tpu.memory_space<hbm>> -> memref<8x64xi32, #tpu.memory_space<hbm>>
        tpu.wait_dma2 semaphore(%run_scoped3A : memref<!tpu.dma_semaphore, #tpu.memory_space<semaphore_mem>>) src(%dma_wait3A_126 : memref<8x64xi32, #tpu.memory_space<hbm>>) dst(%arg12 : memref<8x64xi32, #tpu.memory_space<vmem>>)
        tpu.yield
      }) : () -> ()
      %dma_start3A = arith.constant 0 : i32
      %dma_start3A_63 = arith.constant 0 : i32
      %dma_start3A_64 = tpu.memref_slice %arg11[%dma_start3A, %dma_start3A_63] : memref<8x64xi32, #tpu.memory_space<vmem>> -> memref<1x64xi32, #tpu.memory_space<vmem>>
      %dma_start3A_65 = tpu.memref_squeeze %dma_start3A_64 : memref<1x64xi32, #tpu.memory_space<vmem>> -> memref<64xi32, #tpu.memory_space<vmem>>
      %dma_start3A_66 = arith.constant 0 : i32
      %dma_start3A_67 = arith.constant 0 : i32
      %dma_start3A_68 = tpu.memref_slice %arg2[%dma_start3A_66, %dma_start3A_67] : memref<10000x128xf32, #tpu.memory_space<hbm>> -> memref<10000x128xf32, #tpu.memory_space<hbm>>
      tpu.enqueue_indirect_dma source(%dma_start3A_68 : memref<10000x128xf32, #tpu.memory_space<hbm>>) target(%arg13 : memref<64x128xf32, #tpu.memory_space<vmem>>) offsets(%dma_start3A_65 : memref<64xi32, #tpu.memory_space<vmem>>) semaphore(%arg17 : memref<!tpu.dma_semaphore, #tpu.memory_space<semaphore_mem>>)
      %dma_start3A_69 = arith.constant 0 : i32
      %dma_start3A_70 = arith.constant 0 : i32
      %dma_start3A_71 = tpu.memref_slice %arg11[%dma_start3A_69, %dma_start3A_70] : memref<8x64xi32, #tpu.memory_space<vmem>> -> memref<1x64xi32, #tpu.memory_space<vmem>>
      %dma_start3A_72 = tpu.memref_squeeze %dma_start3A_71 : memref<1x64xi32, #tpu.memory_space<vmem>> -> memref<64xi32, #tpu.memory_space<vmem>>
      %dma_start3A_73 = arith.constant 0 : i32
      %dma_start3A_74 = tpu.memref_slice %arg3[%dma_start3A_73] : memref<10000xf32, #tpu.memory_space<hbm>> -> memref<10000xf32, #tpu.memory_space<hbm>>
      tpu.enqueue_indirect_dma source(%dma_start3A_74 : memref<10000xf32, #tpu.memory_space<hbm>>) target(%arg22 : memref<64xf32, #tpu.memory_space<vmem>>) offsets(%dma_start3A_72 : memref<64xi32, #tpu.memory_space<vmem>>) semaphore(%arg17 : memref<!tpu.dma_semaphore, #tpu.memory_space<semaphore_mem>>)
      %dma_start3A_75 = arith.constant 0 : i32
      %dma_start3A_76 = arith.constant 0 : i32
      %dma_start3A_77 = tpu.memref_slice %arg12[%dma_start3A_75, %dma_start3A_76] : memref<8x64xi32, #tpu.memory_space<vmem>> -> memref<1x64xi32, #tpu.memory_space<vmem>>
      %dma_start3A_78 = tpu.memref_squeeze %dma_start3A_77 : memref<1x64xi32, #tpu.memory_space<vmem>> -> memref<64xi32, #tpu.memory_space<vmem>>
      %dma_start3A_79 = arith.constant 0 : i32
      %dma_start3A_80 = tpu.memref_slice %arg4[%dma_start3A_79] : memref<10000xf32, #tpu.memory_space<hbm>> -> memref<10000xf32, #tpu.memory_space<hbm>>
      tpu.enqueue_indirect_dma source(%dma_start3A_80 : memref<10000xf32, #tpu.memory_space<hbm>>) target(%arg23 : memref<64xf32, #tpu.memory_space<vmem>>) offsets(%dma_start3A_78 : memref<64xi32, #tpu.memory_space<vmem>>) semaphore(%arg17 : memref<!tpu.dma_semaphore, #tpu.memory_space<semaphore_mem>>)
      %dma_start3A_81 = arith.constant 0 : i32
      %dma_start3A_82 = arith.constant 0 : i32
      %dma_start3A_83 = tpu.memref_slice %arg11[%dma_start3A_81, %dma_start3A_82] : memref<8x64xi32, #tpu.memory_space<vmem>> -> memref<1x64xi32, #tpu.memory_space<vmem>>
      %dma_start3A_84 = tpu.memref_squeeze %dma_start3A_83 : memref<1x64xi32, #tpu.memory_space<vmem>> -> memref<64xi32, #tpu.memory_space<vmem>>
      %dma_start3A_85 = arith.constant 0 : i32
      %dma_start3A_86 = tpu.memref_slice %arg5[%dma_start3A_85] : memref<10000xf32, #tpu.memory_space<hbm>> -> memref<10000xf32, #tpu.memory_space<hbm>>
      tpu.enqueue_indirect_dma source(%dma_start3A_86 : memref<10000xf32, #tpu.memory_space<hbm>>) target(%arg26 : memref<64xf32, #tpu.memory_space<vmem>>) offsets(%dma_start3A_84 : memref<64xi32, #tpu.memory_space<vmem>>) semaphore(%arg17 : memref<!tpu.dma_semaphore, #tpu.memory_space<semaphore_mem>>)
      %dma_start3A_87 = arith.constant 0 : i32
      %dma_start3A_88 = arith.constant 0 : i32
      %dma_start3A_89 = tpu.memref_slice %arg12[%dma_start3A_87, %dma_start3A_88] : memref<8x64xi32, #tpu.memory_space<vmem>> -> memref<1x64xi32, #tpu.memory_space<vmem>>
      %dma_start3A_90 = tpu.memref_squeeze %dma_start3A_89 : memref<1x64xi32, #tpu.memory_space<vmem>> -> memref<64xi32, #tpu.memory_space<vmem>>
      %dma_start3A_91 = arith.constant 0 : i32
      %dma_start3A_92 = tpu.memref_slice %arg6[%dma_start3A_91] : memref<10000xf32, #tpu.memory_space<hbm>> -> memref<10000xf32, #tpu.memory_space<hbm>>
      tpu.enqueue_indirect_dma source(%dma_start3A_92 : memref<10000xf32, #tpu.memory_space<hbm>>) target(%arg27 : memref<64xf32, #tpu.memory_space<vmem>>) offsets(%dma_start3A_90 : memref<64xi32, #tpu.memory_space<vmem>>) semaphore(%arg17 : memref<!tpu.dma_semaphore, #tpu.memory_space<semaphore_mem>>)
      %scan3A_93 = arith.constant 0 : i32
      %scan3A_94 = arith.constant 4 : i32
      %scan3A_95 = arith.addi %scan3A_93, %scan3A_94 : i32
      %scan3A_96 = arith.constant 1 : i32
      scf.for %scan3A_111 = %scan3A_93 to %scan3A_95 step %scan3A_96  : i32 {
        %mul3A_112 = arith.constant 1 : i32
        %mul3A_113 = arith.muli %scan3A_111, %mul3A_112 : i32
        %add3A_114 = arith.constant 0 : i32
        %add3A_115 = arith.addi %add3A_114, %mul3A_113 : i32
        %mul3A_116 = arith.constant 2 : i32
        %mul3A_117 = arith.muli %add3A_115, %mul3A_116 : i32
        %add3A_118 = arith.constant 0 : i32
        %add3A_119 = arith.addi %mul3A_117, %add3A_118 : i32
        %dma_wait3A_120 = arith.constant 0 : i32
        %dma_wait3A_121 = tpu.memref_slice %arg11[%add3A_119, %dma_wait3A_120] : memref<8x64xi32, #tpu.memory_space<vmem>> -> memref<1x64xi32, #tpu.memory_space<vmem>>
        %dma_wait3A_122 = tpu.memref_squeeze %dma_wait3A_121 : memref<1x64xi32, #tpu.memory_space<vmem>> -> memref<64xi32, #tpu.memory_space<vmem>>
        %dma_wait3A_123 = arith.constant 0 : i32
        %dma_wait3A_124 = arith.constant 0 : i32
        %dma_wait3A_125 = tpu.memref_slice %arg2[%dma_wait3A_123, %dma_wait3A_124] : memref<10000x128xf32, #tpu.memory_space<hbm>> -> memref<10000x128xf32, #tpu.memory_space<hbm>>
        tpu.wait_indirect_dma semaphore(%arg17 : memref<!tpu.dma_semaphore, #tpu.memory_space<semaphore_mem>>) src(%dma_wait3A_125 : memref<10000x128xf32, #tpu.memory_space<hbm>>) dst(%arg13 : memref<64x128xf32, #tpu.memory_space<vmem>>)
        %dma_wait3A_126 = arith.constant 0 : i32
        %dma_wait3A_127 = tpu.memref_slice %arg11[%add3A_119, %dma_wait3A_126] : memref<8x64xi32, #tpu.memory_space<vmem>> -> memref<1x64xi32, #tpu.memory_space<vmem>>
        %dma_wait3A_128 = tpu.memref_squeeze %dma_wait3A_127 : memref<1x64xi32, #tpu.memory_space<vmem>> -> memref<64xi32, #tpu.memory_space<vmem>>
        %dma_wait3A_129 = arith.constant 0 : i32
        %dma_wait3A_130 = tpu.memref_slice %arg3[%dma_wait3A_129] : memref<10000xf32, #tpu.memory_space<hbm>> -> memref<10000xf32, #tpu.memory_space<hbm>>
        tpu.wait_indirect_dma semaphore(%arg17 : memref<!tpu.dma_semaphore, #tpu.memory_space<semaphore_mem>>) src(%dma_wait3A_130 : memref<10000xf32, #tpu.memory_space<hbm>>) dst(%arg22 : memref<64xf32, #tpu.memory_space<vmem>>)
        %dma_wait3A_131 = arith.constant 0 : i32
        %dma_wait3A_132 = tpu.memref_slice %arg12[%add3A_119, %dma_wait3A_131] : memref<8x64xi32, #tpu.memory_space<vmem>> -> memref<1x64xi32, #tpu.memory_space<vmem>>
        %dma_wait3A_133 = tpu.memref_squeeze %dma_wait3A_132 : memref<1x64xi32, #tpu.memory_space<vmem>> -> memref<64xi32, #tpu.memory_space<vmem>>
        %dma_wait3A_134 = arith.constant 0 : i32
        %dma_wait3A_135 = tpu.memref_slice %arg4[%dma_wait3A_134] : memref<10000xf32, #tpu.memory_space<hbm>> -> memref<10000xf32, #tpu.memory_space<hbm>>
        tpu.wait_indirect_dma semaphore(%arg17 : memref<!tpu.dma_semaphore, #tpu.memory_space<semaphore_mem>>) src(%dma_wait3A_135 : memref<10000xf32, #tpu.memory_space<hbm>>) dst(%arg23 : memref<64xf32, #tpu.memory_space<vmem>>)
        %dma_wait3A_136 = arith.constant 0 : i32
        %dma_wait3A_137 = tpu.memref_slice %arg11[%add3A_119, %dma_wait3A_136] : memref<8x64xi32, #tpu.memory_space<vmem>> -> memref<1x64xi32, #tpu.memory_space<vmem>>
        %dma_wait3A_138 = tpu.memref_squeeze %dma_wait3A_137 : memref<1x64xi32, #tpu.memory_space<vmem>> -> memref<64xi32, #tpu.memory_space<vmem>>
        %dma_wait3A_139 = arith.constant 0 : i32
        %dma_wait3A_140 = tpu.memref_slice %arg5[%dma_wait3A_139] : memref<10000xf32, #tpu.memory_space<hbm>> -> memref<10000xf32, #tpu.memory_space<hbm>>
        tpu.wait_indirect_dma semaphore(%arg17 : memref<!tpu.dma_semaphore, #tpu.memory_space<semaphore_mem>>) src(%dma_wait3A_140 : memref<10000xf32, #tpu.memory_space<hbm>>) dst(%arg26 : memref<64xf32, #tpu.memory_space<vmem>>)
        %dma_wait3A_141 = arith.constant 0 : i32
        %dma_wait3A_142 = tpu.memref_slice %arg12[%add3A_119, %dma_wait3A_141] : memref<8x64xi32, #tpu.memory_space<vmem>> -> memref<1x64xi32, #tpu.memory_space<vmem>>
        %dma_wait3A_143 = tpu.memref_squeeze %dma_wait3A_142 : memref<1x64xi32, #tpu.memory_space<vmem>> -> memref<64xi32, #tpu.memory_space<vmem>>
        %dma_wait3A_144 = arith.constant 0 : i32
        %dma_wait3A_145 = tpu.memref_slice %arg6[%dma_wait3A_144] : memref<10000xf32, #tpu.memory_space<hbm>> -> memref<10000xf32, #tpu.memory_space<hbm>>
        tpu.wait_indirect_dma semaphore(%arg17 : memref<!tpu.dma_semaphore, #tpu.memory_space<semaphore_mem>>) src(%dma_wait3A_145 : memref<10000xf32, #tpu.memory_space<hbm>>) dst(%arg27 : memref<64xf32, #tpu.memory_space<vmem>>)
        %add3A_146 = arith.constant 1 : i32
        %add3A_147 = arith.addi %add3A_119, %add3A_146 : i32
        %lt3A = arith.constant 8 : i32
        %lt3A_148 = arith.cmpi slt, %add3A_147, %lt3A : i32
        %convert_element_type3A_149 = arith.extui %lt3A_148 : i1 to i32
        %cond3A_150 = arith.constant 0 : i32
        %cond3A_151 = arith.cmpi ne, %convert_element_type3A_149, %cond3A_150 : i32
        scf.if %cond3A_151 {
          %ge3A_621 = arith.constant 1 : i32
          %ge3A_622 = arith.cmpi sge, %add3A_119, %ge3A_621 : i32
          %convert_element_type3A_623 = arith.extui %ge3A_622 : i1 to i32
          %cond3A_624 = arith.constant 0 : i32
          %cond3A_625 = arith.cmpi ne, %convert_element_type3A_623, %cond3A_624 : i32
          scf.if %cond3A_625 {
            %dma_wait3A_654 = arith.constant 0 : i32
            %dma_wait3A_655 = arith.constant 0 : i32
            %dma_wait3A_656 = tpu.memref_slice %arg12[%dma_wait3A_654, %dma_wait3A_655] : memref<8x64xi32, #tpu.memory_space<vmem>> -> memref<1x64xi32, #tpu.memory_space<vmem>>
            %dma_wait3A_657 = tpu.memref_squeeze %dma_wait3A_656 : memref<1x64xi32, #tpu.memory_space<vmem>> -> memref<64xi32, #tpu.memory_space<vmem>>
            %dma_wait3A_658 = arith.constant 0 : i32
            %dma_wait3A_659 = arith.constant 0 : i32
            %dma_wait3A_660 = tpu.memref_slice %arg21[%dma_wait3A_658, %dma_wait3A_659] : memref<10000x128xf32, #tpu.memory_space<vmem_shared>> -> memref<10000x128xf32, #tpu.memory_space<vmem_shared>>
            tpu.wait_indirect_dma semaphore(%arg20 : memref<!tpu.dma_semaphore, #tpu.memory_space<semaphore_mem>>) src(%arg14 : memref<64x128xf32, #tpu.memory_space<vmem>>) dst(%dma_wait3A_660 : memref<10000x128xf32, #tpu.memory_space<vmem_shared>>)
          } else {
          }
          %add3A_626 = arith.constant 1 : i32
          %add3A_627 = arith.addi %add3A_119, %add3A_626 : i32
          %dma_start3A_628 = arith.constant 0 : i32
          %dma_start3A_629 = tpu.memref_slice %arg11[%add3A_627, %dma_start3A_628] : memref<8x64xi32, #tpu.memory_space<vmem>> -> memref<1x64xi32, #tpu.memory_space<vmem>>
          %dma_start3A_630 = tpu.memref_squeeze %dma_start3A_629 : memref<1x64xi32, #tpu.memory_space<vmem>> -> memref<64xi32, #tpu.memory_space<vmem>>
          %dma_start3A_631 = arith.constant 0 : i32
          %dma_start3A_632 = arith.constant 0 : i32
          %dma_start3A_633 = tpu.memref_slice %arg2[%dma_start3A_631, %dma_start3A_632] : memref<10000x128xf32, #tpu.memory_space<hbm>> -> memref<10000x128xf32, #tpu.memory_space<hbm>>
          tpu.enqueue_indirect_dma source(%dma_start3A_633 : memref<10000x128xf32, #tpu.memory_space<hbm>>) target(%arg14 : memref<64x128xf32, #tpu.memory_space<vmem>>) offsets(%dma_start3A_630 : memref<64xi32, #tpu.memory_space<vmem>>) semaphore(%arg18 : memref<!tpu.dma_semaphore, #tpu.memory_space<semaphore_mem>>)
          %dma_start3A_634 = arith.constant 0 : i32
          %dma_start3A_635 = tpu.memref_slice %arg11[%add3A_627, %dma_start3A_634] : memref<8x64xi32, #tpu.memory_space<vmem>> -> memref<1x64xi32, #tpu.memory_space<vmem>>
          %dma_start3A_636 = tpu.memref_squeeze %dma_start3A_635 : memref<1x64xi32, #tpu.memory_space<vmem>> -> memref<64xi32, #tpu.memory_space<vmem>>
          %dma_start3A_637 = arith.constant 0 : i32
          %dma_start3A_638 = tpu.memref_slice %arg3[%dma_start3A_637] : memref<10000xf32, #tpu.memory_space<hbm>> -> memref<10000xf32, #tpu.memory_space<hbm>>
          tpu.enqueue_indirect_dma source(%dma_start3A_638 : memref<10000xf32, #tpu.memory_space<hbm>>) target(%arg24 : memref<64xf32, #tpu.memory_space<vmem>>) offsets(%dma_start3A_636 : memref<64xi32, #tpu.memory_space<vmem>>) semaphore(%arg18 : memref<!tpu.dma_semaphore, #tpu.memory_space<semaphore_mem>>)
          %dma_start3A_639 = arith.constant 0 : i32
          %dma_start3A_640 = tpu.memref_slice %arg12[%add3A_627, %dma_start3A_639] : memref<8x64xi32, #tpu.memory_space<vmem>> -> memref<1x64xi32, #tpu.memory_space<vmem>>
          %dma_start3A_641 = tpu.memref_squeeze %dma_start3A_640 : memref<1x64xi32, #tpu.memory_space<vmem>> -> memref<64xi32, #tpu.memory_space<vmem>>
          %dma_start3A_642 = arith.constant 0 : i32
          %dma_start3A_643 = tpu.memref_slice %arg4[%dma_start3A_642] : memref<10000xf32, #tpu.memory_space<hbm>> -> memref<10000xf32, #tpu.memory_space<hbm>>
          tpu.enqueue_indirect_dma source(%dma_start3A_643 : memref<10000xf32, #tpu.memory_space<hbm>>) target(%arg25 : memref<64xf32, #tpu.memory_space<vmem>>) offsets(%dma_start3A_641 : memref<64xi32, #tpu.memory_space<vmem>>) semaphore(%arg18 : memref<!tpu.dma_semaphore, #tpu.memory_space<semaphore_mem>>)
          %dma_start3A_644 = arith.constant 0 : i32
          %dma_start3A_645 = tpu.memref_slice %arg11[%add3A_627, %dma_start3A_644] : memref<8x64xi32, #tpu.memory_space<vmem>> -> memref<1x64xi32, #tpu.memory_space<vmem>>
          %dma_start3A_646 = tpu.memref_squeeze %dma_start3A_645 : memref<1x64xi32, #tpu.memory_space<vmem>> -> memref<64xi32, #tpu.memory_space<vmem>>
          %dma_start3A_647 = arith.constant 0 : i32
          %dma_start3A_648 = tpu.memref_slice %arg5[%dma_start3A_647] : memref<10000xf32, #tpu.memory_space<hbm>> -> memref<10000xf32, #tpu.memory_space<hbm>>
          tpu.enqueue_indirect_dma source(%dma_start3A_648 : memref<10000xf32, #tpu.memory_space<hbm>>) target(%arg28 : memref<64xf32, #tpu.memory_space<vmem>>) offsets(%dma_start3A_646 : memref<64xi32, #tpu.memory_space<vmem>>) semaphore(%arg18 : memref<!tpu.dma_semaphore, #tpu.memory_space<semaphore_mem>>)
          %dma_start3A_649 = arith.constant 0 : i32
          %dma_start3A_650 = tpu.memref_slice %arg12[%add3A_627, %dma_start3A_649] : memref<8x64xi32, #tpu.memory_space<vmem>> -> memref<1x64xi32, #tpu.memory_space<vmem>>
          %dma_start3A_651 = tpu.memref_squeeze %dma_start3A_650 : memref<1x64xi32, #tpu.memory_space<vmem>> -> memref<64xi32, #tpu.memory_space<vmem>>
          %dma_start3A_652 = arith.constant 0 : i32
          %dma_start3A_653 = tpu.memref_slice %arg6[%dma_start3A_652] : memref<10000xf32, #tpu.memory_space<hbm>> -> memref<10000xf32, #tpu.memory_space<hbm>>
          tpu.enqueue_indirect_dma source(%dma_start3A_653 : memref<10000xf32, #tpu.memory_space<hbm>>) target(%arg29 : memref<64xf32, #tpu.memory_space<vmem>>) offsets(%dma_start3A_651 : memref<64xi32, #tpu.memory_space<vmem>>) semaphore(%arg18 : memref<!tpu.dma_semaphore, #tpu.memory_space<semaphore_mem>>)
        } else {
        }
        %mul3A_152 = arith.constant 512 : i32
        %mul3A_153 = arith.muli %add3A_56, %mul3A_152 : i32
        %add3A_154 = arith.addi %mul3A_23, %mul3A_153 : i32
        %mul3A_155 = arith.constant 64 : i32
        %mul3A_156 = arith.muli %add3A_119, %mul3A_155 : i32
        %add3A_157 = arith.addi %add3A_154, %mul3A_156 : i32
        %add3A_158 = arith.constant 0 : i32
        %add3A_159 = arith.addi %add3A_157, %add3A_158 : i32
        %add3A_160 = vector.broadcast %add3A_159 : i32 to vector<16xi32>
        %add3A_161 = arith.addi %add3A_160, %iota3A : vector<16xi32>
        %lt3A_162 = arith.constant 160000 : i32
        %lt3A_163 = vector.broadcast %lt3A_162 : i32 to vector<16xi32>
        %lt3A_164 = arith.cmpi slt, %add3A_161, %lt3A_163 : vector<16xi32>
        %get3A = arith.index_cast %add3A_119 : i32 to index
        %get3A_165 = arith.constant 0 : index
        %get3A_166 = tpu.vector_load %arg12[%get3A, %get3A_165] {strides = array<i32>} : memref<8x64xi32, #tpu.memory_space<vmem>>, vector<16xi32>,
        %get3A_167 = arith.constant 0 : index
        %get3A_168 = tpu.vector_load %arg22[%get3A_167] {strides = array<i32>} : memref<64xf32, #tpu.memory_space<vmem>>, vector<16xf32>,
        %get3A_169 = arith.constant 0 : index
        %get3A_170 = tpu.vector_load %arg23[%get3A_169] {strides = array<i32>} : memref<64xf32, #tpu.memory_space<vmem>>, vector<16xf32>,
        %add3A_171 = arith.addf %get3A_168, %get3A_170 : vector<16xf32>
        %ge3A = arith.constant 0.000000e+00 : f32
        %ge3A_172 = vector.broadcast %ge3A : f32 to vector<16xf32>
        %ge3A_173 = arith.cmpf oge, %add3A_171, %ge3A_172 : vector<16xf32>
        %mul3A_174 = arith.constant 2.000000e-01 : f32
        %mul3A_175 = vector.broadcast %mul3A_174 : f32 to vector<16xf32>
        %mul3A_176 = arith.mulf %mul3A_175, %add3A_171 : vector<16xf32>
        %select_n3A = arith.select %ge3A_173, %add3A_171, %mul3A_176 : vector<16xi1>, vector<16xf32>
        %exp3A = math.exp %select_n3A : vector<16xf32>
        %jit3A = arith.constant 0.000000e+00 : f32
        %broadcast_in_dim3A_177 = vector.broadcast %jit3A : f32 to vector<16xf32>
        %select_n3A_178 = arith.select %lt3A_164, %exp3A, %broadcast_in_dim3A_177 : vector<16xi1>, vector<16xf32>
        %swap3A = arith.constant 0 : index
        %swap3A_179 = tpu.vector_load %arg15[%swap3A] {strides = array<i32>} : memref<64xf32, #tpu.memory_space<vmem>>, vector<16xf32>,
        tpu.vector_store %arg15[%swap3A], %select_n3A_178 {strides = array<i32>} : memref<64xf32, #tpu.memory_space<vmem>>, vector<16xf32>,
        tpu.vector_store_idx %arg30[%get3A_166], %select_n3A_178 {add = true} : memref<10000xf32, #tpu.memory_space<vmem>>[vector<16xi32>], vector<16xf32>,
        %get3A_180 = arith.constant 0 : index
        %get3A_181 = tpu.vector_load %arg26[%get3A_180] {strides = array<i32>} : memref<64xf32, #tpu.memory_space<vmem>>, vector<16xf32>,
        %get3A_182 = arith.constant 0 : index
        %get3A_183 = tpu.vector_load %arg27[%get3A_182] {strides = array<i32>} : memref<64xf32, #tpu.memory_space<vmem>>, vector<16xf32>,
        %add3A_184 = arith.addf %get3A_181, %get3A_183 : vector<16xf32>
        %ge3A_185 = arith.constant 0.000000e+00 : f32
        %ge3A_186 = vector.broadcast %ge3A_185 : f32 to vector<16xf32>
        %ge3A_187 = arith.cmpf oge, %add3A_184, %ge3A_186 : vector<16xf32>
        %mul3A_188 = arith.constant 2.000000e-01 : f32
        %mul3A_189 = vector.broadcast %mul3A_188 : f32 to vector<16xf32>
        %mul3A_190 = arith.mulf %mul3A_189, %add3A_184 : vector<16xf32>
        %select_n3A_191 = arith.select %ge3A_187, %add3A_184, %mul3A_190 : vector<16xi1>, vector<16xf32>
        %exp3A_192 = math.exp %select_n3A_191 : vector<16xf32>
        %jit3A_193 = arith.constant 0.000000e+00 : f32
        %broadcast_in_dim3A_194 = vector.broadcast %jit3A_193 : f32 to vector<16xf32>
        %select_n3A_195 = arith.select %lt3A_164, %exp3A_192, %broadcast_in_dim3A_194 : vector<16xi1>, vector<16xf32>
        %swap3A_196 = arith.constant 0 : index
        %swap3A_197 = tpu.vector_load %arg16[%swap3A_196] {strides = array<i32>} : memref<64xf32, #tpu.memory_space<vmem>>, vector<16xf32>,
        tpu.vector_store %arg16[%swap3A_196], %select_n3A_195 {strides = array<i32>} : memref<64xf32, #tpu.memory_space<vmem>>, vector<16xf32>,
        tpu.vector_store_idx %arg31[%get3A_166], %select_n3A_195 {add = true} : memref<10000xf32, #tpu.memory_space<vmem>>[vector<16xi32>], vector<16xf32>,
        %mul3A_198 = arith.constant 512 : i32
        %mul3A_199 = arith.muli %add3A_56, %mul3A_198 : i32
        %add3A_200 = arith.addi %mul3A_23, %mul3A_199 : i32
        %mul3A_201 = arith.constant 64 : i32
        %mul3A_202 = arith.muli %add3A_119, %mul3A_201 : i32
        %add3A_203 = arith.addi %add3A_200, %mul3A_202 : i32
        %add3A_204 = arith.constant 16 : i32
        %add3A_205 = arith.addi %add3A_203, %add3A_204 : i32
        %add3A_206 = vector.broadcast %add3A_205 : i32 to vector<16xi32>
        %add3A_207 = arith.addi %add3A_206, %iota3A : vector<16xi32>
        %lt3A_208 = arith.constant 160000 : i32
        %lt3A_209 = vector.broadcast %lt3A_208 : i32 to vector<16xi32>
        %lt3A_210 = arith.cmpi slt, %add3A_207, %lt3A_209 : vector<16xi32>
        %get3A_211 = arith.index_cast %add3A_119 : i32 to index
        %get3A_212 = arith.constant 16 : index
        %get3A_213 = tpu.vector_load %arg12[%get3A_211, %get3A_212] {strides = array<i32>} : memref<8x64xi32, #tpu.memory_space<vmem>>, vector<16xi32>,
        %get3A_214 = arith.constant 16 : index
        %get3A_215 = tpu.vector_load %arg22[%get3A_214] {strides = array<i32>} : memref<64xf32, #tpu.memory_space<vmem>>, vector<16xf32>,
        %get3A_216 = arith.constant 16 : index
        %get3A_217 = tpu.vector_load %arg23[%get3A_216] {strides = array<i32>} : memref<64xf32, #tpu.memory_space<vmem>>, vector<16xf32>,
        %add3A_218 = arith.addf %get3A_215, %get3A_217 : vector<16xf32>
        %ge3A_219 = arith.constant 0.000000e+00 : f32
        %ge3A_220 = vector.broadcast %ge3A_219 : f32 to vector<16xf32>
        %ge3A_221 = arith.cmpf oge, %add3A_218, %ge3A_220 : vector<16xf32>
        %mul3A_222 = arith.constant 2.000000e-01 : f32
        %mul3A_223 = vector.broadcast %mul3A_222 : f32 to vector<16xf32>
        %mul3A_224 = arith.mulf %mul3A_223, %add3A_218 : vector<16xf32>
        %select_n3A_225 = arith.select %ge3A_221, %add3A_218, %mul3A_224 : vector<16xi1>, vector<16xf32>
        %exp3A_226 = math.exp %select_n3A_225 : vector<16xf32>
        %jit3A_227 = arith.constant 0.000000e+00 : f32
        %broadcast_in_dim3A_228 = vector.broadcast %jit3A_227 : f32 to vector<16xf32>
        %select_n3A_229 = arith.select %lt3A_210, %exp3A_226, %broadcast_in_dim3A_228 : vector<16xi1>, vector<16xf32>
        %swap3A_230 = arith.constant 16 : index
        %swap3A_231 = tpu.vector_load %arg15[%swap3A_230] {strides = array<i32>} : memref<64xf32, #tpu.memory_space<vmem>>, vector<16xf32>,
        tpu.vector_store %arg15[%swap3A_230], %select_n3A_229 {strides = array<i32>} : memref<64xf32, #tpu.memory_space<vmem>>, vector<16xf32>,
        tpu.vector_store_idx %arg30[%get3A_213], %select_n3A_229 {add = true} : memref<10000xf32, #tpu.memory_space<vmem>>[vector<16xi32>], vector<16xf32>,
        %get3A_232 = arith.constant 16 : index
        %get3A_233 = tpu.vector_load %arg26[%get3A_232] {strides = array<i32>} : memref<64xf32, #tpu.memory_space<vmem>>, vector<16xf32>,
        %get3A_234 = arith.constant 16 : index
        %get3A_235 = tpu.vector_load %arg27[%get3A_234] {strides = array<i32>} : memref<64xf32, #tpu.memory_space<vmem>>, vector<16xf32>,
        %add3A_236 = arith.addf %get3A_233, %get3A_235 : vector<16xf32>
        %ge3A_237 = arith.constant 0.000000e+00 : f32
        %ge3A_238 = vector.broadcast %ge3A_237 : f32 to vector<16xf32>
        %ge3A_239 = arith.cmpf oge, %add3A_236, %ge3A_238 : vector<16xf32>
        %mul3A_240 = arith.constant 2.000000e-01 : f32
        %mul3A_241 = vector.broadcast %mul3A_240 : f32 to vector<16xf32>
        %mul3A_242 = arith.mulf %mul3A_241, %add3A_236 : vector<16xf32>
        %select_n3A_243 = arith.select %ge3A_239, %add3A_236, %mul3A_242 : vector<16xi1>, vector<16xf32>
        %exp3A_244 = math.exp %select_n3A_243 : vector<16xf32>
        %jit3A_245 = arith.constant 0.000000e+00 : f32
        %broadcast_in_dim3A_246 = vector.broadcast %jit3A_245 : f32 to vector<16xf32>
        %select_n3A_247 = arith.select %lt3A_210, %exp3A_244, %broadcast_in_dim3A_246 : vector<16xi1>, vector<16xf32>
        %swap3A_248 = arith.constant 16 : index
        %swap3A_249 = tpu.vector_load %arg16[%swap3A_248] {strides = array<i32>} : memref<64xf32, #tpu.memory_space<vmem>>, vector<16xf32>,
        tpu.vector_store %arg16[%swap3A_248], %select_n3A_247 {strides = array<i32>} : memref<64xf32, #tpu.memory_space<vmem>>, vector<16xf32>,
        tpu.vector_store_idx %arg31[%get3A_213], %select_n3A_247 {add = true} : memref<10000xf32, #tpu.memory_space<vmem>>[vector<16xi32>], vector<16xf32>,
        %mul3A_250 = arith.constant 512 : i32
        %mul3A_251 = arith.muli %add3A_56, %mul3A_250 : i32
        %add3A_252 = arith.addi %mul3A_23, %mul3A_251 : i32
        %mul3A_253 = arith.constant 64 : i32
        %mul3A_254 = arith.muli %add3A_119, %mul3A_253 : i32
        %add3A_255 = arith.addi %add3A_252, %mul3A_254 : i32
        %add3A_256 = arith.constant 32 : i32
        %add3A_257 = arith.addi %add3A_255, %add3A_256 : i32
        %add3A_258 = vector.broadcast %add3A_257 : i32 to vector<16xi32>
        %add3A_259 = arith.addi %add3A_258, %iota3A : vector<16xi32>
        %lt3A_260 = arith.constant 160000 : i32
        %lt3A_261 = vector.broadcast %lt3A_260 : i32 to vector<16xi32>
        %lt3A_262 = arith.cmpi slt, %add3A_259, %lt3A_261 : vector<16xi32>
        %get3A_263 = arith.index_cast %add3A_119 : i32 to index
        %get3A_264 = arith.constant 32 : index
        %get3A_265 = tpu.vector_load %arg12[%get3A_263, %get3A_264] {strides = array<i32>} : memref<8x64xi32, #tpu.memory_space<vmem>>, vector<16xi32>,
        %get3A_266 = arith.constant 32 : index
        %get3A_267 = tpu.vector_load %arg22[%get3A_266] {strides = array<i32>} : memref<64xf32, #tpu.memory_space<vmem>>, vector<16xf32>,
        %get3A_268 = arith.constant 32 : index
        %get3A_269 = tpu.vector_load %arg23[%get3A_268] {strides = array<i32>} : memref<64xf32, #tpu.memory_space<vmem>>, vector<16xf32>,
        %add3A_270 = arith.addf %get3A_267, %get3A_269 : vector<16xf32>
        %ge3A_271 = arith.constant 0.000000e+00 : f32
        %ge3A_272 = vector.broadcast %ge3A_271 : f32 to vector<16xf32>
        %ge3A_273 = arith.cmpf oge, %add3A_270, %ge3A_272 : vector<16xf32>
        %mul3A_274 = arith.constant 2.000000e-01 : f32
        %mul3A_275 = vector.broadcast %mul3A_274 : f32 to vector<16xf32>
        %mul3A_276 = arith.mulf %mul3A_275, %add3A_270 : vector<16xf32>
        %select_n3A_277 = arith.select %ge3A_273, %add3A_270, %mul3A_276 : vector<16xi1>, vector<16xf32>
        %exp3A_278 = math.exp %select_n3A_277 : vector<16xf32>
        %jit3A_279 = arith.constant 0.000000e+00 : f32
        %broadcast_in_dim3A_280 = vector.broadcast %jit3A_279 : f32 to vector<16xf32>
        %select_n3A_281 = arith.select %lt3A_262, %exp3A_278, %broadcast_in_dim3A_280 : vector<16xi1>, vector<16xf32>
        %swap3A_282 = arith.constant 32 : index
        %swap3A_283 = tpu.vector_load %arg15[%swap3A_282] {strides = array<i32>} : memref<64xf32, #tpu.memory_space<vmem>>, vector<16xf32>,
        tpu.vector_store %arg15[%swap3A_282], %select_n3A_281 {strides = array<i32>} : memref<64xf32, #tpu.memory_space<vmem>>, vector<16xf32>,
        tpu.vector_store_idx %arg30[%get3A_265], %select_n3A_281 {add = true} : memref<10000xf32, #tpu.memory_space<vmem>>[vector<16xi32>], vector<16xf32>,
        %get3A_284 = arith.constant 32 : index
        %get3A_285 = tpu.vector_load %arg26[%get3A_284] {strides = array<i32>} : memref<64xf32, #tpu.memory_space<vmem>>, vector<16xf32>,
        %get3A_286 = arith.constant 32 : index
        %get3A_287 = tpu.vector_load %arg27[%get3A_286] {strides = array<i32>} : memref<64xf32, #tpu.memory_space<vmem>>, vector<16xf32>,
        %add3A_288 = arith.addf %get3A_285, %get3A_287 : vector<16xf32>
        %ge3A_289 = arith.constant 0.000000e+00 : f32
        %ge3A_290 = vector.broadcast %ge3A_289 : f32 to vector<16xf32>
        %ge3A_291 = arith.cmpf oge, %add3A_288, %ge3A_290 : vector<16xf32>
        %mul3A_292 = arith.constant 2.000000e-01 : f32
        %mul3A_293 = vector.broadcast %mul3A_292 : f32 to vector<16xf32>
        %mul3A_294 = arith.mulf %mul3A_293, %add3A_288 : vector<16xf32>
        %select_n3A_295 = arith.select %ge3A_291, %add3A_288, %mul3A_294 : vector<16xi1>, vector<16xf32>
        %exp3A_296 = math.exp %select_n3A_295 : vector<16xf32>
        %jit3A_297 = arith.constant 0.000000e+00 : f32
        %broadcast_in_dim3A_298 = vector.broadcast %jit3A_297 : f32 to vector<16xf32>
        %select_n3A_299 = arith.select %lt3A_262, %exp3A_296, %broadcast_in_dim3A_298 : vector<16xi1>, vector<16xf32>
        %swap3A_300 = arith.constant 32 : index
        %swap3A_301 = tpu.vector_load %arg16[%swap3A_300] {strides = array<i32>} : memref<64xf32, #tpu.memory_space<vmem>>, vector<16xf32>,
        tpu.vector_store %arg16[%swap3A_300], %select_n3A_299 {strides = array<i32>} : memref<64xf32, #tpu.memory_space<vmem>>, vector<16xf32>,
        tpu.vector_store_idx %arg31[%get3A_265], %select_n3A_299 {add = true} : memref<10000xf32, #tpu.memory_space<vmem>>[vector<16xi32>], vector<16xf32>,
        %mul3A_302 = arith.constant 512 : i32
        %mul3A_303 = arith.muli %add3A_56, %mul3A_302 : i32
        %add3A_304 = arith.addi %mul3A_23, %mul3A_303 : i32
        %mul3A_305 = arith.constant 64 : i32
        %mul3A_306 = arith.muli %add3A_119, %mul3A_305 : i32
        %add3A_307 = arith.addi %add3A_304, %mul3A_306 : i32
        %add3A_308 = arith.constant 48 : i32
        %add3A_309 = arith.addi %add3A_307, %add3A_308 : i32
        %add3A_310 = vector.broadcast %add3A_309 : i32 to vector<16xi32>
        %add3A_311 = arith.addi %add3A_310, %iota3A : vector<16xi32>
        %lt3A_312 = arith.constant 160000 : i32
        %lt3A_313 = vector.broadcast %lt3A_312 : i32 to vector<16xi32>
        %lt3A_314 = arith.cmpi slt, %add3A_311, %lt3A_313 : vector<16xi32>
        %get3A_315 = arith.index_cast %add3A_119 : i32 to index
        %get3A_316 = arith.constant 48 : index
        %get3A_317 = tpu.vector_load %arg12[%get3A_315, %get3A_316] {strides = array<i32>} : memref<8x64xi32, #tpu.memory_space<vmem>>, vector<16xi32>,
        %get3A_318 = arith.constant 48 : index
        %get3A_319 = tpu.vector_load %arg22[%get3A_318] {strides = array<i32>} : memref<64xf32, #tpu.memory_space<vmem>>, vector<16xf32>,
        %get3A_320 = arith.constant 48 : index
        %get3A_321 = tpu.vector_load %arg23[%get3A_320] {strides = array<i32>} : memref<64xf32, #tpu.memory_space<vmem>>, vector<16xf32>,
        %add3A_322 = arith.addf %get3A_319, %get3A_321 : vector<16xf32>
        %ge3A_323 = arith.constant 0.000000e+00 : f32
        %ge3A_324 = vector.broadcast %ge3A_323 : f32 to vector<16xf32>
        %ge3A_325 = arith.cmpf oge, %add3A_322, %ge3A_324 : vector<16xf32>
        %mul3A_326 = arith.constant 2.000000e-01 : f32
        %mul3A_327 = vector.broadcast %mul3A_326 : f32 to vector<16xf32>
        %mul3A_328 = arith.mulf %mul3A_327, %add3A_322 : vector<16xf32>
        %select_n3A_329 = arith.select %ge3A_325, %add3A_322, %mul3A_328 : vector<16xi1>, vector<16xf32>
        %exp3A_330 = math.exp %select_n3A_329 : vector<16xf32>
        %jit3A_331 = arith.constant 0.000000e+00 : f32
        %broadcast_in_dim3A_332 = vector.broadcast %jit3A_331 : f32 to vector<16xf32>
        %select_n3A_333 = arith.select %lt3A_314, %exp3A_330, %broadcast_in_dim3A_332 : vector<16xi1>, vector<16xf32>
        %swap3A_334 = arith.constant 48 : index
        %swap3A_335 = tpu.vector_load %arg15[%swap3A_334] {strides = array<i32>} : memref<64xf32, #tpu.memory_space<vmem>>, vector<16xf32>,
        tpu.vector_store %arg15[%swap3A_334], %select_n3A_333 {strides = array<i32>} : memref<64xf32, #tpu.memory_space<vmem>>, vector<16xf32>,
        tpu.vector_store_idx %arg30[%get3A_317], %select_n3A_333 {add = true} : memref<10000xf32, #tpu.memory_space<vmem>>[vector<16xi32>], vector<16xf32>,
        %get3A_336 = arith.constant 48 : index
        %get3A_337 = tpu.vector_load %arg26[%get3A_336] {strides = array<i32>} : memref<64xf32, #tpu.memory_space<vmem>>, vector<16xf32>,
        %get3A_338 = arith.constant 48 : index
        %get3A_339 = tpu.vector_load %arg27[%get3A_338] {strides = array<i32>} : memref<64xf32, #tpu.memory_space<vmem>>, vector<16xf32>,
        %add3A_340 = arith.addf %get3A_337, %get3A_339 : vector<16xf32>
        %ge3A_341 = arith.constant 0.000000e+00 : f32
        %ge3A_342 = vector.broadcast %ge3A_341 : f32 to vector<16xf32>
        %ge3A_343 = arith.cmpf oge, %add3A_340, %ge3A_342 : vector<16xf32>
        %mul3A_344 = arith.constant 2.000000e-01 : f32
        %mul3A_345 = vector.broadcast %mul3A_344 : f32 to vector<16xf32>
        %mul3A_346 = arith.mulf %mul3A_345, %add3A_340 : vector<16xf32>
        %select_n3A_347 = arith.select %ge3A_343, %add3A_340, %mul3A_346 : vector<16xi1>, vector<16xf32>
        %exp3A_348 = math.exp %select_n3A_347 : vector<16xf32>
        %jit3A_349 = arith.constant 0.000000e+00 : f32
        %broadcast_in_dim3A_350 = vector.broadcast %jit3A_349 : f32 to vector<16xf32>
        %select_n3A_351 = arith.select %lt3A_314, %exp3A_348, %broadcast_in_dim3A_350 : vector<16xi1>, vector<16xf32>
        %swap3A_352 = arith.constant 48 : index
        %swap3A_353 = tpu.vector_load %arg16[%swap3A_352] {strides = array<i32>} : memref<64xf32, #tpu.memory_space<vmem>>, vector<16xf32>,
        tpu.vector_store %arg16[%swap3A_352], %select_n3A_351 {strides = array<i32>} : memref<64xf32, #tpu.memory_space<vmem>>, vector<16xf32>,
        tpu.vector_store_idx %arg31[%get3A_317], %select_n3A_351 {add = true} : memref<10000xf32, #tpu.memory_space<vmem>>[vector<16xi32>], vector<16xf32>,
        %scan3A_354 = arith.constant 0 : i32
        %scan3A_355 = arith.constant 64 : i32
        %scan3A_356 = arith.addi %scan3A_354, %scan3A_355 : i32
        %scan3A_357 = arith.constant 1 : i32
        scf.for %scan3A_621 = %scan3A_354 to %scan3A_356 step %scan3A_357  : i32 {
          %mul3A_622 = arith.constant 1 : i32
          %mul3A_623 = arith.muli %scan3A_621, %mul3A_622 : i32
          %add3A_624 = arith.constant 0 : i32
          %add3A_625 = arith.addi %add3A_624, %mul3A_623 : i32
          %broadcast_in_dim3A_626 = vector.broadcast %add3A_625 : i32 to vector<16xi32>
          %gather3A = tpu.vector_load_idx %arg15[%broadcast_in_dim3A_626] : memref<64xf32, #tpu.memory_space<vmem>>[vector<16xi32>], vector<16xf32>,
          %gather3A_627 = tpu.vector_load_idx %arg16[%broadcast_in_dim3A_626] : memref<64xf32, #tpu.memory_space<vmem>>[vector<16xi32>], vector<16xf32>,
          %get3A_628 = arith.index_cast %add3A_625 : i32 to index
          %get3A_629 = arith.constant 0 : index
          %get3A_630 = tpu.vector_load %arg13[%get3A_628, %get3A_629] {strides = array<i32>} : memref<64x128xf32, #tpu.memory_space<vmem>>, vector<16xf32>,
          %mul3A_631 = arith.mulf %get3A_630, %gather3A : vector<16xf32>
          %swap3A_632 = arith.index_cast %add3A_625 : i32 to index
          %swap3A_633 = arith.constant 0 : index
          %swap3A_634 = tpu.vector_load %arg13[%swap3A_632, %swap3A_633] {strides = array<i32>} : memref<64x128xf32, #tpu.memory_space<vmem>>, vector<16xf32>,
          tpu.vector_store %arg13[%swap3A_632, %swap3A_633], %mul3A_631 {strides = array<i32>} : memref<64x128xf32, #tpu.memory_space<vmem>>, vector<16xf32>,
          %get3A_635 = arith.index_cast %add3A_625 : i32 to index
          %get3A_636 = arith.constant 16 : index
          %get3A_637 = tpu.vector_load %arg13[%get3A_635, %get3A_636] {strides = array<i32>} : memref<64x128xf32, #tpu.memory_space<vmem>>, vector<16xf32>,
          %mul3A_638 = arith.mulf %get3A_637, %gather3A : vector<16xf32>
          %swap3A_639 = arith.index_cast %add3A_625 : i32 to index
          %swap3A_640 = arith.constant 16 : index
          %swap3A_641 = tpu.vector_load %arg13[%swap3A_639, %swap3A_640] {strides = array<i32>} : memref<64x128xf32, #tpu.memory_space<vmem>>, vector<16xf32>,
          tpu.vector_store %arg13[%swap3A_639, %swap3A_640], %mul3A_638 {strides = array<i32>} : memref<64x128xf32, #tpu.memory_space<vmem>>, vector<16xf32>,
          %get3A_642 = arith.index_cast %add3A_625 : i32 to index
          %get3A_643 = arith.constant 32 : index
          %get3A_644 = tpu.vector_load %arg13[%get3A_642, %get3A_643] {strides = array<i32>} : memref<64x128xf32, #tpu.memory_space<vmem>>, vector<16xf32>,
          %mul3A_645 = arith.mulf %get3A_644, %gather3A : vector<16xf32>
          %swap3A_646 = arith.index_cast %add3A_625 : i32 to index
          %swap3A_647 = arith.constant 32 : index
          %swap3A_648 = tpu.vector_load %arg13[%swap3A_646, %swap3A_647] {strides = array<i32>} : memref<64x128xf32, #tpu.memory_space<vmem>>, vector<16xf32>,
          tpu.vector_store %arg13[%swap3A_646, %swap3A_647], %mul3A_645 {strides = array<i32>} : memref<64x128xf32, #tpu.memory_space<vmem>>, vector<16xf32>,
          %get3A_649 = arith.index_cast %add3A_625 : i32 to index
          %get3A_650 = arith.constant 48 : index
          %get3A_651 = tpu.vector_load %arg13[%get3A_649, %get3A_650] {strides = array<i32>} : memref<64x128xf32, #tpu.memory_space<vmem>>, vector<16xf32>,
          %mul3A_652 = arith.mulf %get3A_651, %gather3A : vector<16xf32>
          %swap3A_653 = arith.index_cast %add3A_625 : i32 to index
          %swap3A_654 = arith.constant 48 : index
          %swap3A_655 = tpu.vector_load %arg13[%swap3A_653, %swap3A_654] {strides = array<i32>} : memref<64x128xf32, #tpu.memory_space<vmem>>, vector<16xf32>,
          tpu.vector_store %arg13[%swap3A_653, %swap3A_654], %mul3A_652 {strides = array<i32>} : memref<64x128xf32, #tpu.memory_space<vmem>>, vector<16xf32>,
          %get3A_656 = arith.index_cast %add3A_625 : i32 to index
          %get3A_657 = arith.constant 64 : index
          %get3A_658 = tpu.vector_load %arg13[%get3A_656, %get3A_657] {strides = array<i32>} : memref<64x128xf32, #tpu.memory_space<vmem>>, vector<16xf32>,
          %mul3A_659 = arith.mulf %get3A_658, %gather3A_627 : vector<16xf32>
          %swap3A_660 = arith.index_cast %add3A_625 : i32 to index
          %swap3A_661 = arith.constant 64 : index
          %swap3A_662 = tpu.vector_load %arg13[%swap3A_660, %swap3A_661] {strides = array<i32>} : memref<64x128xf32, #tpu.memory_space<vmem>>, vector<16xf32>,
          tpu.vector_store %arg13[%swap3A_660, %swap3A_661], %mul3A_659 {strides = array<i32>} : memref<64x128xf32, #tpu.memory_space<vmem>>, vector<16xf32>,
          %get3A_663 = arith.index_cast %add3A_625 : i32 to index
          %get3A_664 = arith.constant 80 : index
          %get3A_665 = tpu.vector_load %arg13[%get3A_663, %get3A_664] {strides = array<i32>} : memref<64x128xf32, #tpu.memory_space<vmem>>, vector<16xf32>,
          %mul3A_666 = arith.mulf %get3A_665, %gather3A_627 : vector<16xf32>
          %swap3A_667 = arith.index_cast %add3A_625 : i32 to index
          %swap3A_668 = arith.constant 80 : index
          %swap3A_669 = tpu.vector_load %arg13[%swap3A_667, %swap3A_668] {strides = array<i32>} : memref<64x128xf32, #tpu.memory_space<vmem>>, vector<16xf32>,
          tpu.vector_store %arg13[%swap3A_667, %swap3A_668], %mul3A_666 {strides = array<i32>} : memref<64x128xf32, #tpu.memory_space<vmem>>, vector<16xf32>,
          %get3A_670 = arith.index_cast %add3A_625 : i32 to index
          %get3A_671 = arith.constant 96 : index
          %get3A_672 = tpu.vector_load %arg13[%get3A_670, %get3A_671] {strides = array<i32>} : memref<64x128xf32, #tpu.memory_space<vmem>>, vector<16xf32>,
          %mul3A_673 = arith.mulf %get3A_672, %gather3A_627 : vector<16xf32>
          %swap3A_674 = arith.index_cast %add3A_625 : i32 to index
          %swap3A_675 = arith.constant 96 : index
          %swap3A_676 = tpu.vector_load %arg13[%swap3A_674, %swap3A_675] {strides = array<i32>} : memref<64x128xf32, #tpu.memory_space<vmem>>, vector<16xf32>,
          tpu.vector_store %arg13[%swap3A_674, %swap3A_675], %mul3A_673 {strides = array<i32>} : memref<64x128xf32, #tpu.memory_space<vmem>>, vector<16xf32>,
          %get3A_677 = arith.index_cast %add3A_625 : i32 to index
          %get3A_678 = arith.constant 112 : index
          %get3A_679 = tpu.vector_load %arg13[%get3A_677, %get3A_678] {strides = array<i32>} : memref<64x128xf32, #tpu.memory_space<vmem>>, vector<16xf32>,
          %mul3A_680 = arith.mulf %get3A_679, %gather3A_627 : vector<16xf32>
          %swap3A_681 = arith.index_cast %add3A_625 : i32 to index
          %swap3A_682 = arith.constant 112 : index
          %swap3A_683 = tpu.vector_load %arg13[%swap3A_681, %swap3A_682] {strides = array<i32>} : memref<64x128xf32, #tpu.memory_space<vmem>>, vector<16xf32>,
          tpu.vector_store %arg13[%swap3A_681, %swap3A_682], %mul3A_680 {strides = array<i32>} : memref<64x128xf32, #tpu.memory_space<vmem>>, vector<16xf32>,
        }
        %scan3A_358 = arith.constant 64 : i32
        %dma_start3A_359 = arith.constant 0 : i32
        %dma_start3A_360 = tpu.memref_slice %arg12[%add3A_119, %dma_start3A_359] : memref<8x64xi32, #tpu.memory_space<vmem>> -> memref<1x64xi32, #tpu.memory_space<vmem>>
        %dma_start3A_361 = tpu.memref_squeeze %dma_start3A_360 : memref<1x64xi32, #tpu.memory_space<vmem>> -> memref<64xi32, #tpu.memory_space<vmem>>
        %dma_start3A_362 = arith.constant 0 : i32
        %dma_start3A_363 = arith.constant 0 : i32
        %dma_start3A_364 = tpu.memref_slice %arg21[%dma_start3A_362, %dma_start3A_363] : memref<10000x128xf32, #tpu.memory_space<vmem_shared>> -> memref<10000x128xf32, #tpu.memory_space<vmem_shared>>
        tpu.enqueue_indirect_dma source(%arg13 : memref<64x128xf32, #tpu.memory_space<vmem>>) target(%dma_start3A_364 : memref<10000x128xf32, #tpu.memory_space<vmem_shared>>) offsets(%dma_start3A_361 : memref<64xi32, #tpu.memory_space<vmem>>) semaphore(%arg19 : memref<!tpu.dma_semaphore, #tpu.memory_space<semaphore_mem>>) {add = true}
        %mul3A_365 = arith.constant 2 : i32
        %mul3A_366 = arith.muli %add3A_115, %mul3A_365 : i32
        %add3A_367 = arith.constant 1 : i32
        %add3A_368 = arith.addi %mul3A_366, %add3A_367 : i32
        %dma_wait3A_369 = arith.constant 0 : i32
        %dma_wait3A_370 = tpu.memref_slice %arg11[%add3A_368, %dma_wait3A_369] : memref<8x64xi32, #tpu.memory_space<vmem>> -> memref<1x64xi32, #tpu.memory_space<vmem>>
        %dma_wait3A_371 = tpu.memref_squeeze %dma_wait3A_370 : memref<1x64xi32, #tpu.memory_space<vmem>> -> memref<64xi32, #tpu.memory_space<vmem>>
        %dma_wait3A_372 = arith.constant 0 : i32
        %dma_wait3A_373 = arith.constant 0 : i32
        %dma_wait3A_374 = tpu.memref_slice %arg2[%dma_wait3A_372, %dma_wait3A_373] : memref<10000x128xf32, #tpu.memory_space<hbm>> -> memref<10000x128xf32, #tpu.memory_space<hbm>>
        tpu.wait_indirect_dma semaphore(%arg18 : memref<!tpu.dma_semaphore, #tpu.memory_space<semaphore_mem>>) src(%dma_wait3A_374 : memref<10000x128xf32, #tpu.memory_space<hbm>>) dst(%arg14 : memref<64x128xf32, #tpu.memory_space<vmem>>)
        %dma_wait3A_375 = arith.constant 0 : i32
        %dma_wait3A_376 = tpu.memref_slice %arg11[%add3A_368, %dma_wait3A_375] : memref<8x64xi32, #tpu.memory_space<vmem>> -> memref<1x64xi32, #tpu.memory_space<vmem>>
        %dma_wait3A_377 = tpu.memref_squeeze %dma_wait3A_376 : memref<1x64xi32, #tpu.memory_space<vmem>> -> memref<64xi32, #tpu.memory_space<vmem>>
        %dma_wait3A_378 = arith.constant 0 : i32
        %dma_wait3A_379 = tpu.memref_slice %arg3[%dma_wait3A_378] : memref<10000xf32, #tpu.memory_space<hbm>> -> memref<10000xf32, #tpu.memory_space<hbm>>
        tpu.wait_indirect_dma semaphore(%arg18 : memref<!tpu.dma_semaphore, #tpu.memory_space<semaphore_mem>>) src(%dma_wait3A_379 : memref<10000xf32, #tpu.memory_space<hbm>>) dst(%arg24 : memref<64xf32, #tpu.memory_space<vmem>>)
        %dma_wait3A_380 = arith.constant 0 : i32
        %dma_wait3A_381 = tpu.memref_slice %arg12[%add3A_368, %dma_wait3A_380] : memref<8x64xi32, #tpu.memory_space<vmem>> -> memref<1x64xi32, #tpu.memory_space<vmem>>
        %dma_wait3A_382 = tpu.memref_squeeze %dma_wait3A_381 : memref<1x64xi32, #tpu.memory_space<vmem>> -> memref<64xi32, #tpu.memory_space<vmem>>
        %dma_wait3A_383 = arith.constant 0 : i32
        %dma_wait3A_384 = tpu.memref_slice %arg4[%dma_wait3A_383] : memref<10000xf32, #tpu.memory_space<hbm>> -> memref<10000xf32, #tpu.memory_space<hbm>>
        tpu.wait_indirect_dma semaphore(%arg18 : memref<!tpu.dma_semaphore, #tpu.memory_space<semaphore_mem>>) src(%dma_wait3A_384 : memref<10000xf32, #tpu.memory_space<hbm>>) dst(%arg25 : memref<64xf32, #tpu.memory_space<vmem>>)
        %dma_wait3A_385 = arith.constant 0 : i32
        %dma_wait3A_386 = tpu.memref_slice %arg11[%add3A_368, %dma_wait3A_385] : memref<8x64xi32, #tpu.memory_space<vmem>> -> memref<1x64xi32, #tpu.memory_space<vmem>>
        %dma_wait3A_387 = tpu.memref_squeeze %dma_wait3A_386 : memref<1x64xi32, #tpu.memory_space<vmem>> -> memref<64xi32, #tpu.memory_space<vmem>>
        %dma_wait3A_388 = arith.constant 0 : i32
        %dma_wait3A_389 = tpu.memref_slice %arg5[%dma_wait3A_388] : memref<10000xf32, #tpu.memory_space<hbm>> -> memref<10000xf32, #tpu.memory_space<hbm>>
        tpu.wait_indirect_dma semaphore(%arg18 : memref<!tpu.dma_semaphore, #tpu.memory_space<semaphore_mem>>) src(%dma_wait3A_389 : memref<10000xf32, #tpu.memory_space<hbm>>) dst(%arg28 : memref<64xf32, #tpu.memory_space<vmem>>)
        %dma_wait3A_390 = arith.constant 0 : i32
        %dma_wait3A_391 = tpu.memref_slice %arg12[%add3A_368, %dma_wait3A_390] : memref<8x64xi32, #tpu.memory_space<vmem>> -> memref<1x64xi32, #tpu.memory_space<vmem>>
        %dma_wait3A_392 = tpu.memref_squeeze %dma_wait3A_391 : memref<1x64xi32, #tpu.memory_space<vmem>> -> memref<64xi32, #tpu.memory_space<vmem>>
        %dma_wait3A_393 = arith.constant 0 : i32
        %dma_wait3A_394 = tpu.memref_slice %arg6[%dma_wait3A_393] : memref<10000xf32, #tpu.memory_space<hbm>> -> memref<10000xf32, #tpu.memory_space<hbm>>
        tpu.wait_indirect_dma semaphore(%arg18 : memref<!tpu.dma_semaphore, #tpu.memory_space<semaphore_mem>>) src(%dma_wait3A_394 : memref<10000xf32, #tpu.memory_space<hbm>>) dst(%arg29 : memref<64xf32, #tpu.memory_space<vmem>>)
        %add3A_395 = arith.constant 1 : i32
        %add3A_396 = arith.addi %add3A_368, %add3A_395 : i32
        %lt3A_397 = arith.constant 8 : i32
        %lt3A_398 = arith.cmpi slt, %add3A_396, %lt3A_397 : i32
        %convert_element_type3A_399 = arith.extui %lt3A_398 : i1 to i32
        %cond3A_400 = arith.constant 0 : i32
        %cond3A_401 = arith.cmpi ne, %convert_element_type3A_399, %cond3A_400 : i32
        scf.if %cond3A_401 {
          %ge3A_621 = arith.constant 1 : i32
          %ge3A_622 = arith.cmpi sge, %add3A_368, %ge3A_621 : i32
          %convert_element_type3A_623 = arith.extui %ge3A_622 : i1 to i32
          %cond3A_624 = arith.constant 0 : i32
          %cond3A_625 = arith.cmpi ne, %convert_element_type3A_623, %cond3A_624 : i32
          scf.if %cond3A_625 {
            %dma_wait3A_654 = arith.constant 0 : i32
            %dma_wait3A_655 = arith.constant 0 : i32
            %dma_wait3A_656 = tpu.memref_slice %arg12[%dma_wait3A_654, %dma_wait3A_655] : memref<8x64xi32, #tpu.memory_space<vmem>> -> memref<1x64xi32, #tpu.memory_space<vmem>>
            %dma_wait3A_657 = tpu.memref_squeeze %dma_wait3A_656 : memref<1x64xi32, #tpu.memory_space<vmem>> -> memref<64xi32, #tpu.memory_space<vmem>>
            %dma_wait3A_658 = arith.constant 0 : i32
            %dma_wait3A_659 = arith.constant 0 : i32
            %dma_wait3A_660 = tpu.memref_slice %arg21[%dma_wait3A_658, %dma_wait3A_659] : memref<10000x128xf32, #tpu.memory_space<vmem_shared>> -> memref<10000x128xf32, #tpu.memory_space<vmem_shared>>
            tpu.wait_indirect_dma semaphore(%arg19 : memref<!tpu.dma_semaphore, #tpu.memory_space<semaphore_mem>>) src(%arg13 : memref<64x128xf32, #tpu.memory_space<vmem>>) dst(%dma_wait3A_660 : memref<10000x128xf32, #tpu.memory_space<vmem_shared>>)
          } else {
          }
          %add3A_626 = arith.constant 1 : i32
          %add3A_627 = arith.addi %add3A_368, %add3A_626 : i32
          %dma_start3A_628 = arith.constant 0 : i32
          %dma_start3A_629 = tpu.memref_slice %arg11[%add3A_627, %dma_start3A_628] : memref<8x64xi32, #tpu.memory_space<vmem>> -> memref<1x64xi32, #tpu.memory_space<vmem>>
          %dma_start3A_630 = tpu.memref_squeeze %dma_start3A_629 : memref<1x64xi32, #tpu.memory_space<vmem>> -> memref<64xi32, #tpu.memory_space<vmem>>
          %dma_start3A_631 = arith.constant 0 : i32
          %dma_start3A_632 = arith.constant 0 : i32
          %dma_start3A_633 = tpu.memref_slice %arg2[%dma_start3A_631, %dma_start3A_632] : memref<10000x128xf32, #tpu.memory_space<hbm>> -> memref<10000x128xf32, #tpu.memory_space<hbm>>
          tpu.enqueue_indirect_dma source(%dma_start3A_633 : memref<10000x128xf32, #tpu.memory_space<hbm>>) target(%arg13 : memref<64x128xf32, #tpu.memory_space<vmem>>) offsets(%dma_start3A_630 : memref<64xi32, #tpu.memory_space<vmem>>) semaphore(%arg17 : memref<!tpu.dma_semaphore, #tpu.memory_space<semaphore_mem>>)
          %dma_start3A_634 = arith.constant 0 : i32
          %dma_start3A_635 = tpu.memref_slice %arg11[%add3A_627, %dma_start3A_634] : memref<8x64xi32, #tpu.memory_space<vmem>> -> memref<1x64xi32, #tpu.memory_space<vmem>>
          %dma_start3A_636 = tpu.memref_squeeze %dma_start3A_635 : memref<1x64xi32, #tpu.memory_space<vmem>> -> memref<64xi32, #tpu.memory_space<vmem>>
          %dma_start3A_637 = arith.constant 0 : i32
          %dma_start3A_638 = tpu.memref_slice %arg3[%dma_start3A_637] : memref<10000xf32, #tpu.memory_space<hbm>> -> memref<10000xf32, #tpu.memory_space<hbm>>
          tpu.enqueue_indirect_dma source(%dma_start3A_638 : memref<10000xf32, #tpu.memory_space<hbm>>) target(%arg22 : memref<64xf32, #tpu.memory_space<vmem>>) offsets(%dma_start3A_636 : memref<64xi32, #tpu.memory_space<vmem>>) semaphore(%arg17 : memref<!tpu.dma_semaphore, #tpu.memory_space<semaphore_mem>>)
          %dma_start3A_639 = arith.constant 0 : i32
          %dma_start3A_640 = tpu.memref_slice %arg12[%add3A_627, %dma_start3A_639] : memref<8x64xi32, #tpu.memory_space<vmem>> -> memref<1x64xi32, #tpu.memory_space<vmem>>
          %dma_start3A_641 = tpu.memref_squeeze %dma_start3A_640 : memref<1x64xi32, #tpu.memory_space<vmem>> -> memref<64xi32, #tpu.memory_space<vmem>>
          %dma_start3A_642 = arith.constant 0 : i32
          %dma_start3A_643 = tpu.memref_slice %arg4[%dma_start3A_642] : memref<10000xf32, #tpu.memory_space<hbm>> -> memref<10000xf32, #tpu.memory_space<hbm>>
          tpu.enqueue_indirect_dma source(%dma_start3A_643 : memref<10000xf32, #tpu.memory_space<hbm>>) target(%arg23 : memref<64xf32, #tpu.memory_space<vmem>>) offsets(%dma_start3A_641 : memref<64xi32, #tpu.memory_space<vmem>>) semaphore(%arg17 : memref<!tpu.dma_semaphore, #tpu.memory_space<semaphore_mem>>)
          %dma_start3A_644 = arith.constant 0 : i32
          %dma_start3A_645 = tpu.memref_slice %arg11[%add3A_627, %dma_start3A_644] : memref<8x64xi32, #tpu.memory_space<vmem>> -> memref<1x64xi32, #tpu.memory_space<vmem>>
          %dma_start3A_646 = tpu.memref_squeeze %dma_start3A_645 : memref<1x64xi32, #tpu.memory_space<vmem>> -> memref<64xi32, #tpu.memory_space<vmem>>
          %dma_start3A_647 = arith.constant 0 : i32
          %dma_start3A_648 = tpu.memref_slice %arg5[%dma_start3A_647] : memref<10000xf32, #tpu.memory_space<hbm>> -> memref<10000xf32, #tpu.memory_space<hbm>>
          tpu.enqueue_indirect_dma source(%dma_start3A_648 : memref<10000xf32, #tpu.memory_space<hbm>>) target(%arg26 : memref<64xf32, #tpu.memory_space<vmem>>) offsets(%dma_start3A_646 : memref<64xi32, #tpu.memory_space<vmem>>) semaphore(%arg17 : memref<!tpu.dma_semaphore, #tpu.memory_space<semaphore_mem>>)
          %dma_start3A_649 = arith.constant 0 : i32
          %dma_start3A_650 = tpu.memref_slice %arg12[%add3A_627, %dma_start3A_649] : memref<8x64xi32, #tpu.memory_space<vmem>> -> memref<1x64xi32, #tpu.memory_space<vmem>>
          %dma_start3A_651 = tpu.memref_squeeze %dma_start3A_650 : memref<1x64xi32, #tpu.memory_space<vmem>> -> memref<64xi32, #tpu.memory_space<vmem>>
          %dma_start3A_652 = arith.constant 0 : i32
          %dma_start3A_653 = tpu.memref_slice %arg6[%dma_start3A_652] : memref<10000xf32, #tpu.memory_space<hbm>> -> memref<10000xf32, #tpu.memory_space<hbm>>
          tpu.enqueue_indirect_dma source(%dma_start3A_653 : memref<10000xf32, #tpu.memory_space<hbm>>) target(%arg27 : memref<64xf32, #tpu.memory_space<vmem>>) offsets(%dma_start3A_651 : memref<64xi32, #tpu.memory_space<vmem>>) semaphore(%arg17 : memref<!tpu.dma_semaphore, #tpu.memory_space<semaphore_mem>>)
        } else {
        }
        %mul3A_402 = arith.constant 512 : i32
        %mul3A_403 = arith.muli %add3A_56, %mul3A_402 : i32
        %add3A_404 = arith.addi %mul3A_23, %mul3A_403 : i32
        %mul3A_405 = arith.constant 64 : i32
        %mul3A_406 = arith.muli %add3A_368, %mul3A_405 : i32
        %add3A_407 = arith.addi %add3A_404, %mul3A_406 : i32
        %add3A_408 = arith.constant 0 : i32
        %add3A_409 = arith.addi %add3A_407, %add3A_408 : i32
        %add3A_410 = vector.broadcast %add3A_409 : i32 to vector<16xi32>
        %add3A_411 = arith.addi %add3A_410, %iota3A : vector<16xi32>
        %lt3A_412 = arith.constant 160000 : i32
        %lt3A_413 = vector.broadcast %lt3A_412 : i32 to vector<16xi32>
        %lt3A_414 = arith.cmpi slt, %add3A_411, %lt3A_413 : vector<16xi32>
        %get3A_415 = arith.index_cast %add3A_368 : i32 to index
        %get3A_416 = arith.constant 0 : index
        %get3A_417 = tpu.vector_load %arg12[%get3A_415, %get3A_416] {strides = array<i32>} : memref<8x64xi32, #tpu.memory_space<vmem>>, vector<16xi32>,
        %get3A_418 = arith.constant 0 : index
        %get3A_419 = tpu.vector_load %arg24[%get3A_418] {strides = array<i32>} : memref<64xf32, #tpu.memory_space<vmem>>, vector<16xf32>,
        %get3A_420 = arith.constant 0 : index
        %get3A_421 = tpu.vector_load %arg25[%get3A_420] {strides = array<i32>} : memref<64xf32, #tpu.memory_space<vmem>>, vector<16xf32>,
        %add3A_422 = arith.addf %get3A_419, %get3A_421 : vector<16xf32>
        %ge3A_423 = arith.constant 0.000000e+00 : f32
        %ge3A_424 = vector.broadcast %ge3A_423 : f32 to vector<16xf32>
        %ge3A_425 = arith.cmpf oge, %add3A_422, %ge3A_424 : vector<16xf32>
        %mul3A_426 = arith.constant 2.000000e-01 : f32
        %mul3A_427 = vector.broadcast %mul3A_426 : f32 to vector<16xf32>
        %mul3A_428 = arith.mulf %mul3A_427, %add3A_422 : vector<16xf32>
        %select_n3A_429 = arith.select %ge3A_425, %add3A_422, %mul3A_428 : vector<16xi1>, vector<16xf32>
        %exp3A_430 = math.exp %select_n3A_429 : vector<16xf32>
        %jit3A_431 = arith.constant 0.000000e+00 : f32
        %broadcast_in_dim3A_432 = vector.broadcast %jit3A_431 : f32 to vector<16xf32>
        %select_n3A_433 = arith.select %lt3A_414, %exp3A_430, %broadcast_in_dim3A_432 : vector<16xi1>, vector<16xf32>
        %swap3A_434 = arith.constant 0 : index
        %swap3A_435 = tpu.vector_load %arg15[%swap3A_434] {strides = array<i32>} : memref<64xf32, #tpu.memory_space<vmem>>, vector<16xf32>,
        tpu.vector_store %arg15[%swap3A_434], %select_n3A_433 {strides = array<i32>} : memref<64xf32, #tpu.memory_space<vmem>>, vector<16xf32>,
        tpu.vector_store_idx %arg30[%get3A_417], %select_n3A_433 {add = true} : memref<10000xf32, #tpu.memory_space<vmem>>[vector<16xi32>], vector<16xf32>,
        %get3A_436 = arith.constant 0 : index
        %get3A_437 = tpu.vector_load %arg28[%get3A_436] {strides = array<i32>} : memref<64xf32, #tpu.memory_space<vmem>>, vector<16xf32>,
        %get3A_438 = arith.constant 0 : index
        %get3A_439 = tpu.vector_load %arg29[%get3A_438] {strides = array<i32>} : memref<64xf32, #tpu.memory_space<vmem>>, vector<16xf32>,
        %add3A_440 = arith.addf %get3A_437, %get3A_439 : vector<16xf32>
        %ge3A_441 = arith.constant 0.000000e+00 : f32
        %ge3A_442 = vector.broadcast %ge3A_441 : f32 to vector<16xf32>
        %ge3A_443 = arith.cmpf oge, %add3A_440, %ge3A_442 : vector<16xf32>
        %mul3A_444 = arith.constant 2.000000e-01 : f32
        %mul3A_445 = vector.broadcast %mul3A_444 : f32 to vector<16xf32>
        %mul3A_446 = arith.mulf %mul3A_445, %add3A_440 : vector<16xf32>
        %select_n3A_447 = arith.select %ge3A_443, %add3A_440, %mul3A_446 : vector<16xi1>, vector<16xf32>
        %exp3A_448 = math.exp %select_n3A_447 : vector<16xf32>
        %jit3A_449 = arith.constant 0.000000e+00 : f32
        %broadcast_in_dim3A_450 = vector.broadcast %jit3A_449 : f32 to vector<16xf32>
        %select_n3A_451 = arith.select %lt3A_414, %exp3A_448, %broadcast_in_dim3A_450 : vector<16xi1>, vector<16xf32>
        %swap3A_452 = arith.constant 0 : index
        %swap3A_453 = tpu.vector_load %arg16[%swap3A_452] {strides = array<i32>} : memref<64xf32, #tpu.memory_space<vmem>>, vector<16xf32>,
        tpu.vector_store %arg16[%swap3A_452], %select_n3A_451 {strides = array<i32>} : memref<64xf32, #tpu.memory_space<vmem>>, vector<16xf32>,
        tpu.vector_store_idx %arg31[%get3A_417], %select_n3A_451 {add = true} : memref<10000xf32, #tpu.memory_space<vmem>>[vector<16xi32>], vector<16xf32>,
        %mul3A_454 = arith.constant 512 : i32
        %mul3A_455 = arith.muli %add3A_56, %mul3A_454 : i32
        %add3A_456 = arith.addi %mul3A_23, %mul3A_455 : i32
        %mul3A_457 = arith.constant 64 : i32
        %mul3A_458 = arith.muli %add3A_368, %mul3A_457 : i32
        %add3A_459 = arith.addi %add3A_456, %mul3A_458 : i32
        %add3A_460 = arith.constant 16 : i32
        %add3A_461 = arith.addi %add3A_459, %add3A_460 : i32
        %add3A_462 = vector.broadcast %add3A_461 : i32 to vector<16xi32>
        %add3A_463 = arith.addi %add3A_462, %iota3A : vector<16xi32>
        %lt3A_464 = arith.constant 160000 : i32
        %lt3A_465 = vector.broadcast %lt3A_464 : i32 to vector<16xi32>
        %lt3A_466 = arith.cmpi slt, %add3A_463, %lt3A_465 : vector<16xi32>
        %get3A_467 = arith.index_cast %add3A_368 : i32 to index
        %get3A_468 = arith.constant 16 : index
        %get3A_469 = tpu.vector_load %arg12[%get3A_467, %get3A_468] {strides = array<i32>} : memref<8x64xi32, #tpu.memory_space<vmem>>, vector<16xi32>,
        %get3A_470 = arith.constant 16 : index
        %get3A_471 = tpu.vector_load %arg24[%get3A_470] {strides = array<i32>} : memref<64xf32, #tpu.memory_space<vmem>>, vector<16xf32>,
        %get3A_472 = arith.constant 16 : index
        %get3A_473 = tpu.vector_load %arg25[%get3A_472] {strides = array<i32>} : memref<64xf32, #tpu.memory_space<vmem>>, vector<16xf32>,
        %add3A_474 = arith.addf %get3A_471, %get3A_473 : vector<16xf32>
        %ge3A_475 = arith.constant 0.000000e+00 : f32
        %ge3A_476 = vector.broadcast %ge3A_475 : f32 to vector<16xf32>
        %ge3A_477 = arith.cmpf oge, %add3A_474, %ge3A_476 : vector<16xf32>
        %mul3A_478 = arith.constant 2.000000e-01 : f32
        %mul3A_479 = vector.broadcast %mul3A_478 : f32 to vector<16xf32>
        %mul3A_480 = arith.mulf %mul3A_479, %add3A_474 : vector<16xf32>
        %select_n3A_481 = arith.select %ge3A_477, %add3A_474, %mul3A_480 : vector<16xi1>, vector<16xf32>
        %exp3A_482 = math.exp %select_n3A_481 : vector<16xf32>
        %jit3A_483 = arith.constant 0.000000e+00 : f32
        %broadcast_in_dim3A_484 = vector.broadcast %jit3A_483 : f32 to vector<16xf32>
        %select_n3A_485 = arith.select %lt3A_466, %exp3A_482, %broadcast_in_dim3A_484 : vector<16xi1>, vector<16xf32>
        %swap3A_486 = arith.constant 16 : index
        %swap3A_487 = tpu.vector_load %arg15[%swap3A_486] {strides = array<i32>} : memref<64xf32, #tpu.memory_space<vmem>>, vector<16xf32>,
        tpu.vector_store %arg15[%swap3A_486], %select_n3A_485 {strides = array<i32>} : memref<64xf32, #tpu.memory_space<vmem>>, vector<16xf32>,
        tpu.vector_store_idx %arg30[%get3A_469], %select_n3A_485 {add = true} : memref<10000xf32, #tpu.memory_space<vmem>>[vector<16xi32>], vector<16xf32>,
        %get3A_488 = arith.constant 16 : index
        %get3A_489 = tpu.vector_load %arg28[%get3A_488] {strides = array<i32>} : memref<64xf32, #tpu.memory_space<vmem>>, vector<16xf32>,
        %get3A_490 = arith.constant 16 : index
        %get3A_491 = tpu.vector_load %arg29[%get3A_490] {strides = array<i32>} : memref<64xf32, #tpu.memory_space<vmem>>, vector<16xf32>,
        %add3A_492 = arith.addf %get3A_489, %get3A_491 : vector<16xf32>
        %ge3A_493 = arith.constant 0.000000e+00 : f32
        %ge3A_494 = vector.broadcast %ge3A_493 : f32 to vector<16xf32>
        %ge3A_495 = arith.cmpf oge, %add3A_492, %ge3A_494 : vector<16xf32>
        %mul3A_496 = arith.constant 2.000000e-01 : f32
        %mul3A_497 = vector.broadcast %mul3A_496 : f32 to vector<16xf32>
        %mul3A_498 = arith.mulf %mul3A_497, %add3A_492 : vector<16xf32>
        %select_n3A_499 = arith.select %ge3A_495, %add3A_492, %mul3A_498 : vector<16xi1>, vector<16xf32>
        %exp3A_500 = math.exp %select_n3A_499 : vector<16xf32>
        %jit3A_501 = arith.constant 0.000000e+00 : f32
        %broadcast_in_dim3A_502 = vector.broadcast %jit3A_501 : f32 to vector<16xf32>
        %select_n3A_503 = arith.select %lt3A_466, %exp3A_500, %broadcast_in_dim3A_502 : vector<16xi1>, vector<16xf32>
        %swap3A_504 = arith.constant 16 : index
        %swap3A_505 = tpu.vector_load %arg16[%swap3A_504] {strides = array<i32>} : memref<64xf32, #tpu.memory_space<vmem>>, vector<16xf32>,
        tpu.vector_store %arg16[%swap3A_504], %select_n3A_503 {strides = array<i32>} : memref<64xf32, #tpu.memory_space<vmem>>, vector<16xf32>,
        tpu.vector_store_idx %arg31[%get3A_469], %select_n3A_503 {add = true} : memref<10000xf32, #tpu.memory_space<vmem>>[vector<16xi32>], vector<16xf32>,
        %mul3A_506 = arith.constant 512 : i32
        %mul3A_507 = arith.muli %add3A_56, %mul3A_506 : i32
        %add3A_508 = arith.addi %mul3A_23, %mul3A_507 : i32
        %mul3A_509 = arith.constant 64 : i32
        %mul3A_510 = arith.muli %add3A_368, %mul3A_509 : i32
        %add3A_511 = arith.addi %add3A_508, %mul3A_510 : i32
        %add3A_512 = arith.constant 32 : i32
        %add3A_513 = arith.addi %add3A_511, %add3A_512 : i32
        %add3A_514 = vector.broadcast %add3A_513 : i32 to vector<16xi32>
        %add3A_515 = arith.addi %add3A_514, %iota3A : vector<16xi32>
        %lt3A_516 = arith.constant 160000 : i32
        %lt3A_517 = vector.broadcast %lt3A_516 : i32 to vector<16xi32>
        %lt3A_518 = arith.cmpi slt, %add3A_515, %lt3A_517 : vector<16xi32>
        %get3A_519 = arith.index_cast %add3A_368 : i32 to index
        %get3A_520 = arith.constant 32 : index
        %get3A_521 = tpu.vector_load %arg12[%get3A_519, %get3A_520] {strides = array<i32>} : memref<8x64xi32, #tpu.memory_space<vmem>>, vector<16xi32>,
        %get3A_522 = arith.constant 32 : index
        %get3A_523 = tpu.vector_load %arg24[%get3A_522] {strides = array<i32>} : memref<64xf32, #tpu.memory_space<vmem>>, vector<16xf32>,
        %get3A_524 = arith.constant 32 : index
        %get3A_525 = tpu.vector_load %arg25[%get3A_524] {strides = array<i32>} : memref<64xf32, #tpu.memory_space<vmem>>, vector<16xf32>,
        %add3A_526 = arith.addf %get3A_523, %get3A_525 : vector<16xf32>
        %ge3A_527 = arith.constant 0.000000e+00 : f32
        %ge3A_528 = vector.broadcast %ge3A_527 : f32 to vector<16xf32>
        %ge3A_529 = arith.cmpf oge, %add3A_526, %ge3A_528 : vector<16xf32>
        %mul3A_530 = arith.constant 2.000000e-01 : f32
        %mul3A_531 = vector.broadcast %mul3A_530 : f32 to vector<16xf32>
        %mul3A_532 = arith.mulf %mul3A_531, %add3A_526 : vector<16xf32>
        %select_n3A_533 = arith.select %ge3A_529, %add3A_526, %mul3A_532 : vector<16xi1>, vector<16xf32>
        %exp3A_534 = math.exp %select_n3A_533 : vector<16xf32>
        %jit3A_535 = arith.constant 0.000000e+00 : f32
        %broadcast_in_dim3A_536 = vector.broadcast %jit3A_535 : f32 to vector<16xf32>
        %select_n3A_537 = arith.select %lt3A_518, %exp3A_534, %broadcast_in_dim3A_536 : vector<16xi1>, vector<16xf32>
        %swap3A_538 = arith.constant 32 : index
        %swap3A_539 = tpu.vector_load %arg15[%swap3A_538] {strides = array<i32>} : memref<64xf32, #tpu.memory_space<vmem>>, vector<16xf32>,
        tpu.vector_store %arg15[%swap3A_538], %select_n3A_537 {strides = array<i32>} : memref<64xf32, #tpu.memory_space<vmem>>, vector<16xf32>,
        tpu.vector_store_idx %arg30[%get3A_521], %select_n3A_537 {add = true} : memref<10000xf32, #tpu.memory_space<vmem>>[vector<16xi32>], vector<16xf32>,
        %get3A_540 = arith.constant 32 : index
        %get3A_541 = tpu.vector_load %arg28[%get3A_540] {strides = array<i32>} : memref<64xf32, #tpu.memory_space<vmem>>, vector<16xf32>,
        %get3A_542 = arith.constant 32 : index
        %get3A_543 = tpu.vector_load %arg29[%get3A_542] {strides = array<i32>} : memref<64xf32, #tpu.memory_space<vmem>>, vector<16xf32>,
        %add3A_544 = arith.addf %get3A_541, %get3A_543 : vector<16xf32>
        %ge3A_545 = arith.constant 0.000000e+00 : f32
        %ge3A_546 = vector.broadcast %ge3A_545 : f32 to vector<16xf32>
        %ge3A_547 = arith.cmpf oge, %add3A_544, %ge3A_546 : vector<16xf32>
        %mul3A_548 = arith.constant 2.000000e-01 : f32
        %mul3A_549 = vector.broadcast %mul3A_548 : f32 to vector<16xf32>
        %mul3A_550 = arith.mulf %mul3A_549, %add3A_544 : vector<16xf32>
        %select_n3A_551 = arith.select %ge3A_547, %add3A_544, %mul3A_550 : vector<16xi1>, vector<16xf32>
        %exp3A_552 = math.exp %select_n3A_551 : vector<16xf32>
        %jit3A_553 = arith.constant 0.000000e+00 : f32
        %broadcast_in_dim3A_554 = vector.broadcast %jit3A_553 : f32 to vector<16xf32>
        %select_n3A_555 = arith.select %lt3A_518, %exp3A_552, %broadcast_in_dim3A_554 : vector<16xi1>, vector<16xf32>
        %swap3A_556 = arith.constant 32 : index
        %swap3A_557 = tpu.vector_load %arg16[%swap3A_556] {strides = array<i32>} : memref<64xf32, #tpu.memory_space<vmem>>, vector<16xf32>,
        tpu.vector_store %arg16[%swap3A_556], %select_n3A_555 {strides = array<i32>} : memref<64xf32, #tpu.memory_space<vmem>>, vector<16xf32>,
        tpu.vector_store_idx %arg31[%get3A_521], %select_n3A_555 {add = true} : memref<10000xf32, #tpu.memory_space<vmem>>[vector<16xi32>], vector<16xf32>,
        %mul3A_558 = arith.constant 512 : i32
        %mul3A_559 = arith.muli %add3A_56, %mul3A_558 : i32
        %add3A_560 = arith.addi %mul3A_23, %mul3A_559 : i32
        %mul3A_561 = arith.constant 64 : i32
        %mul3A_562 = arith.muli %add3A_368, %mul3A_561 : i32
        %add3A_563 = arith.addi %add3A_560, %mul3A_562 : i32
        %add3A_564 = arith.constant 48 : i32
        %add3A_565 = arith.addi %add3A_563, %add3A_564 : i32
        %add3A_566 = vector.broadcast %add3A_565 : i32 to vector<16xi32>
        %add3A_567 = arith.addi %add3A_566, %iota3A : vector<16xi32>
        %lt3A_568 = arith.constant 160000 : i32
        %lt3A_569 = vector.broadcast %lt3A_568 : i32 to vector<16xi32>
        %lt3A_570 = arith.cmpi slt, %add3A_567, %lt3A_569 : vector<16xi32>
        %get3A_571 = arith.index_cast %add3A_368 : i32 to index
        %get3A_572 = arith.constant 48 : index
        %get3A_573 = tpu.vector_load %arg12[%get3A_571, %get3A_572] {strides = array<i32>} : memref<8x64xi32, #tpu.memory_space<vmem>>, vector<16xi32>,
        %get3A_574 = arith.constant 48 : index
        %get3A_575 = tpu.vector_load %arg24[%get3A_574] {strides = array<i32>} : memref<64xf32, #tpu.memory_space<vmem>>, vector<16xf32>,
        %get3A_576 = arith.constant 48 : index
        %get3A_577 = tpu.vector_load %arg25[%get3A_576] {strides = array<i32>} : memref<64xf32, #tpu.memory_space<vmem>>, vector<16xf32>,
        %add3A_578 = arith.addf %get3A_575, %get3A_577 : vector<16xf32>
        %ge3A_579 = arith.constant 0.000000e+00 : f32
        %ge3A_580 = vector.broadcast %ge3A_579 : f32 to vector<16xf32>
        %ge3A_581 = arith.cmpf oge, %add3A_578, %ge3A_580 : vector<16xf32>
        %mul3A_582 = arith.constant 2.000000e-01 : f32
        %mul3A_583 = vector.broadcast %mul3A_582 : f32 to vector<16xf32>
        %mul3A_584 = arith.mulf %mul3A_583, %add3A_578 : vector<16xf32>
        %select_n3A_585 = arith.select %ge3A_581, %add3A_578, %mul3A_584 : vector<16xi1>, vector<16xf32>
        %exp3A_586 = math.exp %select_n3A_585 : vector<16xf32>
        %jit3A_587 = arith.constant 0.000000e+00 : f32
        %broadcast_in_dim3A_588 = vector.broadcast %jit3A_587 : f32 to vector<16xf32>
        %select_n3A_589 = arith.select %lt3A_570, %exp3A_586, %broadcast_in_dim3A_588 : vector<16xi1>, vector<16xf32>
        %swap3A_590 = arith.constant 48 : index
        %swap3A_591 = tpu.vector_load %arg15[%swap3A_590] {strides = array<i32>} : memref<64xf32, #tpu.memory_space<vmem>>, vector<16xf32>,
        tpu.vector_store %arg15[%swap3A_590], %select_n3A_589 {strides = array<i32>} : memref<64xf32, #tpu.memory_space<vmem>>, vector<16xf32>,
        tpu.vector_store_idx %arg30[%get3A_573], %select_n3A_589 {add = true} : memref<10000xf32, #tpu.memory_space<vmem>>[vector<16xi32>], vector<16xf32>,
        %get3A_592 = arith.constant 48 : index
        %get3A_593 = tpu.vector_load %arg28[%get3A_592] {strides = array<i32>} : memref<64xf32, #tpu.memory_space<vmem>>, vector<16xf32>,
        %get3A_594 = arith.constant 48 : index
        %get3A_595 = tpu.vector_load %arg29[%get3A_594] {strides = array<i32>} : memref<64xf32, #tpu.memory_space<vmem>>, vector<16xf32>,
        %add3A_596 = arith.addf %get3A_593, %get3A_595 : vector<16xf32>
        %ge3A_597 = arith.constant 0.000000e+00 : f32
        %ge3A_598 = vector.broadcast %ge3A_597 : f32 to vector<16xf32>
        %ge3A_599 = arith.cmpf oge, %add3A_596, %ge3A_598 : vector<16xf32>
        %mul3A_600 = arith.constant 2.000000e-01 : f32
        %mul3A_601 = vector.broadcast %mul3A_600 : f32 to vector<16xf32>
        %mul3A_602 = arith.mulf %mul3A_601, %add3A_596 : vector<16xf32>
        %select_n3A_603 = arith.select %ge3A_599, %add3A_596, %mul3A_602 : vector<16xi1>, vector<16xf32>
        %exp3A_604 = math.exp %select_n3A_603 : vector<16xf32>
        %jit3A_605 = arith.constant 0.000000e+00 : f32
        %broadcast_in_dim3A_606 = vector.broadcast %jit3A_605 : f32 to vector<16xf32>
        %select_n3A_607 = arith.select %lt3A_570, %exp3A_604, %broadcast_in_dim3A_606 : vector<16xi1>, vector<16xf32>
        %swap3A_608 = arith.constant 48 : index
        %swap3A_609 = tpu.vector_load %arg16[%swap3A_608] {strides = array<i32>} : memref<64xf32, #tpu.memory_space<vmem>>, vector<16xf32>,
        tpu.vector_store %arg16[%swap3A_608], %select_n3A_607 {strides = array<i32>} : memref<64xf32, #tpu.memory_space<vmem>>, vector<16xf32>,
        tpu.vector_store_idx %arg31[%get3A_573], %select_n3A_607 {add = true} : memref<10000xf32, #tpu.memory_space<vmem>>[vector<16xi32>], vector<16xf32>,
        %scan3A_610 = arith.constant 0 : i32
        %scan3A_611 = arith.constant 64 : i32
        %scan3A_612 = arith.addi %scan3A_610, %scan3A_611 : i32
        %scan3A_613 = arith.constant 1 : i32
        scf.for %scan3A_621 = %scan3A_610 to %scan3A_612 step %scan3A_613  : i32 {
          %mul3A_622 = arith.constant 1 : i32
          %mul3A_623 = arith.muli %scan3A_621, %mul3A_622 : i32
          %add3A_624 = arith.constant 0 : i32
          %add3A_625 = arith.addi %add3A_624, %mul3A_623 : i32
          %broadcast_in_dim3A_626 = vector.broadcast %add3A_625 : i32 to vector<16xi32>
          %gather3A = tpu.vector_load_idx %arg15[%broadcast_in_dim3A_626] : memref<64xf32, #tpu.memory_space<vmem>>[vector<16xi32>], vector<16xf32>,
          %gather3A_627 = tpu.vector_load_idx %arg16[%broadcast_in_dim3A_626] : memref<64xf32, #tpu.memory_space<vmem>>[vector<16xi32>], vector<16xf32>,
          %get3A_628 = arith.index_cast %add3A_625 : i32 to index
          %get3A_629 = arith.constant 0 : index
          %get3A_630 = tpu.vector_load %arg14[%get3A_628, %get3A_629] {strides = array<i32>} : memref<64x128xf32, #tpu.memory_space<vmem>>, vector<16xf32>,
          %mul3A_631 = arith.mulf %get3A_630, %gather3A : vector<16xf32>
          %swap3A_632 = arith.index_cast %add3A_625 : i32 to index
          %swap3A_633 = arith.constant 0 : index
          %swap3A_634 = tpu.vector_load %arg14[%swap3A_632, %swap3A_633] {strides = array<i32>} : memref<64x128xf32, #tpu.memory_space<vmem>>, vector<16xf32>,
          tpu.vector_store %arg14[%swap3A_632, %swap3A_633], %mul3A_631 {strides = array<i32>} : memref<64x128xf32, #tpu.memory_space<vmem>>, vector<16xf32>,
          %get3A_635 = arith.index_cast %add3A_625 : i32 to index
          %get3A_636 = arith.constant 16 : index
          %get3A_637 = tpu.vector_load %arg14[%get3A_635, %get3A_636] {strides = array<i32>} : memref<64x128xf32, #tpu.memory_space<vmem>>, vector<16xf32>,
          %mul3A_638 = arith.mulf %get3A_637, %gather3A : vector<16xf32>
          %swap3A_639 = arith.index_cast %add3A_625 : i32 to index
          %swap3A_640 = arith.constant 16 : index
          %swap3A_641 = tpu.vector_load %arg14[%swap3A_639, %swap3A_640] {strides = array<i32>} : memref<64x128xf32, #tpu.memory_space<vmem>>, vector<16xf32>,
          tpu.vector_store %arg14[%swap3A_639, %swap3A_640], %mul3A_638 {strides = array<i32>} : memref<64x128xf32, #tpu.memory_space<vmem>>, vector<16xf32>,
          %get3A_642 = arith.index_cast %add3A_625 : i32 to index
          %get3A_643 = arith.constant 32 : index
          %get3A_644 = tpu.vector_load %arg14[%get3A_642, %get3A_643] {strides = array<i32>} : memref<64x128xf32, #tpu.memory_space<vmem>>, vector<16xf32>,
          %mul3A_645 = arith.mulf %get3A_644, %gather3A : vector<16xf32>
          %swap3A_646 = arith.index_cast %add3A_625 : i32 to index
          %swap3A_647 = arith.constant 32 : index
          %swap3A_648 = tpu.vector_load %arg14[%swap3A_646, %swap3A_647] {strides = array<i32>} : memref<64x128xf32, #tpu.memory_space<vmem>>, vector<16xf32>,
          tpu.vector_store %arg14[%swap3A_646, %swap3A_647], %mul3A_645 {strides = array<i32>} : memref<64x128xf32, #tpu.memory_space<vmem>>, vector<16xf32>,
          %get3A_649 = arith.index_cast %add3A_625 : i32 to index
          %get3A_650 = arith.constant 48 : index
          %get3A_651 = tpu.vector_load %arg14[%get3A_649, %get3A_650] {strides = array<i32>} : memref<64x128xf32, #tpu.memory_space<vmem>>, vector<16xf32>,
          %mul3A_652 = arith.mulf %get3A_651, %gather3A : vector<16xf32>
          %swap3A_653 = arith.index_cast %add3A_625 : i32 to index
          %swap3A_654 = arith.constant 48 : index
          %swap3A_655 = tpu.vector_load %arg14[%swap3A_653, %swap3A_654] {strides = array<i32>} : memref<64x128xf32, #tpu.memory_space<vmem>>, vector<16xf32>,
          tpu.vector_store %arg14[%swap3A_653, %swap3A_654], %mul3A_652 {strides = array<i32>} : memref<64x128xf32, #tpu.memory_space<vmem>>, vector<16xf32>,
          %get3A_656 = arith.index_cast %add3A_625 : i32 to index
          %get3A_657 = arith.constant 64 : index
          %get3A_658 = tpu.vector_load %arg14[%get3A_656, %get3A_657] {strides = array<i32>} : memref<64x128xf32, #tpu.memory_space<vmem>>, vector<16xf32>,
          %mul3A_659 = arith.mulf %get3A_658, %gather3A_627 : vector<16xf32>
          %swap3A_660 = arith.index_cast %add3A_625 : i32 to index
          %swap3A_661 = arith.constant 64 : index
          %swap3A_662 = tpu.vector_load %arg14[%swap3A_660, %swap3A_661] {strides = array<i32>} : memref<64x128xf32, #tpu.memory_space<vmem>>, vector<16xf32>,
          tpu.vector_store %arg14[%swap3A_660, %swap3A_661], %mul3A_659 {strides = array<i32>} : memref<64x128xf32, #tpu.memory_space<vmem>>, vector<16xf32>,
          %get3A_663 = arith.index_cast %add3A_625 : i32 to index
          %get3A_664 = arith.constant 80 : index
          %get3A_665 = tpu.vector_load %arg14[%get3A_663, %get3A_664] {strides = array<i32>} : memref<64x128xf32, #tpu.memory_space<vmem>>, vector<16xf32>,
          %mul3A_666 = arith.mulf %get3A_665, %gather3A_627 : vector<16xf32>
          %swap3A_667 = arith.index_cast %add3A_625 : i32 to index
          %swap3A_668 = arith.constant 80 : index
          %swap3A_669 = tpu.vector_load %arg14[%swap3A_667, %swap3A_668] {strides = array<i32>} : memref<64x128xf32, #tpu.memory_space<vmem>>, vector<16xf32>,
          tpu.vector_store %arg14[%swap3A_667, %swap3A_668], %mul3A_666 {strides = array<i32>} : memref<64x128xf32, #tpu.memory_space<vmem>>, vector<16xf32>,
          %get3A_670 = arith.index_cast %add3A_625 : i32 to index
          %get3A_671 = arith.constant 96 : index
          %get3A_672 = tpu.vector_load %arg14[%get3A_670, %get3A_671] {strides = array<i32>} : memref<64x128xf32, #tpu.memory_space<vmem>>, vector<16xf32>,
          %mul3A_673 = arith.mulf %get3A_672, %gather3A_627 : vector<16xf32>
          %swap3A_674 = arith.index_cast %add3A_625 : i32 to index
          %swap3A_675 = arith.constant 96 : index
          %swap3A_676 = tpu.vector_load %arg14[%swap3A_674, %swap3A_675] {strides = array<i32>} : memref<64x128xf32, #tpu.memory_space<vmem>>, vector<16xf32>,
          tpu.vector_store %arg14[%swap3A_674, %swap3A_675], %mul3A_673 {strides = array<i32>} : memref<64x128xf32, #tpu.memory_space<vmem>>, vector<16xf32>,
          %get3A_677 = arith.index_cast %add3A_625 : i32 to index
          %get3A_678 = arith.constant 112 : index
          %get3A_679 = tpu.vector_load %arg14[%get3A_677, %get3A_678] {strides = array<i32>} : memref<64x128xf32, #tpu.memory_space<vmem>>, vector<16xf32>,
          %mul3A_680 = arith.mulf %get3A_679, %gather3A_627 : vector<16xf32>
          %swap3A_681 = arith.index_cast %add3A_625 : i32 to index
          %swap3A_682 = arith.constant 112 : index
          %swap3A_683 = tpu.vector_load %arg14[%swap3A_681, %swap3A_682] {strides = array<i32>} : memref<64x128xf32, #tpu.memory_space<vmem>>, vector<16xf32>,
          tpu.vector_store %arg14[%swap3A_681, %swap3A_682], %mul3A_680 {strides = array<i32>} : memref<64x128xf32, #tpu.memory_space<vmem>>, vector<16xf32>,
        }
        %scan3A_614 = arith.constant 64 : i32
        %dma_start3A_615 = arith.constant 0 : i32
        %dma_start3A_616 = tpu.memref_slice %arg12[%add3A_368, %dma_start3A_615] : memref<8x64xi32, #tpu.memory_space<vmem>> -> memref<1x64xi32, #tpu.memory_space<vmem>>
        %dma_start3A_617 = tpu.memref_squeeze %dma_start3A_616 : memref<1x64xi32, #tpu.memory_space<vmem>> -> memref<64xi32, #tpu.memory_space<vmem>>
        %dma_start3A_618 = arith.constant 0 : i32
        %dma_start3A_619 = arith.constant 0 : i32
        %dma_start3A_620 = tpu.memref_slice %arg21[%dma_start3A_618, %dma_start3A_619] : memref<10000x128xf32, #tpu.memory_space<vmem_shared>> -> memref<10000x128xf32, #tpu.memory_space<vmem_shared>>
        tpu.enqueue_indirect_dma source(%arg14 : memref<64x128xf32, #tpu.memory_space<vmem>>) target(%dma_start3A_620 : memref<10000x128xf32, #tpu.memory_space<vmem_shared>>) offsets(%dma_start3A_617 : memref<64xi32, #tpu.memory_space<vmem>>) semaphore(%arg20 : memref<!tpu.dma_semaphore, #tpu.memory_space<semaphore_mem>>) {add = true}
      }
      %scan3A_97 = arith.constant 4 : i32
      %dma_wait3A = arith.constant 0 : i32
      %dma_wait3A_98 = arith.constant 0 : i32
      %dma_wait3A_99 = tpu.memref_slice %arg12[%dma_wait3A, %dma_wait3A_98] : memref<8x64xi32, #tpu.memory_space<vmem>> -> memref<1x64xi32, #tpu.memory_space<vmem>>
      %dma_wait3A_100 = tpu.memref_squeeze %dma_wait3A_99 : memref<1x64xi32, #tpu.memory_space<vmem>> -> memref<64xi32, #tpu.memory_space<vmem>>
      %dma_wait3A_101 = arith.constant 0 : i32
      %dma_wait3A_102 = arith.constant 0 : i32
      %dma_wait3A_103 = tpu.memref_slice %arg21[%dma_wait3A_101, %dma_wait3A_102] : memref<10000x128xf32, #tpu.memory_space<vmem_shared>> -> memref<10000x128xf32, #tpu.memory_space<vmem_shared>>
      tpu.wait_indirect_dma semaphore(%arg19 : memref<!tpu.dma_semaphore, #tpu.memory_space<semaphore_mem>>) src(%arg13 : memref<64x128xf32, #tpu.memory_space<vmem>>) dst(%dma_wait3A_103 : memref<10000x128xf32, #tpu.memory_space<vmem_shared>>)
      %dma_wait3A_104 = arith.constant 0 : i32
      %dma_wait3A_105 = arith.constant 0 : i32
      %dma_wait3A_106 = tpu.memref_slice %arg12[%dma_wait3A_104, %dma_wait3A_105] : memref<8x64xi32, #tpu.memory_space<vmem>> -> memref<1x64xi32, #tpu.memory_space<vmem>>
      %dma_wait3A_107 = tpu.memref_squeeze %dma_wait3A_106 : memref<1x64xi32, #tpu.memory_space<vmem>> -> memref<64xi32, #tpu.memory_space<vmem>>
      %dma_wait3A_108 = arith.constant 0 : i32
      %dma_wait3A_109 = arith.constant 0 : i32
      %dma_wait3A_110 = tpu.memref_slice %arg21[%dma_wait3A_108, %dma_wait3A_109] : memref<10000x128xf32, #tpu.memory_space<vmem_shared>> -> memref<10000x128xf32, #tpu.memory_space<vmem_shared>>
      tpu.wait_indirect_dma semaphore(%arg20 : memref<!tpu.dma_semaphore, #tpu.memory_space<semaphore_mem>>) src(%arg14 : memref<64x128xf32, #tpu.memory_space<vmem>>) dst(%dma_wait3A_110 : memref<10000x128xf32, #tpu.memory_space<vmem_shared>>)
    }
    %scan3A_28 = arith.constant 10 : i32
    %mul3A_29 = arith.constant 2 : i32
    %mul3A_30 = arith.muli %add3A, %mul3A_29 : i32
    %add3A_31 = arith.constant 0 : i32
    %add3A_32 = arith.addi %mul3A_30, %add3A_31 : i32
    %mul3A_33 = arith.constant 10000 : i32
    %mul3A_34 = arith.muli %add3A_32, %mul3A_33 : i32
    "tpu.region"() ({
      %run_scoped3A = tpu.sem_alloc : memref<!tpu.dma_semaphore, #tpu.memory_space<semaphore_mem>>
      %dma_start3A = tpu.memref_slice %arg10[%mul3A_34] : memref<640000xf32, #tpu.memory_space<hbm>> -> memref<10000xf32, #tpu.memory_space<hbm>>
      %dma_start3A_52 = tpu.memref_slice %arg10[%mul3A_34] : memref<640000xf32, #tpu.memory_space<hbm>> -> memref<10000xf32, #tpu.memory_space<hbm>>
      tpu.enqueue_dma source(%arg30 : memref<10000xf32, #tpu.memory_space<vmem>>) target(%dma_start3A_52 : memref<10000xf32, #tpu.memory_space<hbm>>) target_semaphore(%run_scoped3A : memref<!tpu.dma_semaphore, #tpu.memory_space<semaphore_mem>>)
      %dma_wait3A = tpu.memref_slice %arg10[%mul3A_34] : memref<640000xf32, #tpu.memory_space<hbm>> -> memref<10000xf32, #tpu.memory_space<hbm>>
      %dma_wait3A_53 = tpu.memref_slice %arg10[%mul3A_34] : memref<640000xf32, #tpu.memory_space<hbm>> -> memref<10000xf32, #tpu.memory_space<hbm>>
      tpu.wait_dma2 semaphore(%run_scoped3A : memref<!tpu.dma_semaphore, #tpu.memory_space<semaphore_mem>>) src(%arg30 : memref<10000xf32, #tpu.memory_space<vmem>>) dst(%dma_wait3A_53 : memref<10000xf32, #tpu.memory_space<hbm>>)
      tpu.yield
    }) : () -> ()
    %mul3A_35 = arith.constant 2 : i32
    %mul3A_36 = arith.muli %add3A, %mul3A_35 : i32
    %add3A_37 = arith.constant 1 : i32
    %add3A_38 = arith.addi %mul3A_36, %add3A_37 : i32
    %mul3A_39 = arith.constant 10000 : i32
    %mul3A_40 = arith.muli %add3A_38, %mul3A_39 : i32
    "tpu.region"() ({
      %run_scoped3A = tpu.sem_alloc : memref<!tpu.dma_semaphore, #tpu.memory_space<semaphore_mem>>
      %dma_start3A = tpu.memref_slice %arg10[%mul3A_40] : memref<640000xf32, #tpu.memory_space<hbm>> -> memref<10000xf32, #tpu.memory_space<hbm>>
      %dma_start3A_52 = tpu.memref_slice %arg10[%mul3A_40] : memref<640000xf32, #tpu.memory_space<hbm>> -> memref<10000xf32, #tpu.memory_space<hbm>>
      tpu.enqueue_dma source(%arg31 : memref<10000xf32, #tpu.memory_space<vmem>>) target(%dma_start3A_52 : memref<10000xf32, #tpu.memory_space<hbm>>) target_semaphore(%run_scoped3A : memref<!tpu.dma_semaphore, #tpu.memory_space<semaphore_mem>>)
      %dma_wait3A = tpu.memref_slice %arg10[%mul3A_40] : memref<640000xf32, #tpu.memory_space<hbm>> -> memref<10000xf32, #tpu.memory_space<hbm>>
      %dma_wait3A_53 = tpu.memref_slice %arg10[%mul3A_40] : memref<640000xf32, #tpu.memory_space<hbm>> -> memref<10000xf32, #tpu.memory_space<hbm>>
      tpu.wait_dma2 semaphore(%run_scoped3A : memref<!tpu.dma_semaphore, #tpu.memory_space<semaphore_mem>>) src(%arg31 : memref<10000xf32, #tpu.memory_space<vmem>>) dst(%dma_wait3A_53 : memref<10000xf32, #tpu.memory_space<hbm>>)
      tpu.yield
    }) : () -> ()
    %barrier3A_41 = arith.constant 0 : index
    tpu.barrier barrier_id(%barrier3A_41)
    %scan3A_42 = arith.constant 0 : i32
    %scan3A_43 = arith.constant 3 : i32
    %scan3A_44 = arith.addi %scan3A_42, %scan3A_43 : i32
    %scan3A_45 = arith.constant 1 : i32
    scf.for %scan3A_52 = %scan3A_42 to %scan3A_44 step %scan3A_45  : i32 {
      %mul3A_53 = arith.constant 1 : i32
      %mul3A_54 = arith.muli %scan3A_52, %mul3A_53 : i32
      %add3A_55 = arith.constant 0 : i32
      %add3A_56 = arith.addi %add3A_55, %mul3A_54 : i32
      %mul3A_57 = arith.constant 624 : i32
      %mul3A_58 = arith.muli %arg1, %mul3A_57 : i32
      %mul3A_59 = arith.constant 208 : i32
      %mul3A_60 = arith.muli %add3A_56, %mul3A_59 : i32
      %add3A_61 = arith.addi %mul3A_58, %mul3A_60 : i32
      %mul3A_62 = arith.constant 10000 : i32
      %mul3A_63 = arith.muli %arg0, %mul3A_62 : i32
      %add3A_64 = arith.addi %mul3A_63, %add3A_61 : i32
      "tpu.region"() ({
        %run_scoped3A = tpu.sem_alloc : memref<!tpu.dma_semaphore, #tpu.memory_space<semaphore_mem>>
        %dma_start3A = arith.constant 0 : i32
        %dma_start3A_65 = tpu.memref_slice %arg9[%add3A_64, %dma_start3A] : memref<20000x128xf32, #tpu.memory_space<hbm>> -> memref<208x128xf32, #tpu.memory_space<hbm>>
        %dma_start3A_66 = arith.constant 0 : i32
        %dma_start3A_67 = tpu.memref_slice %arg21[%add3A_61, %dma_start3A_66] : memref<10000x128xf32, #tpu.memory_space<vmem_shared>> -> memref<208x128xf32, #tpu.memory_space<vmem_shared>>
        tpu.enqueue_dma source(%dma_start3A_67 : memref<208x128xf32, #tpu.memory_space<vmem_shared>>) target(%dma_start3A_65 : memref<208x128xf32, #tpu.memory_space<hbm>>) target_semaphore(%run_scoped3A : memref<!tpu.dma_semaphore, #tpu.memory_space<semaphore_mem>>)
        %dma_wait3A = arith.constant 0 : i32
        %dma_wait3A_68 = tpu.memref_slice %arg9[%add3A_64, %dma_wait3A] : memref<20000x128xf32, #tpu.memory_space<hbm>> -> memref<208x128xf32, #tpu.memory_space<hbm>>
        %dma_wait3A_69 = arith.constant 0 : i32
        %dma_wait3A_70 = tpu.memref_slice %arg21[%add3A_61, %dma_wait3A_69] : memref<10000x128xf32, #tpu.memory_space<vmem_shared>> -> memref<208x128xf32, #tpu.memory_space<vmem_shared>>
        tpu.wait_dma2 semaphore(%run_scoped3A : memref<!tpu.dma_semaphore, #tpu.memory_space<semaphore_mem>>) src(%dma_wait3A_70 : memref<208x128xf32, #tpu.memory_space<vmem_shared>>) dst(%dma_wait3A_68 : memref<208x128xf32, #tpu.memory_space<hbm>>)
        tpu.yield
      }) : () -> ()
    }
    %scan3A_46 = arith.constant 3 : i32
    %eq3A_47 = arith.constant 15 : i32
    %eq3A_48 = arith.cmpi eq, %arg1, %eq3A_47 : i32
    %convert_element_type3A_49 = arith.extui %eq3A_48 : i1 to i32
    %cond3A_50 = arith.constant 0 : i32
    %cond3A_51 = arith.cmpi ne, %convert_element_type3A_49, %cond3A_50 : i32
    scf.if %cond3A_51 {
      %mul3A_52 = arith.constant 10000 : i32
      %mul3A_53 = arith.muli %arg0, %mul3A_52 : i32
      %add3A_54 = arith.constant 9984 : i32
      %add3A_55 = arith.addi %mul3A_53, %add3A_54 : i32
      "tpu.region"() ({
        %run_scoped3A = tpu.sem_alloc : memref<!tpu.dma_semaphore, #tpu.memory_space<semaphore_mem>>
        %dma_start3A = arith.constant 0 : i32
        %dma_start3A_56 = tpu.memref_slice %arg9[%add3A_55, %dma_start3A] : memref<20000x128xf32, #tpu.memory_space<hbm>> -> memref<16x128xf32, #tpu.memory_space<hbm>>
        %dma_start3A_57 = arith.constant 9984 : i32
        %dma_start3A_58 = arith.constant 0 : i32
        %dma_start3A_59 = tpu.memref_slice %arg21[%dma_start3A_57, %dma_start3A_58] : memref<10000x128xf32, #tpu.memory_space<vmem_shared>> -> memref<16x128xf32, #tpu.memory_space<vmem_shared>>
        tpu.enqueue_dma source(%dma_start3A_59 : memref<16x128xf32, #tpu.memory_space<vmem_shared>>) target(%dma_start3A_56 : memref<16x128xf32, #tpu.memory_space<hbm>>) target_semaphore(%run_scoped3A : memref<!tpu.dma_semaphore, #tpu.memory_space<semaphore_mem>>)
        %dma_wait3A = arith.constant 0 : i32
        %dma_wait3A_60 = tpu.memref_slice %arg9[%add3A_55, %dma_wait3A] : memref<20000x128xf32, #tpu.memory_space<hbm>> -> memref<16x128xf32, #tpu.memory_space<hbm>>
        %dma_wait3A_61 = arith.constant 9984 : i32
        %dma_wait3A_62 = arith.constant 0 : i32
        %dma_wait3A_63 = tpu.memref_slice %arg21[%dma_wait3A_61, %dma_wait3A_62] : memref<10000x128xf32, #tpu.memory_space<vmem_shared>> -> memref<16x128xf32, #tpu.memory_space<vmem_shared>>
        tpu.wait_dma2 semaphore(%run_scoped3A : memref<!tpu.dma_semaphore, #tpu.memory_space<semaphore_mem>>) src(%dma_wait3A_63 : memref<16x128xf32, #tpu.memory_space<vmem_shared>>) dst(%dma_wait3A_60 : memref<16x128xf32, #tpu.memory_space<hbm>>)
        tpu.yield
      }) : () -> ()
    } else {
    }
    return
  }
}

module attributes {stable_mosaic.version = 14 : i64} {
  func.func @_read_body(%arg0: i32, %arg1: i32, %arg2: memref<512x2048xf32, #tpu.memory_space<vmem>>, %arg3: memref<2048x256xbf16, #tpu.memory_space<vmem>>, %arg4: memref<2048x256xbf16, #tpu.memory_space<vmem>>, %arg5: memref<512x256xf32, #tpu.memory_space<vmem>>, %arg6: memref<512x256xf32, #tpu.memory_space<vmem>>) attributes {dimension_semantics = [#tpu.dimension_semantics<arbitrary>, #tpu.dimension_semantics<arbitrary>], iteration_bounds = array<i64: 20, 5>, scalar_prefetch = 0 : i64, scratch_operands = 1 : i64, tpu.core_type = #tpu.core_type<tc>, window_params = [{transform_indices = @transform_0, window_bounds = array<i64: 512, 2048>}, {transform_indices = @transform_1, window_bounds = array<i64: 2048, 256>}, {transform_indices = @transform_2, window_bounds = array<i64: 2048, 256>}, {transform_indices = @transform_3, window_bounds = array<i64: 512, 256>}]} {
    %eq3A = arith.constant 0 : i32
    %eq3A_0 = arith.cmpi eq, %arg1, %eq3A : i32
    %convert_element_type3A = arith.extui %eq3A_0 : i1 to i32
    %cond3A = arith.constant 0 : i32
    %cond3A_1 = arith.cmpi ne, %convert_element_type3A, %cond3A : i32
    scf.if %cond3A_1 {
      %broadcast_in_dim3A_30 = arith.constant 0.000000e+00 : f32
      %broadcast_in_dim3A_31 = vector.broadcast %broadcast_in_dim3A_30 : f32 to vector<512x256xf32>
      %swap3A_32 = arith.constant 0 : index
      %swap3A_33 = arith.constant 0 : index
      %swap3A_34 = vector.load %arg6[%swap3A_32, %swap3A_33] : memref<512x256xf32, #tpu.memory_space<vmem>>, vector<512x256xf32>
      tpu.vector_store %arg6[%swap3A_32, %swap3A_33], %broadcast_in_dim3A_31 {strides = array<i32>} : memref<512x256xf32, #tpu.memory_space<vmem>>, vector<512x256xf32>,
    } else {
    }
    %get3A = arith.constant 0 : index
    %get3A_2 = arith.constant 0 : index
    %get3A_3 = vector.load %arg2[%get3A, %get3A_2] : memref<512x2048xf32, #tpu.memory_space<vmem>>, vector<512x2048xf32>
    %iota3A = tpu.iota {dimensions = array<i32: 1>} : vector<512x2048xi32>
    %mul3A = arith.constant 2048 : i32
    %mul3A_4 = arith.muli %arg1, %mul3A : i32
    %add3A = vector.broadcast %mul3A_4 : i32 to vector<512x2048xi32>
    %add3A_5 = arith.addi %iota3A, %add3A : vector<512x2048xi32>
    %lt3A = arith.constant 10000 : i32
    %lt3A_6 = vector.broadcast %lt3A : i32 to vector<512x2048xi32>
    %lt3A_7 = arith.cmpi slt, %add3A_5, %lt3A_6 : vector<512x2048xi32>
    %jit3A = arith.constant 0.000000e+00 : f32
    %broadcast_in_dim3A = vector.broadcast %jit3A : f32 to vector<512x2048xf32>
    %select_n3A = arith.select %lt3A_7, %get3A_3, %broadcast_in_dim3A : vector<512x2048xi1>, vector<512x2048xf32>
    %convert_element_type3A_8 = arith.truncf %select_n3A : vector<512x2048xf32> to vector<512x2048xbf16>
    %get3A_9 = arith.constant 0 : index
    %get3A_10 = arith.constant 0 : index
    %get3A_11 = vector.load %arg6[%get3A_9, %get3A_10] : memref<512x256xf32, #tpu.memory_space<vmem>>, vector<512x256xf32>
    %get3A_12 = arith.constant 0 : index
    %get3A_13 = arith.constant 0 : index
    %get3A_14 = vector.load %arg3[%get3A_12, %get3A_13] : memref<2048x256xbf16, #tpu.memory_space<vmem>>, vector<2048x256xbf16>
    %dot_general3A = arith.constant dense<0.000000e+00> : vector<512x256xf32>
    %dot_general3A_15 = tpu.matmul %convert_element_type3A_8, %get3A_14, %dot_general3A {dimension_numbers = #tpu.dot_dimension_numbers<[1], [0], [0], [1], [0, 0, 1, 1], [], []>, transpose_lhs_hint = false} : vector<512x2048xbf16>, vector<2048x256xbf16>, vector<512x256xf32> -> vector<512x256xf32>
    %get3A_16 = arith.constant 0 : index
    %get3A_17 = arith.constant 0 : index
    %get3A_18 = vector.load %arg4[%get3A_16, %get3A_17] : memref<2048x256xbf16, #tpu.memory_space<vmem>>, vector<2048x256xbf16>
    %dot_general3A_19 = arith.constant dense<0.000000e+00> : vector<512x256xf32>
    %dot_general3A_20 = tpu.matmul %convert_element_type3A_8, %get3A_18, %dot_general3A_19 {dimension_numbers = #tpu.dot_dimension_numbers<[1], [0], [0], [1], [0, 0, 1, 1], [], []>, transpose_lhs_hint = false} : vector<512x2048xbf16>, vector<2048x256xbf16>, vector<512x256xf32> -> vector<512x256xf32>
    %add3A_21 = arith.addf %dot_general3A_15, %dot_general3A_20 : vector<512x256xf32>
    %add3A_22 = arith.addf %get3A_11, %add3A_21 : vector<512x256xf32>
    %swap3A = arith.constant 0 : index
    %swap3A_23 = arith.constant 0 : index
    %swap3A_24 = vector.load %arg6[%swap3A, %swap3A_23] : memref<512x256xf32, #tpu.memory_space<vmem>>, vector<512x256xf32>
    tpu.vector_store %arg6[%swap3A, %swap3A_23], %add3A_22 {strides = array<i32>} : memref<512x256xf32, #tpu.memory_space<vmem>>, vector<512x256xf32>,
    %eq3A_25 = arith.constant 4 : i32
    %eq3A_26 = arith.cmpi eq, %arg1, %eq3A_25 : i32
    %convert_element_type3A_27 = arith.extui %eq3A_26 : i1 to i32
    %cond3A_28 = arith.constant 0 : i32
    %cond3A_29 = arith.cmpi ne, %convert_element_type3A_27, %cond3A_28 : i32
    scf.if %cond3A_29 {
      %get3A_30 = arith.constant 0 : index
      %get3A_31 = arith.constant 0 : index
      %get3A_32 = vector.load %arg6[%get3A_30, %get3A_31] : memref<512x256xf32, #tpu.memory_space<vmem>>, vector<512x256xf32>
      %swap3A_33 = arith.constant 0 : index
      %swap3A_34 = arith.constant 0 : index
      %swap3A_35 = vector.load %arg5[%swap3A_33, %swap3A_34] : memref<512x256xf32, #tpu.memory_space<vmem>>, vector<512x256xf32>
      tpu.vector_store %arg5[%swap3A_33, %swap3A_34], %get3A_32 {strides = array<i32>} : memref<512x256xf32, #tpu.memory_space<vmem>>, vector<512x256xf32>,
    } else {
    }
    return
  }
  func.func @transform_0(%arg0: i32, %arg1: i32) -> (i32, i32) {
    %c0_i32 = arith.constant 0 : i32
    return %arg0, %arg1 : i32, i32
  }
  func.func @transform_1(%arg0: i32, %arg1: i32) -> (i32, i32) {
    %c0_i32 = arith.constant 0 : i32
    %c0_i32_0 = arith.constant 0 : i32
    return %arg1, %c0_i32 : i32, i32
  }
  func.func @transform_2(%arg0: i32, %arg1: i32) -> (i32, i32) {
    %c0_i32 = arith.constant 0 : i32
    %c0_i32_0 = arith.constant 0 : i32
    return %arg1, %c0_i32 : i32, i32
  }
  func.func @transform_3(%arg0: i32, %arg1: i32) -> (i32, i32) {
    %c0_i32 = arith.constant 0 : i32
    %c0_i32_0 = arith.constant 0 : i32
    return %arg0, %c0_i32 : i32, i32
  }
}

</mosaic_0001>

<sc_bundles>
// kernel: kernel.5.cloned.1.call-start
scs
__scs_entry_jumppad:
0x0: {  	(pc) =	sbr.rel $0x88, $3  }
0x1: {  	(tag) =	ssettag $0x0;
	lr =	simm.s32 $0x1  }
0x2: {  	[smem:$0x3F91] =	sst lr;
	_ =	strace $0xD0000000  }
0x3: {  	_ = 	snop  }
0x4: {  	_ = 	snop  }
0x5: {  	_ = 	snop  }
0x6: {  	_ = 	snop  }
0x7: {  	_ = 	snop  }
__scs_overlays_trampoline_lowered:
0x8: {  	[smem:$0x3FA0] =	sst s0  }
0x9: {  	[smem:$0x3FA1] =	sst s1  }
0xa: {  	[smem:$0x3FA2] =	sst s2  }
0xb: {  	[smem:$0x3FA3] =	sst s3  }
0xc: {  	[smem:$0x3FA4] =	sst s4  }
0xd: {  	[smem:$0x3FA5] =	sst s5  }
0xe: {  	[smem:$0x3FA6] =	sst s6  }
0xf: {  	[smem:$0x3FA7] =	sst s7  }
0x10: {  	[smem:$0x3FA8] =	sst s8  }
0x11: {  	[smem:$0x3FA9] =	sst s9;
	s0 =	simm.s32 @!p0 $0x0  }
0x12: {  	s1 =	sld [smem:$0x3F8F];
	s0 =	simm.s32 @p0 $0x1  }
0x13: {  	[smem:$0x3FAA] =	sst s0;
	s0 =	simm.s32 @!p1 $0x0  }
0x14: {  	s2 =	sld [smem:$0x3F8E];
	s0 =	simm.s32 @p1 $0x1  }
0x15: {  	[smem:$0x3FAB] =	sst s0;
	s0 =	simm.s32 @!p2 $0x0  }
0x16: {  	s3 =	sld [smem:$0x3FDB];
	s0 =	simm.s32 @p2 $0x1  }
0x17: {  	s4 =	simm.s32 $0x1BF5;
	[smem:$0x3FAD] =	sst s0  }
0x18: {  	s0 =	sld [smem:$0x3F90];
	_ =	swait.ge [sflag:s4], $0x0  }
0x19: {  	s7 =	sld [smem:$0x3F91]  }
0x1a: {  	s8 =	sadd.s32 $0xFFFFE003, lr  }
0x1b: {  	s9 =	sadd.s32 $0xFFFFFEF7, lr;
	s5 =	simm.s32 $0xFFFFFFFF;
	p2 =	slt.u32 s8, $0xFFFFF086  }
0x1c: {  	p1 =	slt.u32 s9, $0xF7A;
	s5 =	simm.s32 @!p2 $0x0  }
0x1d: {  	s5 =	simm.s32 @p1 $0x1;
	p0 =	seq.s32 s7, s2  }
0x1e: {  	s7 =	smul.u32 @!p0 $0xF7A, s2;
	p2 =	seq.s32 @!p0 s5, $0x0  }
0x1f: {  	s9 =	smul.u32 $0xF7A, s1;
	s8 =	simm.s32 @!p0 $0x1BF5;
	p2 =	por !p2, p0  }
0x20: {  	[sflag:s8] =	ssyncset.s32 @!p0 $0xFFFFF086;
	s6 =	sadd.s32 @!p0 s3, s7;
	s7 =	simm.s32 @!p0 $0x108  }
0x21: {  	s3 =	sadd.s32 s3, s9;
	s6 =	sadd.s32 @!p0 $0x88, s6;
	s7 =	simm.s32 @p2 $0x1082  }
0x22: {  	[simem:s7], [sflag:s8] =	dma.local @!p0 [hbm:s6], $0xF7A  }
0x23: {  	s9 =	sor.u32 $0xD0000000, s2;
	s6 =	simm.s32 $0x108;
	_ =	swait.ge @!p0 [sflag:s8], $0x0  }
0x24: {  	s3 =	sadd.s32 $0x88, s3;
	s6 =	simm.s32 @!p1 $0x1082;
	[sflag:s4] =	ssyncset.s32 $0xFFFFF086  }
0x25: {  	[simem:s6], [sflag:s4] =	dma.local [hbm:s3], $0xF7A  }
0x26: {  	[smem:$0x3F91] =	sst s1;
	(tag) =	ssettag s2;
	_ =	strace s9  }
0x27: {  	s1 =	sld [smem:$0x3FA1]  }
0x28: {  	s2 =	sld [smem:$0x3FA2]  }
0x29: {  	s4 =	sld [smem:$0x3FA4]  }
0x2a: {  	p0 =	seq.s32 s5, $0x0;
	s5 =	sld [smem:$0x3FA5]  }
0x2b: {  	s6 =	sld [smem:$0x3FA6]  }
0x2c: {  	s7 =	sld [smem:$0x3FA7]  }
0x2d: {  	s3 =	simm.s32 $0x108;
	s8 =	sld [smem:$0x3FA8]  }
0x2e: {  	s3 =	simm.s32 @!p0 $0x1082;
	s9 =	sld [smem:$0x3FA9]  }
0x2f: {  	lr =	sadd.s32 s0, s3;
	s0 =	sld [smem:$0x3FA0]  }
0x30: {  	s3 =	sld [smem:$0x3FA3]  }
0x31: {  	[smem:$0x3FAC] =	sst s10  }
0x32: {  	s10 =	sld [smem:$0x3FAA];
	_ =	sdelay $0x3  }
0x33: {  	p0 =	seq.s32 s10, $0x1;
	s10 =	sld [smem:$0x3FAC];
	_ =	sdelay $0x3  }
0x34: {  	[smem:$0x3FAC] =	sst s10  }
0x35: {  	s10 =	sld [smem:$0x3FAB];
	_ =	sdelay $0x3  }
0x36: {  	p1 =	seq.s32 s10, $0x1;
	s10 =	sld [smem:$0x3FAC];
	_ =	sdelay $0x3  }
0x37: {  	[smem:$0x3FAC] =	sst s10  }
0x38: {  	s10 =	sld [smem:$0x3FAD]  }
0x39: {  	_ = 	snop;
	(pc) =	sbr.ind lr, $3  }
0x3a: {  	_ = 	snop  }
0x3b: {  	_ = 	snop  }
0x3c: {  	p2 =	seq.s32 s10, $0x1;
	s10 =	sld [smem:$0x3FAC]  }
0x3d: {  	_ =	shalt  }
0x3e: {  	_ =	shalt  }
0x3f: {  	_ =	shalt  }
0x40: {  	_ =	shalt  }
0x41: {  	_ =	shalt  }
0x42: {  	_ =	shalt  }
0x43: {  	_ =	shalt  }
0x44: {  	_ =	shalt  }
0x45: {  	_ =	shalt  }
0x46: {  	_ =	shalt  }
0x47: {  	_ =	shalt  }
0x48: {  	_ =	shalt  }
0x49: {  	_ =	shalt  }
0x4a: {  	_ =	shalt  }
0x4b: {  	_ =	shalt  }
0x4c: {  	_ =	shalt  }
0x4d: {  	_ =	shalt  }
0x4e: {  	_ =	shalt  }
0x4f: {  	_ =	shalt  }
0x50: {  	_ =	shalt  }
0x51: {  	_ =	shalt  }
0x52: {  	_ =	shalt  }
0x53: {  	_ =	shalt  }
0x54: {  	_ =	shalt  }
0x55: {  	_ =	shalt  }
0x56: {  	_ =	shalt  }
0x57: {  	_ =	shalt  }
0x58: {  	_ =	shalt  }
0x59: {  	_ =	shalt  }
0x5a: {  	_ =	shalt  }
0x5b: {  	_ =	shalt  }
0x5c: {  	_ =	shalt  }
0x5d: {  	_ =	shalt  }
0x5e: {  	_ =	shalt  }
0x5f: {  	_ =	shalt  }
0x60: {  	_ =	shalt  }
0x61: {  	_ =	shalt  }
0x62: {  	_ =	shalt  }
0x63: {  	_ =	shalt  }
0x64: {  	_ =	shalt  }
0x65: {  	_ =	shalt  }
0x66: {  	_ =	shalt  }
0x67: {  	_ =	shalt  }
0x68: {  	_ =	shalt  }
0x69: {  	_ =	shalt  }
0x6a: {  	_ =	shalt  }
0x6b: {  	_ =	shalt  }
0x6c: {  	_ =	shalt  }
0x6d: {  	_ =	shalt  }
0x6e: {  	_ =	shalt  }
0x6f: {  	_ =	shalt  }
0x70: {  	_ =	shalt  }
0x71: {  	_ =	shalt  }
0x72: {  	_ =	shalt  }
0x73: {  	_ =	shalt  }
0x74: {  	_ =	shalt  }
0x75: {  	_ =	shalt  }
0x76: {  	_ =	shalt  }
0x77: {  	_ =	shalt  }
0x78: {  	_ =	shalt  }
0x79: {  	_ =	shalt  }
0x7a: {  	_ =	shalt  }
0x7b: {  	_ =	shalt  }
0x7c: {  	_ =	shalt  }
0x7d: {  	_ =	shalt  }
0x7e: {  	_ =	shalt  }
0x7f: {  	_ =	shalt  }
0x80: {  	_ =	shalt  }
0x81: {  	_ =	shalt  }
0x82: {  	_ =	shalt  }
0x83: {  	_ =	shalt  }
0x84: {  	_ =	shalt  }
0x85: {  	_ =	shalt  }
0x86: {  	_ =	shalt  }
0x87: {  	_ =	shalt  }
.Lfunc_end0:
.L_simem_size_0:
called_computation_lowered:
.L_overlay_start_0:
0x88: {  	s2 =	sld [smem:$0x3FD9]  }
0x89: {  	s3 =	sld [smem:$0x3FFE];
	_ =	sdelay $0x1  }
0x8a: {  	s1 =	srdreg.scid  }
0x8b: {  	s0 =	sand.u32 $0x1, s1  }
0x8c: {  	s14 =	sshll.u32 s0, $0xA;
	s2 =	sadd.s32 s3, s2  }
0x8d: {  	s2 =	sadd.s32 s2, s14  }
0x8e: {  	[smem:$0x3FB8] =	sst s2  }
0x8f: {  	_ = 	snop  }
0x90: {  	s2 =	sld [smem:$0x3FD0];
	_ =	sdelay $0x2  }
0x91: {  	s15 =	simm.s32 $0xA;
	s4 =	simm.s32 $0x10  }
0x92: {  	[smem:s4], [sflag:s15] =	dma.local [hbm:s2], $0x1  }
0x93: {  	_ =	swait.eq [sflag:s15], $0x1  }
0x94: {  	s16 =	sld [smem:$0x10]  }
0x95: {  	s17 =	sld [smem:$0x11];
	[sflag:s15] =	ssyncset.done $0x0  }
0x96: {  	s5 =	sld [smem:$0x12];
	[sflag:s15] =	ssyncadd.s32 $0xFFFFFFFF  }
0x97: {  	s18 =	sld [smem:$0x13];
	(tm) =	ssettm $0x1  }
0x98: {  	s6 =	sld [smem:$0x3FFB];
	_ =	sdelay $0x3  }
0x99: {  	_ =	strace s6  }
0x9a: {  	s6 =	sld [smem:$0x3FFC];
	_ =	sdelay $0x3  }
0x9b: {  	_ =	strace s6  }
0x9c: {  	s6 =	sld [smem:$0x3FFD];
	_ =	sdelay $0x3  }
0x9d: {  	_ =	strace s6  }
0x9e: {  	_ =	strace $0x8FFFFFFF  }
0x9f: {  	s19 =	sld [smem:$0x3FDB];
	_ =	sdelay $0x1  }
0xa0: {  	s7 =	simm.s32 $_scs_section_size  }
0xa1: {  	s8 =	simm.s32 $_size__tile_overlayer_lowered;
	s9 =	simm.s32 $_tile_overlayer_lowered  }
0xa2: {  	s22 =	simm.s32 $0x1BFF;
	s21 =	sshll.u32 s9, $0x1;
	s6 =	sadd.s32 s7, s19  }
0xa3: {  	s10 =	simm.s32 $0x0;
	s20 =	sshll.u32 s8, $0x1;
	s8 =	sadd.s32 s21, s6  }
0xa4: {  	[timem:s10], [sflag:s22] =	dma.local [hbm:s8], s20  }
0xa5: {  	_ =	swait.ge [sflag:s22], s20  }
0xa6: {  	s7 =	ssub.s32 $0x0, s20;
	[sflag:s22] =	ssyncset.done $0x0  }
0xa7: {  	[sflag:s22] =	ssyncadd.s32 s7;
	_ =	sdelay $0x1  }
0xa8: {  	s23 =	simm.s32 $0x1B8B  }
0xa9: {  	_ =	swait.ge [sflag:s23], $0x1  }
0xaa: {  	[sflag:s23] =	ssyncset.done $0x0  }
0xab: {  	s25 =	simm.s32 $0x1B8E;
	s24 =	sld [smem:$0x3FFE];
	[sflag:s23] =	ssyncadd.s32 $0xFFFFFFFF  }
0xac: {  	s26 =	simm.s32 $execute0_lowered;
	[smem:$0x3FD2] =	sst s25  }
0xad: {  	s8 =	sshll.u32 s26, $0x1;
	_ =	strace $0x80000046;
	[dreg:$0x1] =	wrdreg $0xFFFFFFFF  }
0xae: {  	s28 =	simm.s32 $_size_execute0_lowered;
	s6 =	sadd.s32 s6, s8;
	[dreg:$0x0] =	wrdreg $0x0  }
0xaf: {  	s8 =	sshll.u32 s28, $0x1;
	[dreg:$0x2] =	wrdreg s6  }
0xb0: {  	[dreg:$0x3] =	wrdreg s8  }
0xb1: {  	[dreg:$0x4] =	wrdreg $0xC0  }
0xb2: {  	_ =	task [dreg:s10], $0x5FFFF  }
0xb3: {  	[dreg:$0x1] =	wrdreg $0xFFFFFFFF  }
0xb4: {  	[dreg:$0x0] =	wrdreg $0x60  }
0xb5: {  	[dreg:$0x2] =	wrdreg s17  }
0xb6: {  	[dreg:$0x3] =	wrdreg s18  }
0xb7: {  	[dreg:$0x4] =	wrdreg s5  }
0xb8: {  	[dreg:$0x5] =	wrdreg s24  }
0xb9: {  	[dreg:$0x6] =	wrdreg s16  }
0xba: {  	[dreg:$0x7] =	wrdreg $0x49000  }
0xbb: {  	[dreg:$0x8] =	wrdreg $0x9  }
0xbc: {  	_ =	task.clear_ibuf [dreg:s10], $0x9FFFF;
	_ =	strace $0x90000046  }
0xbd: {  	s29 =	simm.s32 $0x9;
	_ =	strace $0x80000048  }
0xbe: {  	_ =	swait.ge [sflag:s29], $0x1  }
0xbf: {  	[sflag:s29] =	ssyncadd.s32 $0xFFFFFFFF  }
0xc0: {  	_ =	strace $0x90000048  }
0xc1: {  	_ =	sfence  }
0xc2: {  	s30 =	sld [smem:$0x0];
	_ =	sdelay $0x2  }
0xc3: {  	s31 =	sshll.u32 s1, $0xD;
	s1 =	sshrl.u32 s1, $0x2  }
0xc4: {  	s3 =	sand.u32 $0x4000, s31;
	s1 =	sadd.s32 s1, s30  }
0xc5: {  	s0 =	sor.u32 s3, s0;
	s1 =	sshll.u32 s1, $0x11  }
0xc6: {  	s0 =	sor.u32 s1, s0  }
0xc7: {  	s0 =	sadd.s32 $0x8F2B, s0  }
0xc8: {  	[sflag:s0] =	ssyncadd.remote.s32 $0x1  }
0xc9: {  	_ =	sfence.sel $0xFFFF  }
0xca: {  	[dreg:$0x0] =	wrdreg $0xFFFFFFFF;
	(pc) =	sbr.abs _section_cstart, $3  }
0xcb: {  	[dreg:$0x1] =	wrdreg $0xFFFFFFFF  }
0xcc: {  	_ =	task.clear_ibuf [dreg:s10], $0x2FFFF;
	_ =	strace $0x9FFFFFFF  }
0xcd: {  	(tm) =	ssettm $0x7FFFFFFF  }
tec
execute0_lowered:
.L_overlay_start_1:
0x0: {  	(tag) =	ssettag $0x1  }
0x1: {  	s1 =	rddreg [dreg:$0x0]  }
0x2: {  	s2 =	rddreg [dreg:$0x1]  }
0x3: {  	s3 =	rddreg [dreg:$0x2]  }
0x4: {  	s4 =	rddreg [dreg:$0x3]  }
0x5: {  	s0 =	rddreg [dreg:$0x4]  }
0x6: {  	s5 =	rddreg [dreg:$0x5]  }
0x7: {  	s7 =	simm.s32 $0x0;
	s6 =	srdreg.scid;
	s16 =	stileid.u32  }
0x8: {  	s28 =	simm.s32 $0x18500;
	s29 =	simm.s32 $0x18580;
	s30 =	simm.s32 $0x1AD00  }
0x9: {  	s31 =	simm.s32 $0x4800;
	[smem:$0x7FF] =	sst s7;
	s9 =	smul.u32 $0x4E000, s16  }
0xa: {  	s6 =	sand.u32 $0x1, s6;
	s8 =	sadd.s32 $0x600, s4;
	s10 =	smul.u32 $0x270, s16  }
0xb: {  	s11 =	sadd.s32 $0xC00, s4;
	s24 =	sadd.s32 $0xAC00, s4;
	s18 =	sadd.s32 $0x138000, s5  }
0xc: {  	p0 =	sne.s32 s16, $0xF;
	_ =	strace $0x80000047;
	[dreg:$0x7] =	wrdreg s11  }
0xd: {  	s23 =	sshll.u32 s6, $0x4;
	[dreg:$0x8] =	wrdreg s24;
	s26 =	smul.u32 $0x138800, s6  }
0xe: {  	s12 =	ssub.s32 $0x2, s6;
	s6 =	smul.u32 $0x2710, s6;
	s7 =	sor.u32 s16, s23  }
0xf: {  	s11 =	sadd.s32 $0x14C00, s4;
	[dreg:$0xc] =	wrdreg s18;
	s25 =	smul.u32 $0x1400, s7  }
0x10: {  	s14 =	sshrl.u32 s12, $0x1;
	s9 =	sshrl.u32 s9, $0x2;
	s13 =	smul.u32 $0x9C4, s7  }
0x11: {  	s15 =	smul.u32 $0x4E20, s7;
	s12 =	ssub.s32 s12, s14;
	s14 =	sadd.s32 s9, s5  }
0x12: {  	s24 =	sadd.s32 $0xD0, s10;
	s7 =	smul.u32 $0xA, s7;
	[dreg:$0xa] =	wrdreg s14  }
0x13: {  	s9 =	sshrl.u32 s26, $0x3;
	s17 =	sadd.s32 $0x12000, s14;
	[dreg:$0x9] =	wrdreg s25  }
0x14: {  	s23 =	sadd.s32 s6, s10;
	s26 =	sadd.s32 s6, s24;
	[dreg:$0xb] =	wrdreg s17  }
0x15: {  	s20 =	sadd.s32 s11, s9;
	s22 =	smax.u32 s12, $0x1;
	[dreg:$0xd] =	wrdreg s7  }
0x16: {  	s17 =	sadd.s32 s0, s13;
	s19 =	sshrl.u32 s15, $0x3;
	s21 =	sadd.s32 $0x27000, s20  }
0x17: {  	[dreg:$0x11] =	wrdreg s22;
	s25 =	sadd.s32 $0x1A0, s10;
	s10 =	sshll.u32 s26, $0x4  }
0x18: {  	s7 =	sshll.u32 s24, $0x7;
	s13 =	sadd.s32 $0x2000, s14;
	[dreg:$0xe] =	wrdreg s17  }
0x19: {  	s20 =	sadd.s32 $0x4000, s14;
	s22 =	sadd.s32 $0x8000, s14;
	[dreg:$0x10] =	wrdreg s21  }
0x1a: {  	s24 =	sadd.s32 $0xC000, s14;
	s26 =	sadd.s32 $0x10000, s14;
	[dreg:$0x15] =	wrdreg s13  }
0x1b: {  	s0 =	sadd.s32 s0, s19;
	s6 =	sadd.s32 s6, s25;
	[dreg:$0x18] =	wrdreg s20  }
0x1c: {  	s15 =	sadd.s32 s7, s5;
	s17 =	sshll.u32 s25, $0x7;
	[dreg:$0x1a] =	wrdreg s22  }
0x1d: {  	s21 =	sadd.s32 $0x6000, s14;
	[dreg:$0x1c] =	wrdreg s24;
	s25 =	sadd.s32 $0xE000, s14  }
0x1e: {  	[dreg:$0x1e] =	wrdreg s26;
	s7 =	simm.s32 $0x800;
	s22 =	simm.s32 $0x1  }
0x1f: {  	s24 =	simm.s32 $0x18280;
	s26 =	simm.s32 $0x18480;
	[dreg:$0x19] =	wrdreg s21  }
0x20: {  	s0 =	sadd.s32 $0x4E2, s0;
	s6 =	sshll.u32 s6, $0x4;
	[dreg:$0x1d] =	wrdreg s25  }
0x21: {  	s25 =	simm.s32 $0x18300;
	[dreg:$0xf] =	wrdreg s0;
	s12 =	sadd.s32 s11, s6  }
0x22: {  	s0 =	sshll.u32 s23, $0x4;
	s23 =	sadd.s32 $0xA000, s14;
	[dreg:$0x14] =	wrdreg s12  }
0x23: {  	s6 =	sadd.s32 s17, s5;
	s0 =	sadd.s32 s11, s0;
	[dreg:$0x1b] =	wrdreg s23  }
0x24: {  	s17 =	simm.s32 $0x40;
	s19 =	sshrl.u32 s6, $0x3;
	[dreg:$0x12] =	wrdreg s0  }
0x25: {  	s23 =	simm.s32 $0x2800;
	s0 =	sadd.s32 s11, s10;
	[dreg:$0x17] =	wrdreg s19  }
0x26: {  	s6 =	simm.s32 $0x2;
	[dreg:$0x13] =	wrdreg s0;
	s0 =	sshrl.u32 s15, $0x3  }
0x27: {  	v0 =	vimm.f32 $0.0e+00;
	s11 =	simm.s32 $0x0;
	[dreg:$0x16] =	wrdreg s0;
	s0 =	simm.s32 $0x4880  }
.LBB2_1:
0x28: {  	[dreg:$0x1f] =	wrdreg s11;
	s9 =	simm.s32 $0x0;
	s10 =	simm.s32 $0x200  }
.LBB2_2:
0x29: {  	p1 =	sne.s32 s10, $0x7E00;
	[tilespmem:s9+$0x870] =	vst v0  }
0x2a: {  	[tilespmem:s9+$0x800] =	vst v0  }
0x2b: {  	[tilespmem:s9+$0x810] =	vst v0  }
.Ltmp0:
0x2c: {  	[tilespmem:s9+$0x820] =	vst v0;
	(pc) =	sbr.rel @p1 .LBB2_2-.Ltmp0, $4  }
0x2d: {  	[tilespmem:s9+$0x830] =	vst v0  }
0x2e: {  	[tilespmem:s9+$0x840] =	vst v0  }
0x2f: {  	[tilespmem:s9+$0x850] =	vst v0  }
0x30: {  	[tilespmem:s9+$0x860] =	vst v0;
	s9 =	sshra.s32 s10, $0x2;
	s10 =	sadd.s32 $0x200, s10  }
0x31: {  	[tilespmem:s9+$0x870] =	vst v0  }
0x32: {  	[tilespmem:s9+$0x800] =	vst v0  }
0x33: {  	[tilespmem:s9+$0x810] =	vst v0  }
0x34: {  	[tilespmem:s9+$0x820] =	vst v0  }
0x35: {  	[tilespmem:s9+$0x830] =	vst v0  }
0x36: {  	[tilespmem:s9+$0x840] =	vst v0  }
0x37: {  	[tilespmem:s9+$0x850] =	vst v0  }
0x38: {  	[tilespmem:s9+$0x860] =	vst v0;
	s9 =	simm.s32 $0x40;
	s10 =	simm.s32 $0x0  }
.LBB2_4:
0x39: {  	p1 =	sne.s32 s9, $0x9C00;
	[tilespmem:s10+$0x18580] =	vst v0;
	s11 =	smov.u32 s9;
	s9 =	sadd.s32 $0x40, s9  }
.Ltmp1:
0x3a: {  	[tilespmem:s10+$0x1AD00] =	vst v0;
	(pc) =	sbr.rel @p1 .LBB2_4-.Ltmp1, $2  }
0x3b: {  	_ =	sdelay $0x2  }
0x3c: {  	s10 =	sshra.s32 s11, $0x2  }
0x3d: {  	[tilespmem:s10+$0x18580] =	vst v0  }
0x3e: {  	[tilespmem:s10+$0x1AD00] =	vst v0;
	s11 =	simm.s32 $0x5  }
0x3f: {  	[spmem:s14] =	stream.linear.scatter [tilespmem:s7], [sflag:$0x5], $0x2000, $0x38;
	[tilespmem:$0x1D480] =	vst v63  }
0x40: {  	_ =	swait.ge [sflag:s11], $0x2000  }
0x41: {  	[sflag:s11] =	ssyncset.done $0x0  }
0x42: {  	s9 =	rddreg [dreg:$0x15];
	[sflag:s11] =	ssyncadd.s32 $0xFFFFE000  }
0x43: {  	[spmem:s9] =	stream.linear.scatter [tilespmem:s7], [sflag:$0x5], $0x2000, $0x38;
	[tilespmem:$0x1D480] =	vst v63  }
0x44: {  	_ =	swait.ge [sflag:s11], $0x2000  }
0x45: {  	[sflag:s11] =	ssyncset.done $0x0  }
0x46: {  	s12 =	rddreg [dreg:$0x18];
	[sflag:s11] =	ssyncadd.s32 $0xFFFFE000  }
0x47: {  	[spmem:s12] =	stream.linear.scatter [tilespmem:s7], [sflag:$0x5], $0x2000, $0x38;
	[tilespmem:$0x1D480] =	vst v63  }
0x48: {  	_ =	swait.ge [sflag:s11], $0x2000  }
0x49: {  	[sflag:s11] =	ssyncset.done $0x0  }
0x4a: {  	s13 =	rddreg [dreg:$0x19];
	[sflag:s11] =	ssyncadd.s32 $0xFFFFE000  }
0x4b: {  	[spmem:s13] =	stream.linear.scatter [tilespmem:s7], [sflag:$0x5], $0x2000, $0x38;
	[tilespmem:$0x1D480] =	vst v63  }
0x4c: {  	_ =	swait.ge [sflag:s11], $0x2000  }
0x4d: {  	[sflag:s11] =	ssyncset.done $0x0  }
0x4e: {  	s14 =	rddreg [dreg:$0x1a];
	[sflag:s11] =	ssyncadd.s32 $0xFFFFE000  }
0x4f: {  	[spmem:s14] =	stream.linear.scatter [tilespmem:s7], [sflag:$0x5], $0x2000, $0x38;
	[tilespmem:$0x1D480] =	vst v63  }
0x50: {  	_ =	swait.ge [sflag:s11], $0x2000  }
0x51: {  	[sflag:s11] =	ssyncset.done $0x0  }
0x52: {  	s15 =	rddreg [dreg:$0x1b];
	[sflag:s11] =	ssyncadd.s32 $0xFFFFE000  }
0x53: {  	[spmem:s15] =	stream.linear.scatter [tilespmem:s7], [sflag:$0x5], $0x2000, $0x38;
	[tilespmem:$0x1D480] =	vst v63  }
0x54: {  	_ =	swait.ge [sflag:s11], $0x2000  }
0x55: {  	[sflag:s11] =	ssyncset.done $0x0  }
0x56: {  	s16 =	rddreg [dreg:$0x1c];
	[sflag:s11] =	ssyncadd.s32 $0xFFFFE000  }
0x57: {  	[spmem:s16] =	stream.linear.scatter [tilespmem:s7], [sflag:$0x5], $0x2000, $0x38;
	[tilespmem:$0x1D480] =	vst v63  }
0x58: {  	_ =	swait.ge [sflag:s11], $0x2000  }
0x59: {  	[sflag:s11] =	ssyncset.done $0x0  }
0x5a: {  	s19 =	rddreg [dreg:$0x1d];
	[sflag:s11] =	ssyncadd.s32 $0xFFFFE000  }
0x5b: {  	[spmem:s19] =	stream.linear.scatter [tilespmem:s7], [sflag:$0x5], $0x2000, $0x38;
	[tilespmem:$0x1D480] =	vst v63  }
0x5c: {  	_ =	swait.ge [sflag:s11], $0x2000  }
0x5d: {  	[sflag:s11] =	ssyncset.done $0x0  }
0x5e: {  	s20 =	rddreg [dreg:$0x1e];
	[sflag:s11] =	ssyncadd.s32 $0xFFFFE000  }
0x5f: {  	[spmem:s20] =	stream.linear.scatter [tilespmem:s7], [sflag:$0x5], $0x2000, $0x38;
	[tilespmem:$0x1D480] =	vst v63  }
0x60: {  	_ =	swait.ge [sflag:s11], $0x2000  }
0x61: {  	[sflag:s11] =	ssyncset.done $0x0  }
0x62: {  	s21 =	rddreg [dreg:$0xb];
	[sflag:s11] =	ssyncadd.s32 $0xFFFFE000  }
0x63: {  	[spmem:s21] =	stream.linear.scatter [tilespmem:s7], [sflag:$0x5], $0x1800, $0x38;
	[tilespmem:$0x1D480] =	vst v63  }
0x64: {  	_ =	swait.ge [sflag:s11], $0x1800  }
0x65: {  	[sflag:s11] =	ssyncset.done $0x0  }
0x66: {  	s9 =	simm.s32 @!p0 $0x800;
	[sflag:s11] =	ssyncadd.s32 $0xFFFFE800  }
0x67: {  	[spmem:s18] =	stream.linear.scatter @!p0 [tilespmem:s9], [sflag:$0x5], $0x800, $0x38;
	[tilespmem:$0x1D480] =	vst v63  }
0x68: {  	s9 =	simm.s32 @!p0 $0x5  }
0x69: {  	_ =	swait.ge @!p0 [sflag:s9], $0x800  }
0x6a: {  	[sflag:s9] =	ssyncset.done @!p0 $0x0  }
0x6b: {  	[sflag:s9] =	ssyncadd.s32 @!p0 $0xFFFFF800  }
0x6c: {  	s19 =	simm.s32 $0x0;
	[bflag:$0x0] =	sbarrier.arrive $0xFFFF  }
.LBB2_6:
0x6d: {  	s9 =	rddreg [dreg:$0xd]  }
0x6e: {  	s9 =	sadd.s32 s9, s19  }
0x6f: {  	s10 =	rddreg [dreg:$0x7];
	s9 =	sshll.u32 s9, $0x7  }
0x70: {  	s12 =	simm.s32 $0x0;
	s11 =	simm.s32 $0x5;
	s10 =	sadd.s32 s10, s9  }
0x71: {  	[tilespmem:s12], [sflag:$0x5] =	stream.linear.gather [hbm4b:s10+s12], $0x400, $0x38;
	[tilespmem:$0x1D480] =	vst v63  }
0x72: {  	_ =	swait.ge [sflag:s11], $0x400  }
0x73: {  	[sflag:s11] =	ssyncset.done $0x0;
	s21 =	rddreg [dreg:$0x8]  }
0x74: {  	s13 =	simm.s32 $0x400;
	[sflag:s11] =	ssyncadd.s32 $0xFFFFFC00;
	s9 =	sadd.s32 s21, s9  }
0x75: {  	[tilespmem:s13], [sflag:$0x5] =	stream.linear.gather [hbm4b:s9+s12], $0x400, $0x38;
	[tilespmem:$0x1D480] =	vst v63  }
0x76: {  	_ =	swait.ge [sflag:s11], $0x400  }
0x77: {  	[sflag:s11] =	ssyncset.done $0x0  }
0x78: {  	[sflag:s11] =	ssyncadd.s32 $0xFFFFFC00  }
0x79: {  	[tilespmem:s7], [sflag:$0x1] =	stream.indirect.gather [hbm4b:s1+s17], $0x80, s12, s17, $0xb8;
	[tilespmem:$0x1D480] =	vst v63  }
0x7a: {  	s14 =	simm.s32 $0x18180  }
0x7b: {  	[tilespmem:s14], [sflag:$0x1] =	stream.indirect.gather [hbm4b:s2+s17], $0x1, s12, s17, $0xb8;
	[tilespmem:$0x1D480] =	vst v63  }
0x7c: {  	s15 =	simm.s32 $0x18200  }
0x7d: {  	[tilespmem:s15], [sflag:$0x1] =	stream.indirect.gather [hbm4b:s3+s17], $0x1, s13, s17, $0xb8;
	[tilespmem:$0x1D480] =	vst v63  }
0x7e: {  	s16 =	simm.s32 $0x18380;
	s20 =	sshll.u32 s19, $0x9;
	s21 =	rddreg [dreg:$0x9]  }
0x7f: {  	[tilespmem:s16], [sflag:$0x1] =	stream.indirect.gather [hbm4b:s8+s17], $0x1, s12, s17, $0xb8;
	[tilespmem:$0x1D480] =	vst v63  }
0x80: {  	s18 =	simm.s32 $0x18400;
	s20 =	sadd.s32 s21, s20;
	s21 =	simm.s32 $0x0  }
0x81: {  	[tilespmem:s18], [sflag:$0x1] =	stream.indirect.gather [hbm4b:s4+s17], $0x1, s13, s17, $0xb8;
	[tilespmem:$0x1D480] =	vst v63  }
.LBB2_7:
0x82: {  	_ =	swait.ge [sflag:s22], $0x2000  }
0x83: {  	[sflag:s22] =	ssyncset.done $0x0  }
0x84: {  	[sflag:s22] =	ssyncadd.s32 $0xFFFFE000  }
0x85: {  	_ =	swait.ge [sflag:s22], $0x40  }
0x86: {  	[sflag:s22] =	ssyncset.done $0x0  }
0x87: {  	[sflag:s22] =	ssyncadd.s32 $0xFFFFFFC0  }
0x88: {  	_ =	swait.ge [sflag:s22], $0x40  }
0x89: {  	[sflag:s22] =	ssyncset.done $0x0  }
0x8a: {  	[sflag:s22] =	ssyncadd.s32 $0xFFFFFFC0  }
0x8b: {  	_ =	swait.ge [sflag:s22], $0x40  }
0x8c: {  	[sflag:s22] =	ssyncset.done $0x0  }
0x8d: {  	[sflag:s22] =	ssyncadd.s32 $0xFFFFFFC0  }
0x8e: {  	_ =	swait.ge [sflag:s22], $0x40  }
0x8f: {  	p1 =	seq.s32 s21, $0x0;
	[sflag:s22] =	ssyncset.done $0x0  }
0x90: {  	s9 =	simm.s32 @!p1 $0x4;
	[sflag:s22] =	ssyncadd.s32 $0xFFFFFFC0  }
0x91: {  	_ =	swait.ge @!p1 [sflag:s9], $0x2000  }
0x92: {  	s11 =	sshllo.u32 s21, $0x1;
	[sflag:s9] =	ssyncset.done @!p1 $0x0  }
0x93: {  	s10 =	sshll.u32 s11, $0x7;
	[sflag:s9] =	ssyncadd.s32 @!p1 $0xFFFFE000  }
0x94: {  	[tilespmem:s23], [sflag:$0x2] =	stream.indirect.gather [hbm4b:s1+s17], $0x80, s10, s17, $0xb8;
	[tilespmem:$0x1D480] =	vst v63  }
0x95: {  	_ = 	snop  }
0x96: {  	[tilespmem:s24], [sflag:$0x2] =	stream.indirect.gather [hbm4b:s2+s17], $0x1, s10, s17, $0xb8;
	[tilespmem:$0x1D480] =	vst v63  }
0x97: {  	s9 =	sadd.s32 $0x400, s10  }
0x98: {  	[tilespmem:s25], [sflag:$0x2] =	stream.indirect.gather [hbm4b:s3+s17], $0x1, s9, s17, $0xb8;
	[tilespmem:$0x1D480] =	vst v63  }
0x99: {  	_ = 	snop  }
0x9a: {  	[tilespmem:s26], [sflag:$0x2] =	stream.indirect.gather [hbm4b:s8+s17], $0x1, s10, s17, $0xb8;
	[tilespmem:$0x1D480] =	vst v63  }
0x9b: {  	_ = 	snop  }
0x9c: {  	[tilespmem:s28], [sflag:$0x2] =	stream.indirect.gather [hbm4b:s4+s17], $0x1, s9, s17, $0xb8;
	[tilespmem:$0x1D480] =	vst v63  }
0x9d: {  	v1 =	vld [tilespmem:$0x18180]  }
0x9e: {  	v2 =	vld [tilespmem:$0x18200];
	_ =	sdelay $0x4  }
0x9f: {  	v1 =	vadd.f32 v2, v1;
	_ =	sdelay $0x1  }
0xa0: {  	v2 =	vmul.f32 $2.000000030e-01, v1  }
0xa1: {  	vm0 =	vge.f32 v1, $0.0e+00  }
0xa2: {  	v1 =	vsel vm0, v1, v2  }
0xa3: {  	v1 =	vmul.f32 $1.442695020e+00, v1;
	_ =	sdelay $0x1  }
0xa4: {  	(erf) = vpow2.f32 v1;
	_ =	sdelay $0x2  }
0xa5: {  	s15 =	sshll.u32 s21, $0x8  }
0xa6: {  	v1 =	vld [tilespmem:s15+$0x400];
	_ =	sdelay $0x2  }
0xa7: {  	s12 =	sshll.u32 s21, $0x7  }
0xa8: {  	s16 =	sadd.s32 s20, s12  }
0xa9: {  	p3 =	slt.u32 s16, $0x27100;
	v2 =	vpop (erf)  }
0xaa: {  	v2 =	vpsel !p3, $0x0, v2  }
0xab: {  	[tilespmem:$0x4800] =	vst v2  }
0xac: {  	[tilespmem:v1+s29+$0x0] =	vst.idx.add.f32.msk $0xffff, v2  }
0xad: {  	v2 =	vld [tilespmem:$0x18380]  }
0xae: {  	v3 =	vld [tilespmem:$0x18400];
	_ =	sdelay $0x4  }
0xaf: {  	v2 =	vadd.f32 v3, v2;
	_ =	sdelay $0x1  }
0xb0: {  	v3 =	vmul.f32 $2.000000030e-01, v2  }
0xb1: {  	vm9 =	vge.f32 v2, $0.0e+00  }
0xb2: {  	v2 =	vsel vm9, v2, v3  }
0xb3: {  	v2 =	vmul.f32 $1.442695020e+00, v2;
	_ =	sdelay $0x1  }
0xb4: {  	(erf) = vpow2.f32 v2;
	_ =	sdelay $0x8  }
0xb5: {  	v2 =	vpop (erf)  }
0xb6: {  	v2 =	vpsel !p3, $0x0, v2  }
0xb7: {  	[tilespmem:$0x4880] =	vst v2  }
0xb8: {  	[tilespmem:v1+s30+$0x0] =	vst.idx.add.f32.msk $0xffff, v2  }
0xb9: {  	v1 =	vld [tilespmem:$0x18190]  }
0xba: {  	v2 =	vld [tilespmem:$0x18210];
	_ =	sdelay $0x4  }
0xbb: {  	v1 =	vadd.f32 v2, v1;
	_ =	sdelay $0x1  }
0xbc: {  	v2 =	vmul.f32 $2.000000030e-01, v1  }
0xbd: {  	vm10 =	vge.f32 v1, $0.0e+00  }
0xbe: {  	v1 =	vsel vm10, v1, v2  }
0xbf: {  	v1 =	vmul.f32 $1.442695020e+00, v1;
	_ =	sdelay $0x1  }
0xc0: {  	(erf) = vpow2.f32 v1;
	_ =	sdelay $0x3  }
0xc1: {  	v1 =	vld [tilespmem:s15+$0x410];
	_ =	sdelay $0x3  }
0xc2: {  	s12 =	sor.u32 $0x10, s16  }
0xc3: {  	p4 =	slt.u32 s12, $0x27100;
	v2 =	vpop (erf)  }
0xc4: {  	v2 =	vpsel !p4, $0x0, v2  }
0xc5: {  	[tilespmem:$0x4810] =	vst v2  }
0xc6: {  	[tilespmem:v1+s29+$0x0] =	vst.idx.add.f32.msk $0xffff, v2  }
0xc7: {  	v2 =	vld [tilespmem:$0x18390]  }
0xc8: {  	v3 =	vld [tilespmem:$0x18410];
	_ =	sdelay $0x4  }
0xc9: {  	v2 =	vadd.f32 v3, v2;
	_ =	sdelay $0x1  }
0xca: {  	v3 =	vmul.f32 $2.000000030e-01, v2  }
0xcb: {  	vm11 =	vge.f32 v2, $0.0e+00  }
0xcc: {  	v2 =	vsel vm11, v2, v3  }
0xcd: {  	v2 =	vmul.f32 $1.442695020e+00, v2;
	_ =	sdelay $0x1  }
0xce: {  	(erf) = vpow2.f32 v2;
	_ =	sdelay $0x8  }
0xcf: {  	v2 =	vpop (erf)  }
0xd0: {  	v2 =	vpsel !p4, $0x0, v2  }
0xd1: {  	[tilespmem:$0x4890] =	vst v2  }
0xd2: {  	[tilespmem:v1+s30+$0x0] =	vst.idx.add.f32.msk $0xffff, v2  }
0xd3: {  	v1 =	vld [tilespmem:$0x181A0]  }
0xd4: {  	v2 =	vld [tilespmem:$0x18220];
	_ =	sdelay $0x4  }
0xd5: {  	v1 =	vadd.f32 v2, v1;
	_ =	sdelay $0x1  }
0xd6: {  	v2 =	vmul.f32 $2.000000030e-01, v1  }
0xd7: {  	vm12 =	vge.f32 v1, $0.0e+00  }
0xd8: {  	v1 =	vsel vm12, v1, v2  }
0xd9: {  	v1 =	vmul.f32 $1.442695020e+00, v1;
	_ =	sdelay $0x1  }
0xda: {  	(erf) = vpow2.f32 v1;
	_ =	sdelay $0x3  }
0xdb: {  	v1 =	vld [tilespmem:s15+$0x420];
	_ =	sdelay $0x3  }
0xdc: {  	s14 =	sor.u32 $0x20, s16  }
0xdd: {  	p5 =	slt.u32 s14, $0x27100;
	v2 =	vpop (erf)  }
0xde: {  	v2 =	vpsel !p5, $0x0, v2  }
0xdf: {  	[tilespmem:$0x4820] =	vst v2  }
0xe0: {  	[tilespmem:v1+s29+$0x0] =	vst.idx.add.f32.msk $0xffff, v2  }
0xe1: {  	v2 =	vld [tilespmem:$0x183A0]  }
0xe2: {  	v3 =	vld [tilespmem:$0x18420];
	_ =	sdelay $0x4  }
0xe3: {  	v2 =	vadd.f32 v3, v2;
	_ =	sdelay $0x1  }
0xe4: {  	v3 =	vmul.f32 $2.000000030e-01, v2  }
0xe5: {  	vm13 =	vge.f32 v2, $0.0e+00  }
0xe6: {  	v2 =	vsel vm13, v2, v3  }
0xe7: {  	v2 =	vmul.f32 $1.442695020e+00, v2;
	_ =	sdelay $0x1  }
0xe8: {  	(erf) = vpow2.f32 v2;
	_ =	sdelay $0x8  }
0xe9: {  	v2 =	vpop (erf)  }
0xea: {  	v2 =	vpsel !p5, $0x0, v2  }
0xeb: {  	[tilespmem:$0x48A0] =	vst v2  }
0xec: {  	[tilespmem:v1+s30+$0x0] =	vst.idx.add.f32.msk $0xffff, v2  }
0xed: {  	v1 =	vld [tilespmem:$0x181B0]  }
0xee: {  	v2 =	vld [tilespmem:$0x18230];
	_ =	sdelay $0x4  }
0xef: {  	v1 =	vadd.f32 v2, v1;
	_ =	sdelay $0x1  }
0xf0: {  	v2 =	vmul.f32 $2.000000030e-01, v1  }
0xf1: {  	vm14 =	vge.f32 v1, $0.0e+00  }
0xf2: {  	v1 =	vsel vm14, v1, v2  }
0xf3: {  	v1 =	vmul.f32 $1.442695020e+00, v1;
	_ =	sdelay $0x1  }
0xf4: {  	(erf) = vpow2.f32 v1;
	_ =	sdelay $0x3  }
0xf5: {  	v1 =	vld [tilespmem:s15+$0x430];
	_ =	sdelay $0x3  }
0xf6: {  	s16 =	sor.u32 $0x30, s16  }
0xf7: {  	p6 =	slt.u32 s16, $0x27100;
	v2 =	vpop (erf)  }
0xf8: {  	v2 =	vpsel !p6, $0x0, v2  }
0xf9: {  	[tilespmem:$0x4830] =	vst v2  }
0xfa: {  	[tilespmem:v1+s29+$0x0] =	vst.idx.add.f32.msk $0xffff, v2  }
0xfb: {  	v2 =	vld [tilespmem:$0x183B0]  }
0xfc: {  	v3 =	vld [tilespmem:$0x18430];
	_ =	sdelay $0x4  }
0xfd: {  	v2 =	vadd.f32 v3, v2;
	_ =	sdelay $0x1  }
0xfe: {  	v3 =	vmul.f32 $2.000000030e-01, v2  }
0xff: {  	vm15 =	vge.f32 v2, $0.0e+00  }
0x100: {  	v2 =	vsel vm15, v2, v3  }
0x101: {  	v2 =	vmul.f32 $1.442695020e+00, v2;
	_ =	sdelay $0x1  }
0x102: {  	(erf) = vpow2.f32 v2;
	_ =	sdelay $0x8  }
0x103: {  	v2 =	vpop (erf)  }
0x104: {  	s18 =	simm.s32 $0x0;
	v2 =	vpsel !p6, $0x0, v2  }
0x105: {  	v3 =	vmov s18;
	[tilespmem:$0x48B0] =	vst v2  }
0x106: {  	s16 =	simm.s32 $0x840;
	[tilespmem:v1+s30+$0x0] =	vst.idx.add.f32.msk $0xffff, v2  }
0x107: {  	v8 =	vld [tilespmem:s16+$0xFFFFFFF0]  }
0x108: {  	v6 =	vld [tilespmem:s16+$0xFFFFFFC0]  }
0x109: {  	v7 =	vld [tilespmem:s16+$0xFFFFFFD0]  }
0x10a: {  	v4 =	vld.idx.msk [tilespmem:v3+s31+$0x0], $0xffff  }
0x10b: {  	v2 =	vld.idx.msk [tilespmem:v3+s0+$0x0], $0xffff  }
0x10c: {  	v11 =	vld [tilespmem:s16+$0x0]  }
0x10d: {  	v3 =	vld [tilespmem:s16+$0xFFFFFFE0]  }
0x10e: {  	v1 =	vld [tilespmem:s16+$0x30]  }
0x10f: {  	v5 =	vld [tilespmem:s16+$0x20]  }
0x110: {  	v9 =	vmul.f32 v6, v4;
	v6 =	vld [tilespmem:s16+$0x10]  }
0x111: {  	v7 =	vmul.f32 v7, v4  }
0x112: {  	s14 =	sadd.s32 $0x400, s15;
	s12 =	simm.s32 $0x1;
	s18 =	simm.s32 $0x840;
	v10 =	vmul.f32 v8, v4;
	v8 =	vmul.f32 v11, v2  }
.LBB2_8:
0x113: {  	p1 =	sne.s32 s12, $0x3F  }
0x114: {  	[tilespmem:s16+$0xFFFFFFC0] =	vst v9;
	v3 =	vmul.f32 v3, v4;
	v4 =	vmul.f32 v5, v2;
	s18 =	sadd.s32 $0x80, s18;
	s13 =	smov.u32 s12;
	s12 =	sadd.s32 $0x1, s12  }
0x115: {  	v1 =	vmul.f32 v1, v2;
	[tilespmem:s16+$0xFFFFFFF0] =	vst v10;
	v5 =	vmul.f32 v6, v2  }
0x116: {  	[tilespmem:s16+$0xFFFFFFD0] =	vst v7  }
0x117: {  	v2 =	vmov s13;
	v10 =	vld [tilespmem:s18+$0xFFFFFFF0];
	[tilespmem:s16+$0x0] =	vst v8  }
0x118: {  	v7 =	vld [tilespmem:s18+$0xFFFFFFC0];
	[tilespmem:s16+$0xFFFFFFE0] =	vst v3  }
0x119: {  	v3 =	vld [tilespmem:s18+$0xFFFFFFE0];
	[tilespmem:s16+$0x30] =	vst v1  }
0x11a: {  	v1 =	vld [tilespmem:s18+$0x30];
	[tilespmem:s16+$0x10] =	vst v5  }
0x11b: {  	v8 =	vld [tilespmem:s18+$0xFFFFFFD0];
	[tilespmem:s16+$0x20] =	vst v4;
	s16 =	smov.u32 s18  }
0x11c: {  	v4 =	vld.idx.msk [tilespmem:v2+s31+$0x0], $0xffff  }
0x11d: {  	v2 =	vld.idx.msk [tilespmem:v2+s0+$0x0], $0xffff  }
0x11e: {  	v11 =	vld [tilespmem:s18+$0x0]  }
.Ltmp2:
0x11f: {  	v5 =	vld [tilespmem:s18+$0x20];
	(pc) =	sbr.rel @p1 .LBB2_8-.Ltmp2, $3  }
0x120: {  	v6 =	vld [tilespmem:s18+$0x10];
	_ =	sdelay $0x1  }
0x121: {  	v9 =	vmul.f32 v7, v4;
	v7 =	vmul.f32 v8, v4  }
0x122: {  	v10 =	vmul.f32 v10, v4;
	v8 =	vmul.f32 v11, v2  }
0x123: {  	[tilespmem:s16+$0xFFFFFFC0] =	vst v9  }
0x124: {  	[tilespmem:s16+$0xFFFFFFD0] =	vst v7  }
0x125: {  	v3 =	vmul.f32 v3, v4;
	[tilespmem:s16+$0xFFFFFFF0] =	vst v10  }
0x126: {  	v1 =	vmul.f32 v1, v2;
	[tilespmem:s16+$0x0] =	vst v8  }
0x127: {  	v4 =	vmul.f32 v6, v2;
	[tilespmem:s16+$0xFFFFFFE0] =	vst v3  }
0x128: {  	v2 =	vmul.f32 v5, v2;
	[tilespmem:s16+$0x30] =	vst v1  }
0x129: {  	[tilespmem:s16+$0x10] =	vst v4  }
0x12a: {  	[tilespmem:s16+$0x20] =	vst v2  }
0x12b: {  	[spmem:s5] =	stream.indirect.scatter.add.f32 [tilespmem:s7], [sflag:$0x3], $0x80, s14, s17, $0xb8;
	[tilespmem:$0x1D480] =	vst v63  }
0x12c: {  	_ =	swait.ge [sflag:s6], $0x2000  }
0x12d: {  	[sflag:s6] =	ssyncset.done $0x0  }
0x12e: {  	[sflag:s6] =	ssyncadd.s32 $0xFFFFE000  }
0x12f: {  	_ =	swait.ge [sflag:s6], $0x40  }
0x130: {  	[sflag:s6] =	ssyncset.done $0x0  }
0x131: {  	[sflag:s6] =	ssyncadd.s32 $0xFFFFFFC0  }
0x132: {  	_ =	swait.ge [sflag:s6], $0x40  }
0x133: {  	[sflag:s6] =	ssyncset.done $0x0  }
0x134: {  	[sflag:s6] =	ssyncadd.s32 $0xFFFFFFC0  }
0x135: {  	_ =	swait.ge [sflag:s6], $0x40  }
0x136: {  	[sflag:s6] =	ssyncset.done $0x0  }
0x137: {  	[sflag:s6] =	ssyncadd.s32 $0xFFFFFFC0  }
0x138: {  	_ =	swait.ge [sflag:s6], $0x40  }
0x139: {  	p1 =	seq.s32 s21, $0x3;
	[sflag:s6] =	ssyncset.done $0x0  }
0x13a: {  	s12 =	simm.s32 @!p1 $0x3;
	[sflag:s6] =	ssyncadd.s32 $0xFFFFFFC0  }
0x13b: {  	_ =	swait.ge @!p1 [sflag:s12], $0x2000  }
0x13c: {  	s13 =	simm.s32 @!p1 $0x40;
	[sflag:s12] =	ssyncset.done @!p1 $0x0  }
0x13d: {  	s14 =	simm.s32 @!p1 $0x800;
	[sflag:s12] =	ssyncadd.s32 @!p1 $0xFFFFE000;
	s12 =	sadd.s32 @!p1 $0x100, s15  }
0x13e: {  	[tilespmem:s14], [sflag:$0x1] =	stream.indirect.gather @!p1 [hbm4b:s1+s13], $0x80, s12, s13, $0xb8;
	[tilespmem:$0x1D480] =	vst v63  }
0x13f: {  	s14 =	simm.s32 @!p1 $0x18180  }
0x140: {  	[tilespmem:s14], [sflag:$0x1] =	stream.indirect.gather @!p1 [hbm4b:s2+s13], $0x1, s12, s13, $0xb8;
	[tilespmem:$0x1D480] =	vst v63  }
0x141: {  	s14 =	sadd.s32 @!p1 $0x500, s15;
	s15 =	simm.s32 @!p1 $0x18200  }
0x142: {  	[tilespmem:s15], [sflag:$0x1] =	stream.indirect.gather @!p1 [hbm4b:s3+s13], $0x1, s14, s13, $0xb8;
	[tilespmem:$0x1D480] =	vst v63  }
0x143: {  	s15 =	simm.s32 @!p1 $0x18380  }
0x144: {  	[tilespmem:s15], [sflag:$0x1] =	stream.indirect.gather @!p1 [hbm4b:s8+s13], $0x1, s12, s13, $0xb8;
	[tilespmem:$0x1D480] =	vst v63  }
0x145: {  	s12 =	simm.s32 @!p1 $0x18400  }
0x146: {  	[tilespmem:s12], [sflag:$0x1] =	stream.indirect.gather @!p1 [hbm4b:s4+s13], $0x1, s14, s13, $0xb8;
	[tilespmem:$0x1D480] =	vst v63  }
0x147: {  	v1 =	vld [tilespmem:$0x18280]  }
0x148: {  	v2 =	vld [tilespmem:$0x18300];
	_ =	sdelay $0x4  }
0x149: {  	v1 =	vadd.f32 v2, v1;
	_ =	sdelay $0x1  }
0x14a: {  	v2 =	vmul.f32 $2.000000030e-01, v1  }
0x14b: {  	vm0 =	vge.f32 v1, $0.0e+00  }
0x14c: {  	v1 =	vsel vm0, v1, v2  }
0x14d: {  	v1 =	vmul.f32 $1.442695020e+00, v1;
	_ =	sdelay $0x1  }
0x14e: {  	(erf) = vpow2.f32 v1;
	_ =	sdelay $0x3  }
0x14f: {  	v1 =	vld [tilespmem:s10+$0x400];
	_ =	sdelay $0x2  }
0x150: {  	s11 =	sshll.u32 s11, $0x6  }
0x151: {  	s11 =	sadd.s32 s20, s11  }
0x152: {  	p3 =	slt.u32 s11, $0x27100;
	v2 =	vpop (erf)  }
0x153: {  	v2 =	vpsel !p3, $0x0, v2  }
0x154: {  	[tilespmem:$0x4800] =	vst v2  }
0x155: {  	[tilespmem:v1+s29+$0x0] =	vst.idx.add.f32.msk $0xffff, v2  }
0x156: {  	v2 =	vld [tilespmem:$0x18480]  }
0x157: {  	v3 =	vld [tilespmem:$0x18500];
	_ =	sdelay $0x4  }
0x158: {  	v2 =	vadd.f32 v3, v2;
	_ =	sdelay $0x1  }
0x159: {  	v3 =	vmul.f32 $2.000000030e-01, v2  }
0x15a: {  	vm9 =	vge.f32 v2, $0.0e+00  }
0x15b: {  	v2 =	vsel vm9, v2, v3  }
0x15c: {  	v2 =	vmul.f32 $1.442695020e+00, v2;
	_ =	sdelay $0x1  }
0x15d: {  	(erf) = vpow2.f32 v2;
	_ =	sdelay $0x8  }
0x15e: {  	v2 =	vpop (erf)  }
0x15f: {  	v2 =	vpsel !p3, $0x0, v2  }
0x160: {  	[tilespmem:$0x4880] =	vst v2  }
0x161: {  	[tilespmem:v1+s30+$0x0] =	vst.idx.add.f32.msk $0xffff, v2  }
0x162: {  	v1 =	vld [tilespmem:$0x18290]  }
0x163: {  	v2 =	vld [tilespmem:$0x18310];
	_ =	sdelay $0x4  }
0x164: {  	v1 =	vadd.f32 v2, v1;
	_ =	sdelay $0x1  }
0x165: {  	v2 =	vmul.f32 $2.000000030e-01, v1  }
0x166: {  	vm10 =	vge.f32 v1, $0.0e+00  }
0x167: {  	v1 =	vsel vm10, v1, v2  }
0x168: {  	v1 =	vmul.f32 $1.442695020e+00, v1;
	_ =	sdelay $0x1  }
0x169: {  	(erf) = vpow2.f32 v1;
	_ =	sdelay $0x3  }
0x16a: {  	v1 =	vld [tilespmem:s10+$0x410];
	_ =	sdelay $0x3  }
0x16b: {  	s14 =	sor.u32 $0x10, s11  }
0x16c: {  	p4 =	slt.u32 s14, $0x27100;
	v2 =	vpop (erf)  }
0x16d: {  	v2 =	vpsel !p4, $0x0, v2  }
0x16e: {  	[tilespmem:$0x4810] =	vst v2  }
0x16f: {  	[tilespmem:v1+s29+$0x0] =	vst.idx.add.f32.msk $0xffff, v2  }
0x170: {  	v2 =	vld [tilespmem:$0x18490]  }
0x171: {  	v3 =	vld [tilespmem:$0x18510];
	_ =	sdelay $0x4  }
0x172: {  	v2 =	vadd.f32 v3, v2;
	_ =	sdelay $0x1  }
0x173: {  	v3 =	vmul.f32 $2.000000030e-01, v2  }
0x174: {  	vm11 =	vge.f32 v2, $0.0e+00  }
0x175: {  	v2 =	vsel vm11, v2, v3  }
0x176: {  	v2 =	vmul.f32 $1.442695020e+00, v2;
	_ =	sdelay $0x1  }
0x177: {  	(erf) = vpow2.f32 v2;
	_ =	sdelay $0x8  }
0x178: {  	v2 =	vpop (erf)  }
0x179: {  	v2 =	vpsel !p4, $0x0, v2  }
0x17a: {  	[tilespmem:$0x4890] =	vst v2  }
0x17b: {  	[tilespmem:v1+s30+$0x0] =	vst.idx.add.f32.msk $0xffff, v2  }
0x17c: {  	v1 =	vld [tilespmem:$0x182A0]  }
0x17d: {  	v2 =	vld [tilespmem:$0x18320];
	_ =	sdelay $0x4  }
0x17e: {  	v1 =	vadd.f32 v2, v1;
	_ =	sdelay $0x1  }
0x17f: {  	v2 =	vmul.f32 $2.000000030e-01, v1  }
0x180: {  	vm12 =	vge.f32 v1, $0.0e+00  }
0x181: {  	v1 =	vsel vm12, v1, v2  }
0x182: {  	v1 =	vmul.f32 $1.442695020e+00, v1;
	_ =	sdelay $0x1  }
0x183: {  	(erf) = vpow2.f32 v1;
	_ =	sdelay $0x3  }
0x184: {  	v1 =	vld [tilespmem:s10+$0x420];
	_ =	sdelay $0x3  }
0x185: {  	s15 =	sor.u32 $0x20, s11  }
0x186: {  	p5 =	slt.u32 s15, $0x27100;
	v2 =	vpop (erf)  }
0x187: {  	v2 =	vpsel !p5, $0x0, v2  }
0x188: {  	[tilespmem:$0x4820] =	vst v2  }
0x189: {  	[tilespmem:v1+s29+$0x0] =	vst.idx.add.f32.msk $0xffff, v2  }
0x18a: {  	v2 =	vld [tilespmem:$0x184A0]  }
0x18b: {  	v3 =	vld [tilespmem:$0x18520];
	_ =	sdelay $0x4  }
0x18c: {  	v2 =	vadd.f32 v3, v2;
	_ =	sdelay $0x1  }
0x18d: {  	v3 =	vmul.f32 $2.000000030e-01, v2  }
0x18e: {  	vm13 =	vge.f32 v2, $0.0e+00  }
0x18f: {  	v2 =	vsel vm13, v2, v3  }
0x190: {  	v2 =	vmul.f32 $1.442695020e+00, v2;
	_ =	sdelay $0x1  }
0x191: {  	(erf) = vpow2.f32 v2;
	_ =	sdelay $0x8  }
0x192: {  	v2 =	vpop (erf)  }
0x193: {  	v2 =	vpsel !p5, $0x0, v2  }
0x194: {  	[tilespmem:$0x48A0] =	vst v2  }
0x195: {  	[tilespmem:v1+s30+$0x0] =	vst.idx.add.f32.msk $0xffff, v2  }
0x196: {  	v1 =	vld [tilespmem:$0x182B0]  }
0x197: {  	v2 =	vld [tilespmem:$0x18330];
	_ =	sdelay $0x4  }
0x198: {  	v1 =	vadd.f32 v2, v1;
	_ =	sdelay $0x1  }
0x199: {  	v2 =	vmul.f32 $2.000000030e-01, v1  }
0x19a: {  	vm14 =	vge.f32 v1, $0.0e+00  }
0x19b: {  	v1 =	vsel vm14, v1, v2  }
0x19c: {  	v1 =	vmul.f32 $1.442695020e+00, v1;
	_ =	sdelay $0x1  }
0x19d: {  	(erf) = vpow2.f32 v1;
	_ =	sdelay $0x3  }
0x19e: {  	v1 =	vld [tilespmem:s10+$0x430];
	_ =	sdelay $0x3  }
0x19f: {  	s16 =	sor.u32 $0x30, s11  }
0x1a0: {  	p6 =	slt.u32 s16, $0x27100;
	v2 =	vpop (erf)  }
0x1a1: {  	v2 =	vpsel !p6, $0x0, v2  }
0x1a2: {  	[tilespmem:$0x4830] =	vst v2  }
0x1a3: {  	[tilespmem:v1+s29+$0x0] =	vst.idx.add.f32.msk $0xffff, v2  }
0x1a4: {  	v2 =	vld [tilespmem:$0x184B0]  }
0x1a5: {  	v3 =	vld [tilespmem:$0x18530];
	_ =	sdelay $0x4  }
0x1a6: {  	v2 =	vadd.f32 v3, v2;
	_ =	sdelay $0x1  }
0x1a7: {  	v3 =	vmul.f32 $2.000000030e-01, v2  }
0x1a8: {  	vm15 =	vge.f32 v2, $0.0e+00  }
0x1a9: {  	v2 =	vsel vm15, v2, v3  }
0x1aa: {  	v2 =	vmul.f32 $1.442695020e+00, v2;
	_ =	sdelay $0x1  }
0x1ab: {  	(erf) = vpow2.f32 v2;
	_ =	sdelay $0x8  }
0x1ac: {  	v2 =	vpop (erf)  }
0x1ad: {  	s18 =	simm.s32 $0x0;
	v2 =	vpsel !p6, $0x0, v2  }
0x1ae: {  	v3 =	vmov s18;
	[tilespmem:$0x48B0] =	vst v2  }
0x1af: {  	s10 =	simm.s32 $0x2840;
	[tilespmem:v1+s30+$0x0] =	vst.idx.add.f32.msk $0xffff, v2  }
0x1b0: {  	v8 =	vld [tilespmem:s10+$0xFFFFFFF0]  }
0x1b1: {  	v6 =	vld [tilespmem:s10+$0xFFFFFFC0]  }
0x1b2: {  	v7 =	vld [tilespmem:s10+$0xFFFFFFD0]  }
0x1b3: {  	v4 =	vld.idx.msk [tilespmem:v3+s31+$0x0], $0xffff  }
0x1b4: {  	v2 =	vld.idx.msk [tilespmem:v3+s0+$0x0], $0xffff  }
0x1b5: {  	v11 =	vld [tilespmem:s10+$0x0]  }
0x1b6: {  	v3 =	vld [tilespmem:s10+$0xFFFFFFE0]  }
0x1b7: {  	v1 =	vld [tilespmem:s10+$0x30]  }
0x1b8: {  	v5 =	vld [tilespmem:s10+$0x20]  }
0x1b9: {  	v10 =	vmul.f32 v6, v4;
	v6 =	vld [tilespmem:s10+$0x10]  }
0x1ba: {  	v7 =	vmul.f32 v7, v4  }
0x1bb: {  	s11 =	simm.s32 $0x1;
	s12 =	simm.s32 $0x2840;
	v9 =	vmul.f32 v8, v4;
	v8 =	vmul.f32 v11, v2  }
.LBB2_10:
0x1bc: {  	p1 =	sne.s32 s11, $0x3F  }
0x1bd: {  	[tilespmem:s10+$0xFFFFFFC0] =	vst v10;
	v3 =	vmul.f32 v3, v4;
	v4 =	vmul.f32 v5, v2;
	s12 =	sadd.s32 $0x80, s12;
	s13 =	smov.u32 s11;
	s11 =	sadd.s32 $0x1, s11  }
0x1be: {  	v1 =	vmul.f32 v1, v2;
	[tilespmem:s10+$0xFFFFFFF0] =	vst v9;
	v5 =	vmul.f32 v6, v2  }
0x1bf: {  	[tilespmem:s10+$0xFFFFFFD0] =	vst v7  }
0x1c0: {  	v2 =	vmov s13;
	v9 =	vld [tilespmem:s12+$0xFFFFFFF0];
	[tilespmem:s10+$0x0] =	vst v8  }
0x1c1: {  	v7 =	vld [tilespmem:s12+$0xFFFFFFC0];
	[tilespmem:s10+$0xFFFFFFE0] =	vst v3  }
0x1c2: {  	v3 =	vld [tilespmem:s12+$0xFFFFFFE0];
	[tilespmem:s10+$0x30] =	vst v1  }
0x1c3: {  	v1 =	vld [tilespmem:s12+$0x30];
	[tilespmem:s10+$0x10] =	vst v5  }
0x1c4: {  	v8 =	vld [tilespmem:s12+$0xFFFFFFD0];
	[tilespmem:s10+$0x20] =	vst v4;
	s10 =	smov.u32 s12  }
0x1c5: {  	v4 =	vld.idx.msk [tilespmem:v2+s31+$0x0], $0xffff  }
0x1c6: {  	v2 =	vld.idx.msk [tilespmem:v2+s0+$0x0], $0xffff  }
0x1c7: {  	v11 =	vld [tilespmem:s12+$0x0]  }
.Ltmp3:
0x1c8: {  	v5 =	vld [tilespmem:s12+$0x20];
	(pc) =	sbr.rel @p1 .LBB2_10-.Ltmp3, $3  }
0x1c9: {  	v6 =	vld [tilespmem:s12+$0x10];
	_ =	sdelay $0x1  }
0x1ca: {  	v10 =	vmul.f32 v7, v4;
	v7 =	vmul.f32 v8, v4  }
0x1cb: {  	v9 =	vmul.f32 v9, v4;
	v8 =	vmul.f32 v11, v2  }
0x1cc: {  	[tilespmem:s10+$0xFFFFFFC0] =	vst v10  }
0x1cd: {  	[tilespmem:s10+$0xFFFFFFD0] =	vst v7  }
0x1ce: {  	v3 =	vmul.f32 v3, v4;
	s21 =	sadd.s32 $0x1, s21;
	[tilespmem:s10+$0xFFFFFFF0] =	vst v9  }
0x1cf: {  	v1 =	vmul.f32 v1, v2;
	[tilespmem:s10+$0x0] =	vst v8;
	p1 =	sne.s32 s21, $0x4  }
.Ltmp4:
0x1d0: {  	v63 =	vmul.f32 v6, v2;
	[tilespmem:s10+$0xFFFFFFE0] =	vst v3;
	(pc) =	sbr.rel @p1 .LBB2_7-.Ltmp4, $4  }
0x1d1: {  	v2 =	vmul.f32 v5, v2;
	[tilespmem:s10+$0x30] =	vst v1  }
0x1d2: {  	[tilespmem:s10+$0x10] =	vst v63  }
0x1d3: {  	[tilespmem:s10+$0x20] =	vst v2  }
0x1d4: {  	[spmem:s5] =	stream.indirect.scatter.add.f32 [tilespmem:s23], [sflag:$0x4], $0x80, s9, s17, $0xb8;
	[tilespmem:$0x1D480] =	vst v63  }
0x1d5: {  	s9 =	simm.s32 $0x3;
	s19 =	sadd.s32 $0x1, s19  }
0x1d6: {  	_ =	swait.ge [sflag:s9], $0x2000;
	p1 =	sne.s32 s19, $0xA  }
.Ltmp5:
0x1d7: {  	[sflag:s9] =	ssyncset.done $0x0;
	(pc) =	sbr.rel @p1 .LBB2_6-.Ltmp5, $4  }
0x1d8: {  	s21 =	simm.s32 $0x4;
	[sflag:s9] =	ssyncadd.s32 $0xFFFFE000  }
0x1d9: {  	_ =	swait.ge [sflag:s21], $0x2000  }
0x1da: {  	[sflag:s21] =	ssyncset.done $0x0  }
0x1db: {  	[sflag:s21] =	ssyncadd.s32 $0xFFFFE000  }
0x1dc: {  	s9 =	simm.s32 $0x0;
	s10 =	rddreg [dreg:$0xe];
	s12 =	simm.s32 $0x5  }
0x1dd: {  	[hbm4b:s10+s9] =	stream.linear.scatter [tilespmem:s29], [sflag:$0x5], $0x2710, $0x38;
	[tilespmem:$0x1D480] =	vst v63  }
0x1de: {  	_ =	swait.ge [sflag:s12], $0x2710  }
0x1df: {  	[sflag:s12] =	ssyncset.done $0x0  }
0x1e0: {  	s21 =	rddreg [dreg:$0xf];
	[sflag:s12] =	ssyncadd.s32 $0xFFFFD8F0  }
0x1e1: {  	[hbm4b:s21+s9] =	stream.linear.scatter [tilespmem:s30], [sflag:$0x5], $0x2710, $0x38;
	[tilespmem:$0x1D480] =	vst v63  }
0x1e2: {  	_ =	swait.ge [sflag:s12], $0x2710  }
0x1e3: {  	[sflag:s12] =	ssyncset.done $0x0  }
0x1e4: {  	[sflag:s12] =	ssyncadd.s32 $0xFFFFD8F0  }
0x1e5: {  	s11 =	stileid.u32;
	[bflag:$0x0] =	sbarrier.arrive $0xFFFF  }
0x1e6: {  	s9 =	sshll.u32 s11, $0x6;
	s14 =	rddreg [dreg:$0xa]  }
0x1e7: {  	s9 =	sor.u32 $0x1C05, s9;
	s11 =	rddreg [dreg:$0x12];
	s13 =	sshrl.u32 s14, $0x3  }
0x1e8: {  	[hbm:s11], [sflag:s9] =	dma.local [spmem:s13], $0xD00  }
0x1e9: {  	_ =	swait.ge [sflag:s12], $0xD00  }
0x1ea: {  	[sflag:s12] =	ssyncset.done $0x0;
	s15 =	rddreg [dreg:$0x13]  }
0x1eb: {  	s16 =	rddreg [dreg:$0x16];
	[sflag:s12] =	ssyncadd.s32 $0xFFFFF300  }
0x1ec: {  	[hbm:s15], [sflag:s9] =	dma.local [spmem:s16], $0xD00  }
0x1ed: {  	_ =	swait.ge [sflag:s12], $0xD00  }
0x1ee: {  	[sflag:s12] =	ssyncset.done $0x0;
	s18 =	rddreg [dreg:$0x14]  }
0x1ef: {  	s19 =	rddreg [dreg:$0x17];
	[sflag:s12] =	ssyncadd.s32 $0xFFFFF300  }
0x1f0: {  	[hbm:s18], [sflag:s9] =	dma.local [spmem:s19], $0xD00  }
0x1f1: {  	_ =	swait.ge [sflag:s12], $0xD00  }
0x1f2: {  	s10 =	simm.s32 @!p0 $0x1FC5;
	[sflag:s12] =	ssyncset.done $0x0;
	s18 =	rddreg [dreg:$0xc]  }
0x1f3: {  	s11 =	rddreg [dreg:$0x10];
	[sflag:s12] =	ssyncadd.s32 $0xFFFFF300;
	s9 =	sshrl.u32 @!p0 s18, $0x3  }
0x1f4: {  	[hbm:s11], [sflag:s10] =	dma.local @!p0 [spmem:s9], $0x100  }
0x1f5: {  	s9 =	simm.s32 @!p0 $0x5  }
0x1f6: {  	_ =	swait.ge @!p0 [sflag:s9], $0x100  }
0x1f7: {  	s20 =	rddreg [dreg:$0x1f]  }
0x1f8: {  	s21 =	rddreg [dreg:$0x11];
	s11 =	sadd.s32 $0x1, s20  }
0x1f9: {  	p1 =	sne.s32 s11, s21  }
.Ltmp6:
0x1fa: {  	_ = 	snop;
	(pc) =	sbr.rel @p1 .LBB2_1-.Ltmp6, $3  }
0x1fb: {  	_ =	sdelay $0x1  }
0x1fc: {  	[sflag:s9] =	ssyncset.done @!p0 $0x0  }
0x1fd: {  	[sflag:s9] =	ssyncadd.s32 @!p0 $0xFFFFFF00  }
0x1fe: {  	_ =	sfence.sel $0x180000  }
0x1ff: {  	[bflag:$0x0] =	sbarrier.arrive $0xFFFF  }
0x200: {  	_ =	strace $0x90000047  }
0x201: {  	s0 =	stileid.u32;
	[bflag:$0x2] =	sbarrier.arrive $0xFFFF  }
0x202: {  	p0 =	sne.s32 s0, $0x0;
	s0 =	rddreg [dreg:$0x6]  }
0x203: {  	s0 =	sadd.s32 @!p0 $0x100000, s0  }
0x204: {  	[sflag:s0] =	ssyncadd.tile.s32 @!p0 $0x1;
	_ =	shalt  }
.Lfunc_end2:
_tile_overlayer_lowered:
.L_overlay_start_2:
0x205: {  	(tag) =	ssettag $0x2  }
0x206: {  	s0 =	rddreg [dreg:$0x0];
	s2 =	stileid.u32  }
0x207: {  	s1 =	rddreg [dreg:$0x1];
	p0 =	sne.s32 s2, $0x0  }
0x208: {  	s3 =	rddreg [dreg:$0x2];
	[bflag:$0x3] =	sbarrier.arrive $0xFFFF;
	s2 =	simm.s32 @!p0 $0x1C05  }
0x209: {  	[timem:s3], [sflag:s2] =	dma.local @!p0 [hbm:s0], s1  }
0x20a: {  	s0 =	simm.s32 @!p0 $0x5  }
0x20b: {  	_ =	swait.ge @!p0 [sflag:s0], s1  }
0x20c: {  	s1 =	ssub.s32 @!p0 $0x0, s1;
	[sflag:s0] =	ssyncset.done @!p0 $0x0  }
0x20d: {  	[sflag:s0] =	ssyncadd.s32 @!p0 s1  }
0x20e: {  	[bflag:$0x3] =	sbarrier.arrive $0xFFFF  }
0x20f: {  	_ =	shalt  }

// kernel: kernel.8.cloned.1.call-start
scs
__scs_entry_jumppad:
0x0: {  	(pc) =	sbr.rel $0x88, $3  }
0x1: {  	(tag) =	ssettag $0x0;
	lr =	simm.s32 $0x1  }
0x2: {  	[smem:$0x3F91] =	sst lr;
	_ =	strace $0xD0000000  }
0x3: {  	_ = 	snop  }
0x4: {  	_ = 	snop  }
0x5: {  	_ = 	snop  }
0x6: {  	_ = 	snop  }
0x7: {  	_ = 	snop  }
__scs_overlays_trampoline_lowered:
0x8: {  	[smem:$0x3FA0] =	sst s0  }
0x9: {  	[smem:$0x3FA1] =	sst s1  }
0xa: {  	[smem:$0x3FA2] =	sst s2  }
0xb: {  	[smem:$0x3FA3] =	sst s3  }
0xc: {  	[smem:$0x3FA4] =	sst s4  }
0xd: {  	[smem:$0x3FA5] =	sst s5  }
0xe: {  	[smem:$0x3FA6] =	sst s6  }
0xf: {  	[smem:$0x3FA7] =	sst s7  }
0x10: {  	[smem:$0x3FA8] =	sst s8  }
0x11: {  	[smem:$0x3FA9] =	sst s9;
	s0 =	simm.s32 @!p0 $0x0  }
0x12: {  	s1 =	sld [smem:$0x3F8F];
	s0 =	simm.s32 @p0 $0x1  }
0x13: {  	[smem:$0x3FAA] =	sst s0;
	s0 =	simm.s32 @!p1 $0x0  }
0x14: {  	s2 =	sld [smem:$0x3F8E];
	s0 =	simm.s32 @p1 $0x1  }
0x15: {  	[smem:$0x3FAB] =	sst s0;
	s0 =	simm.s32 @!p2 $0x0  }
0x16: {  	s3 =	sld [smem:$0x3FDB];
	s0 =	simm.s32 @p2 $0x1  }
0x17: {  	s4 =	simm.s32 $0x1BF5;
	[smem:$0x3FAD] =	sst s0  }
0x18: {  	s0 =	sld [smem:$0x3F90];
	_ =	swait.ge [sflag:s4], $0x0  }
0x19: {  	s7 =	sld [smem:$0x3F91]  }
0x1a: {  	s8 =	sadd.s32 $0xFFFFE003, lr  }
0x1b: {  	s9 =	sadd.s32 $0xFFFFFEF7, lr;
	s5 =	simm.s32 $0xFFFFFFFF;
	p2 =	slt.u32 s8, $0xFFFFF086  }
0x1c: {  	p1 =	slt.u32 s9, $0xF7A;
	s5 =	simm.s32 @!p2 $0x0  }
0x1d: {  	s5 =	simm.s32 @p1 $0x1;
	p0 =	seq.s32 s7, s2  }
0x1e: {  	s7 =	smul.u32 @!p0 $0xF7A, s2;
	p2 =	seq.s32 @!p0 s5, $0x0  }
0x1f: {  	s9 =	smul.u32 $0xF7A, s1;
	s8 =	simm.s32 @!p0 $0x1BF5;
	p2 =	por !p2, p0  }
0x20: {  	[sflag:s8] =	ssyncset.s32 @!p0 $0xFFFFF086;
	s6 =	sadd.s32 @!p0 s3, s7;
	s7 =	simm.s32 @!p0 $0x108  }
0x21: {  	s3 =	sadd.s32 s3, s9;
	s6 =	sadd.s32 @!p0 $0x88, s6;
	s7 =	simm.s32 @p2 $0x1082  }
0x22: {  	[simem:s7], [sflag:s8] =	dma.local @!p0 [hbm:s6], $0xF7A  }
0x23: {  	s9 =	sor.u32 $0xD0000000, s2;
	s6 =	simm.s32 $0x108;
	_ =	swait.ge @!p0 [sflag:s8], $0x0  }
0x24: {  	s3 =	sadd.s32 $0x88, s3;
	s6 =	simm.s32 @!p1 $0x1082;
	[sflag:s4] =	ssyncset.s32 $0xFFFFF086  }
0x25: {  	[simem:s6], [sflag:s4] =	dma.local [hbm:s3], $0xF7A  }
0x26: {  	[smem:$0x3F91] =	sst s1;
	(tag) =	ssettag s2;
	_ =	strace s9  }
0x27: {  	s1 =	sld [smem:$0x3FA1]  }
0x28: {  	s2 =	sld [smem:$0x3FA2]  }
0x29: {  	s4 =	sld [smem:$0x3FA4]  }
0x2a: {  	p0 =	seq.s32 s5, $0x0;
	s5 =	sld [smem:$0x3FA5]  }
0x2b: {  	s6 =	sld [smem:$0x3FA6]  }
0x2c: {  	s7 =	sld [smem:$0x3FA7]  }
0x2d: {  	s3 =	simm.s32 $0x108;
	s8 =	sld [smem:$0x3FA8]  }
0x2e: {  	s3 =	simm.s32 @!p0 $0x1082;
	s9 =	sld [smem:$0x3FA9]  }
0x2f: {  	lr =	sadd.s32 s0, s3;
	s0 =	sld [smem:$0x3FA0]  }
0x30: {  	s3 =	sld [smem:$0x3FA3]  }
0x31: {  	[smem:$0x3FAC] =	sst s10  }
0x32: {  	s10 =	sld [smem:$0x3FAA];
	_ =	sdelay $0x3  }
0x33: {  	p0 =	seq.s32 s10, $0x1;
	s10 =	sld [smem:$0x3FAC];
	_ =	sdelay $0x3  }
0x34: {  	[smem:$0x3FAC] =	sst s10  }
0x35: {  	s10 =	sld [smem:$0x3FAB];
	_ =	sdelay $0x3  }
0x36: {  	p1 =	seq.s32 s10, $0x1;
	s10 =	sld [smem:$0x3FAC];
	_ =	sdelay $0x3  }
0x37: {  	[smem:$0x3FAC] =	sst s10  }
0x38: {  	s10 =	sld [smem:$0x3FAD]  }
0x39: {  	_ = 	snop;
	(pc) =	sbr.ind lr, $3  }
0x3a: {  	_ = 	snop  }
0x3b: {  	_ = 	snop  }
0x3c: {  	p2 =	seq.s32 s10, $0x1;
	s10 =	sld [smem:$0x3FAC]  }
0x3d: {  	_ =	shalt  }
0x3e: {  	_ =	shalt  }
0x3f: {  	_ =	shalt  }
0x40: {  	_ =	shalt  }
0x41: {  	_ =	shalt  }
0x42: {  	_ =	shalt  }
0x43: {  	_ =	shalt  }
0x44: {  	_ =	shalt  }
0x45: {  	_ =	shalt  }
0x46: {  	_ =	shalt  }
0x47: {  	_ =	shalt  }
0x48: {  	_ =	shalt  }
0x49: {  	_ =	shalt  }
0x4a: {  	_ =	shalt  }
0x4b: {  	_ =	shalt  }
0x4c: {  	_ =	shalt  }
0x4d: {  	_ =	shalt  }
0x4e: {  	_ =	shalt  }
0x4f: {  	_ =	shalt  }
0x50: {  	_ =	shalt  }
0x51: {  	_ =	shalt  }
0x52: {  	_ =	shalt  }
0x53: {  	_ =	shalt  }
0x54: {  	_ =	shalt  }
0x55: {  	_ =	shalt  }
0x56: {  	_ =	shalt  }
0x57: {  	_ =	shalt  }
0x58: {  	_ =	shalt  }
0x59: {  	_ =	shalt  }
0x5a: {  	_ =	shalt  }
0x5b: {  	_ =	shalt  }
0x5c: {  	_ =	shalt  }
0x5d: {  	_ =	shalt  }
0x5e: {  	_ =	shalt  }
0x5f: {  	_ =	shalt  }
0x60: {  	_ =	shalt  }
0x61: {  	_ =	shalt  }
0x62: {  	_ =	shalt  }
0x63: {  	_ =	shalt  }
0x64: {  	_ =	shalt  }
0x65: {  	_ =	shalt  }
0x66: {  	_ =	shalt  }
0x67: {  	_ =	shalt  }
0x68: {  	_ =	shalt  }
0x69: {  	_ =	shalt  }
0x6a: {  	_ =	shalt  }
0x6b: {  	_ =	shalt  }
0x6c: {  	_ =	shalt  }
0x6d: {  	_ =	shalt  }
0x6e: {  	_ =	shalt  }
0x6f: {  	_ =	shalt  }
0x70: {  	_ =	shalt  }
0x71: {  	_ =	shalt  }
0x72: {  	_ =	shalt  }
0x73: {  	_ =	shalt  }
0x74: {  	_ =	shalt  }
0x75: {  	_ =	shalt  }
0x76: {  	_ =	shalt  }
0x77: {  	_ =	shalt  }
0x78: {  	_ =	shalt  }
0x79: {  	_ =	shalt  }
0x7a: {  	_ =	shalt  }
0x7b: {  	_ =	shalt  }
0x7c: {  	_ =	shalt  }
0x7d: {  	_ =	shalt  }
0x7e: {  	_ =	shalt  }
0x7f: {  	_ =	shalt  }
0x80: {  	_ =	shalt  }
0x81: {  	_ =	shalt  }
0x82: {  	_ =	shalt  }
0x83: {  	_ =	shalt  }
0x84: {  	_ =	shalt  }
0x85: {  	_ =	shalt  }
0x86: {  	_ =	shalt  }
0x87: {  	_ =	shalt  }
.Lfunc_end0:
.L_simem_size_0:
called_computation.1_lowered:
.L_overlay_start_0:
0x88: {  	s2 =	sld [smem:$0x3FD9]  }
0x89: {  	s3 =	sld [smem:$0x3FFE];
	_ =	sdelay $0x1  }
0x8a: {  	s1 =	srdreg.scid  }
0x8b: {  	s0 =	sand.u32 $0x1, s1  }
0x8c: {  	s14 =	sshll.u32 s0, $0xA;
	s2 =	sadd.s32 s3, s2  }
0x8d: {  	s2 =	sadd.s32 s2, s14  }
0x8e: {  	[smem:$0x3FB8] =	sst s2  }
0x8f: {  	_ = 	snop  }
0x90: {  	s2 =	sld [smem:$0x3FD0];
	_ =	sdelay $0x2  }
0x91: {  	s15 =	simm.s32 $0xA;
	s4 =	simm.s32 $0x10  }
0x92: {  	[smem:s4], [sflag:s15] =	dma.local [hbm:s2], $0x1  }
0x93: {  	_ =	swait.eq [sflag:s15], $0x1  }
0x94: {  	[sflag:s15] =	ssyncset.done $0x0  }
0x95: {  	[sflag:s15] =	ssyncadd.s32 $0xFFFFFFFF  }
0x96: {  	s16 =	sld [smem:$0x11];
	(tm) =	ssettm $0x1  }
0x97: {  	s17 =	sld [smem:$0x3FFB];
	_ =	sdelay $0x3  }
0x98: {  	_ =	strace s17  }
0x99: {  	s3 =	sld [smem:$0x3FFC];
	_ =	sdelay $0x3  }
0x9a: {  	_ =	strace s3  }
0x9b: {  	s3 =	sld [smem:$0x3FFD];
	_ =	sdelay $0x3  }
0x9c: {  	_ =	strace s3  }
0x9d: {  	_ =	strace $0x8FFFFFFF  }
0x9e: {  	s18 =	sld [smem:$0x3FDB];
	_ =	sdelay $0x1  }
0x9f: {  	s19 =	simm.s32 $_scs_section_size  }
0xa0: {  	s5 =	simm.s32 $_size__tile_overlayer_lowered;
	s6 =	simm.s32 $_tile_overlayer_lowered  }
0xa1: {  	s22 =	simm.s32 $0x1BFF;
	s21 =	sshll.u32 s6, $0x1;
	s3 =	sadd.s32 s19, s18  }
0xa2: {  	s7 =	simm.s32 $0x0;
	s20 =	sshll.u32 s5, $0x1;
	s5 =	sadd.s32 s21, s3  }
0xa3: {  	[timem:s7], [sflag:s22] =	dma.local [hbm:s5], s20  }
0xa4: {  	_ =	swait.ge [sflag:s22], s20  }
0xa5: {  	s4 =	ssub.s32 $0x0, s20;
	[sflag:s22] =	ssyncset.done $0x0  }
0xa6: {  	[sflag:s22] =	ssyncadd.s32 s4;
	_ =	sdelay $0x1  }
0xa7: {  	s23 =	simm.s32 $0x1B8B  }
0xa8: {  	_ =	swait.ge [sflag:s23], $0x1  }
0xa9: {  	[sflag:s23] =	ssyncset.done $0x0  }
0xaa: {  	s25 =	simm.s32 $0x1B8E;
	s24 =	sld [smem:$0x3FFE];
	[sflag:s23] =	ssyncadd.s32 $0xFFFFFFFF  }
0xab: {  	s26 =	simm.s32 $execute0_lowered;
	[smem:$0x3FD2] =	sst s25  }
0xac: {  	s5 =	sshll.u32 s26, $0x1;
	_ =	strace $0x80000049;
	[dreg:$0x1] =	wrdreg $0xFFFFFFFF  }
0xad: {  	s28 =	simm.s32 $_size_execute0_lowered;
	s3 =	sadd.s32 s3, s5;
	[dreg:$0x0] =	wrdreg $0x0  }
0xae: {  	s5 =	sshll.u32 s28, $0x1;
	[dreg:$0x2] =	wrdreg s3  }
0xaf: {  	[dreg:$0x3] =	wrdreg s5  }
0xb0: {  	[dreg:$0x4] =	wrdreg $0xC0  }
0xb1: {  	_ =	task [dreg:s7], $0x5FFFF  }
0xb2: {  	[dreg:$0x1] =	wrdreg $0xFFFFFFFF  }
0xb3: {  	[dreg:$0x0] =	wrdreg $0x60  }
0xb4: {  	[dreg:$0x2] =	wrdreg s16  }
0xb5: {  	[dreg:$0x3] =	wrdreg s24  }
0xb6: {  	[dreg:$0x4] =	wrdreg $0x48800  }
0xb7: {  	[dreg:$0x5] =	wrdreg $0x9  }
0xb8: {  	_ =	task.clear_ibuf [dreg:s7], $0x6FFFF;
	_ =	strace $0x90000049  }
0xb9: {  	s29 =	simm.s32 $0x9;
	_ =	strace $0x8000004B  }
0xba: {  	_ =	swait.ge [sflag:s29], $0x1  }
0xbb: {  	[sflag:s29] =	ssyncadd.s32 $0xFFFFFFFF  }
0xbc: {  	_ =	strace $0x9000004B  }
0xbd: {  	_ =	sfence  }
0xbe: {  	s30 =	sld [smem:$0x0];
	_ =	sdelay $0x2  }
0xbf: {  	s31 =	sshll.u32 s1, $0xD;
	s1 =	sshrl.u32 s1, $0x2  }
0xc0: {  	s3 =	sand.u32 $0x4000, s31;
	s1 =	sadd.s32 s1, s30  }
0xc1: {  	s0 =	sor.u32 s3, s0;
	s1 =	sshll.u32 s1, $0x11  }
0xc2: {  	s0 =	sor.u32 s1, s0  }
0xc3: {  	s0 =	sadd.s32 $0x8F2B, s0  }
0xc4: {  	[sflag:s0] =	ssyncadd.remote.s32 $0x1  }
0xc5: {  	_ =	sfence.sel $0xFFFF  }
0xc6: {  	[dreg:$0x0] =	wrdreg $0xFFFFFFFF;
	(pc) =	sbr.abs _section_cstart, $3  }
0xc7: {  	[dreg:$0x1] =	wrdreg $0xFFFFFFFF  }
0xc8: {  	_ =	task.clear_ibuf [dreg:s7], $0x2FFFF;
	_ =	strace $0x9FFFFFFF  }
0xc9: {  	(tm) =	ssettm $0x7FFFFFFF  }
tec
execute0_lowered:
.L_overlay_start_1:
0x0: {  	(tag) =	ssettag $0x1  }
0x1: {  	s0 =	rddreg [dreg:$0x0]  }
0x2: {  	s1 =	srdreg.scid;
	s3 =	rddreg [dreg:$0x1]  }
0x3: {  	s4 =	rddreg [dreg:$0x2];
	s11 =	stileid.u32  }
0x4: {  	s5 =	simm.s32 $0x0;
	s31 =	simm.s32 $0x800;
	s1 =	sand.u32 $0x1, s1  }
0x5: {  	[smem:$0x7FF] =	sst s5;
	s6 =	sadd.s32 $0x600, s3;
	s7 =	smul.u32 $0x4E000, s11  }
0x6: {  	s8 =	sadd.s32 $0xC00, s3;
	s24 =	sadd.s32 $0xAC00, s3;
	s25 =	sadd.s32 $0x45C00, s3  }
0x7: {  	s28 =	smul.u32 $0x270, s11;
	s14 =	sadd.s32 $0x138000, s4;
	p0 =	sne.s32 s11, $0xF  }
0x8: {  	s2 =	sshll.u32 s1, $0x4;
	_ =	strace $0x8000004A;
	[dreg:$0x4] =	wrdreg s8  }
0x9: {  	[dreg:$0x5] =	wrdreg s24;
	s9 =	ssub.s32 $0x2, s1;
	s26 =	smul.u32 $0x138800, s1  }
0xa: {  	s1 =	smul.u32 $0x2710, s1;
	[dreg:$0x8] =	wrdreg s14;
	s2 =	sor.u32 s11, s2  }
0xb: {  	s7 =	sshrl.u32 s7, $0x2;
	s10 =	sshrl.u32 s9, $0x1;
	s18 =	sadd.s32 $0xD0, s28  }
0xc: {  	s19 =	sadd.s32 $0x1A0, s28;
	s23 =	smul.u32 $0x4E2, s2;
	s12 =	sadd.s32 s7, s4  }
0xd: {  	s9 =	ssub.s32 s9, s10;
	s29 =	smul.u32 $0x1400, s2;
	s7 =	sshrl.u32 s26, $0x3  }
0xe: {  	s17 =	sadd.s32 s1, s28;
	s13 =	sadd.s32 $0x12000, s12;
	[dreg:$0x6] =	wrdreg s12  }
0xf: {  	s20 =	sadd.s32 s1, s18;
	s1 =	sadd.s32 s1, s19;
	[dreg:$0x7] =	wrdreg s13  }
0x10: {  	s24 =	sshll.u32 s19, $0x7;
	s15 =	sadd.s32 $0x4000, s12;
	[dreg:$0x9] =	wrdreg s29  }
0x11: {  	s19 =	simm.s32 $0x18300;
	s16 =	sadd.s32 $0x6000, s12;
	[dreg:$0xe] =	wrdreg s15  }
0x12: {  	s21 =	sshll.u32 s20, $0x4;
	s22 =	sadd.s32 $0x8000, s12;
	[dreg:$0xf] =	wrdreg s16  }
0x13: {  	s1 =	sshll.u32 s1, $0x4;
	s26 =	sadd.s32 $0xA000, s12;
	[dreg:$0x13] =	wrdreg s22  }
0x14: {  	s28 =	sadd.s32 $0xC000, s12;
	s20 =	simm.s32 $0x4800;
	[dreg:$0x16] =	wrdreg s26  }
0x15: {  	s5 =	sadd.s32 s23, s3;
	s1 =	sadd.s32 s25, s1;
	[dreg:$0x17] =	wrdreg s28  }
0x16: {  	s13 =	smul.u32 $0xA, s2;
	s29 =	sadd.s32 $0xE000, s12;
	[dreg:$0x12] =	wrdreg s1  }
0x17: {  	s15 =	simm.s32 $0x1;
	s30 =	sadd.s32 $0x3BE00, s5;
	[dreg:$0x18] =	wrdreg s29  }
0x18: {  	s5 =	sadd.s32 s25, s7;
	s7 =	smax.u32 s9, $0x1;
	[dreg:$0xa] =	wrdreg s30  }
0x19: {  	s16 =	simm.s32 $0x2800;
	s9 =	sadd.s32 $0x2000, s12;
	[dreg:$0xc] =	wrdreg s7  }
0x1a: {  	s22 =	simm.s32 $0x3;
	s2 =	sadd.s32 $0x27000, s5;
	[dreg:$0xd] =	wrdreg s9  }
0x1b: {  	s5 =	sshll.u32 s18, $0x7;
	s30 =	sadd.s32 $0x10000, s12;
	s18 =	simm.s32 $0x18280  }
0x1c: {  	s9 =	simm.s32 $0x0;
	[dreg:$0xb] =	wrdreg s2;
	s2 =	sshll.u32 s17, $0x4  }
0x1d: {  	s23 =	sadd.s32 s5, s4;
	[dreg:$0x19] =	wrdreg s30;
	s2 =	sadd.s32 s25, s2  }
0x1e: {  	s5 =	simm.s32 $0x400;
	s1 =	sshrl.u32 s23, $0x3;
	[dreg:$0x10] =	wrdreg s2  }
0x1f: {  	s17 =	simm.s32 $0x18200;
	s2 =	sadd.s32 s25, s21;
	[dreg:$0x14] =	wrdreg s1  }
0x20: {  	s23 =	simm.s32 $0x4;
	[dreg:$0x11] =	wrdreg s2;
	s2 =	sadd.s32 s24, s4  }
0x21: {  	s1 =	simm.s32 $0x5;
	s21 =	simm.s32 $0x2;
	s25 =	sshrl.u32 s2, $0x3  }
0x22: {  	v0 =	vimm.f32 $0.0e+00;
	s2 =	simm.s32 $0x40;
	[dreg:$0x15] =	wrdreg s25;
	s25 =	simm.s32 $0x0  }
.LBB2_1:
0x23: {  	s7 =	simm.s32 $0x0;
	s8 =	simm.s32 $0x200  }
.LBB2_2:
0x24: {  	p1 =	sne.s32 s8, $0x7E00;
	[tilespmem:s7+$0x870] =	vst v0  }
0x25: {  	[tilespmem:s7+$0x800] =	vst v0  }
0x26: {  	[tilespmem:s7+$0x810] =	vst v0  }
.Ltmp0:
0x27: {  	[tilespmem:s7+$0x820] =	vst v0;
	(pc) =	sbr.rel @p1 .LBB2_2-.Ltmp0, $4  }
0x28: {  	[tilespmem:s7+$0x830] =	vst v0  }
0x29: {  	[tilespmem:s7+$0x840] =	vst v0  }
0x2a: {  	[tilespmem:s7+$0x850] =	vst v0  }
0x2b: {  	[tilespmem:s7+$0x860] =	vst v0;
	s7 =	sshra.s32 s8, $0x2;
	s8 =	sadd.s32 $0x200, s8  }
0x2c: {  	[tilespmem:s7+$0x870] =	vst v0  }
0x2d: {  	[tilespmem:s7+$0x800] =	vst v0  }
0x2e: {  	[tilespmem:s7+$0x810] =	vst v0  }
0x2f: {  	[tilespmem:s7+$0x820] =	vst v0  }
0x30: {  	[tilespmem:s7+$0x830] =	vst v0  }
0x31: {  	[tilespmem:s7+$0x840] =	vst v0  }
0x32: {  	[tilespmem:s7+$0x850] =	vst v0  }
0x33: {  	[tilespmem:s7+$0x860] =	vst v0;
	s7 =	simm.s32 $0x40;
	s8 =	simm.s32 $0x0  }
.LBB2_4:
0x34: {  	p1 =	sne.s32 s7, $0x9C00;
	[tilespmem:s8+$0x18300] =	vst v0;
	s8 =	smov.u32 s7;
	s7 =	sadd.s32 $0x40, s7  }
.Ltmp1:
0x35: {  	(pc) =	sbr.rel @p1 .LBB2_4-.Ltmp1, $2  }
0x36: {  	_ =	sdelay $0x2  }
0x37: {  	s8 =	sshra.s32 s8, $0x2  }
0x38: {  	[dreg:$0x1a] =	wrdreg s9;
	[tilespmem:s8+$0x18300] =	vst v0  }
0x39: {  	[spmem:s12] =	stream.linear.scatter [tilespmem:s31], [sflag:$0x5], $0x2000, $0x38;
	[tilespmem:$0x1AA80] =	vst v63  }
0x3a: {  	_ =	swait.ge [sflag:s1], $0x2000  }
0x3b: {  	[sflag:s1] =	ssyncset.done $0x0  }
0x3c: {  	s7 =	rddreg [dreg:$0xd];
	[sflag:s1] =	ssyncadd.s32 $0xFFFFE000  }
0x3d: {  	[spmem:s7] =	stream.linear.scatter [tilespmem:s31], [sflag:$0x5], $0x2000, $0x38;
	[tilespmem:$0x1AA80] =	vst v63  }
0x3e: {  	_ =	swait.ge [sflag:s1], $0x2000  }
0x3f: {  	[sflag:s1] =	ssyncset.done $0x0  }
0x40: {  	s10 =	rddreg [dreg:$0xe];
	[sflag:s1] =	ssyncadd.s32 $0xFFFFE000  }
0x41: {  	[spmem:s10] =	stream.linear.scatter [tilespmem:s31], [sflag:$0x5], $0x2000, $0x38;
	[tilespmem:$0x1AA80] =	vst v63  }
0x42: {  	_ =	swait.ge [sflag:s1], $0x2000  }
0x43: {  	[sflag:s1] =	ssyncset.done $0x0  }
0x44: {  	s11 =	rddreg [dreg:$0xf];
	[sflag:s1] =	ssyncadd.s32 $0xFFFFE000  }
0x45: {  	[spmem:s11] =	stream.linear.scatter [tilespmem:s31], [sflag:$0x5], $0x2000, $0x38;
	[tilespmem:$0x1AA80] =	vst v63  }
0x46: {  	_ =	swait.ge [sflag:s1], $0x2000  }
0x47: {  	[sflag:s1] =	ssyncset.done $0x0  }
0x48: {  	s12 =	rddreg [dreg:$0x13];
	[sflag:s1] =	ssyncadd.s32 $0xFFFFE000  }
0x49: {  	[spmem:s12] =	stream.linear.scatter [tilespmem:s31], [sflag:$0x5], $0x2000, $0x38;
	[tilespmem:$0x1AA80] =	vst v63  }
0x4a: {  	_ =	swait.ge [sflag:s1], $0x2000  }
0x4b: {  	[sflag:s1] =	ssyncset.done $0x0  }
0x4c: {  	s24 =	rddreg [dreg:$0x16];
	[sflag:s1] =	ssyncadd.s32 $0xFFFFE000  }
0x4d: {  	[spmem:s24] =	stream.linear.scatter [tilespmem:s31], [sflag:$0x5], $0x2000, $0x38;
	[tilespmem:$0x1AA80] =	vst v63  }
0x4e: {  	_ =	swait.ge [sflag:s1], $0x2000  }
0x4f: {  	[sflag:s1] =	ssyncset.done $0x0  }
0x50: {  	s26 =	rddreg [dreg:$0x17];
	[sflag:s1] =	ssyncadd.s32 $0xFFFFE000  }
0x51: {  	[spmem:s26] =	stream.linear.scatter [tilespmem:s31], [sflag:$0x5], $0x2000, $0x38;
	[tilespmem:$0x1AA80] =	vst v63  }
0x52: {  	_ =	swait.ge [sflag:s1], $0x2000  }
0x53: {  	[sflag:s1] =	ssyncset.done $0x0  }
0x54: {  	s28 =	rddreg [dreg:$0x18];
	[sflag:s1] =	ssyncadd.s32 $0xFFFFE000  }
0x55: {  	[spmem:s28] =	stream.linear.scatter [tilespmem:s31], [sflag:$0x5], $0x2000, $0x38;
	[tilespmem:$0x1AA80] =	vst v63  }
0x56: {  	_ =	swait.ge [sflag:s1], $0x2000  }
0x57: {  	[sflag:s1] =	ssyncset.done $0x0  }
0x58: {  	s29 =	rddreg [dreg:$0x19];
	[sflag:s1] =	ssyncadd.s32 $0xFFFFE000  }
0x59: {  	[spmem:s29] =	stream.linear.scatter [tilespmem:s31], [sflag:$0x5], $0x2000, $0x38;
	[tilespmem:$0x1AA80] =	vst v63  }
0x5a: {  	_ =	swait.ge [sflag:s1], $0x2000  }
0x5b: {  	[sflag:s1] =	ssyncset.done $0x0  }
0x5c: {  	s30 =	rddreg [dreg:$0x7];
	[sflag:s1] =	ssyncadd.s32 $0xFFFFE000  }
0x5d: {  	[spmem:s30] =	stream.linear.scatter [tilespmem:s31], [sflag:$0x5], $0x1800, $0x38;
	[tilespmem:$0x1AA80] =	vst v63  }
0x5e: {  	_ =	swait.ge [sflag:s1], $0x1800  }
0x5f: {  	[sflag:s1] =	ssyncset.done $0x0  }
0x60: {  	s7 =	simm.s32 @!p0 $0x800;
	[sflag:s1] =	ssyncadd.s32 $0xFFFFE800  }
0x61: {  	[spmem:s14] =	stream.linear.scatter @!p0 [tilespmem:s7], [sflag:$0x5], $0x800, $0x38;
	[tilespmem:$0x1AA80] =	vst v63  }
0x62: {  	s7 =	simm.s32 @!p0 $0x5  }
0x63: {  	_ =	swait.ge @!p0 [sflag:s7], $0x800  }
0x64: {  	[sflag:s7] =	ssyncset.done @!p0 $0x0  }
0x65: {  	[sflag:s7] =	ssyncadd.s32 @!p0 $0xFFFFF800  }
0x66: {  	s26 =	simm.s32 $0x0;
	[bflag:$0x0] =	sbarrier.arrive $0xFFFF  }
.LBB2_6:
0x67: {  	s7 =	sadd.s32 s13, s26  }
0x68: {  	s8 =	rddreg [dreg:$0x4];
	s7 =	sshll.u32 s7, $0x7  }
0x69: {  	s8 =	sadd.s32 s8, s7  }
0x6a: {  	[tilespmem:s25], [sflag:$0x5] =	stream.linear.gather [hbm4b:s8+s25], $0x400, $0x38;
	[tilespmem:$0x1AA80] =	vst v63  }
0x6b: {  	_ =	swait.ge [sflag:s1], $0x400  }
0x6c: {  	[sflag:s1] =	ssyncset.done $0x0;
	s11 =	rddreg [dreg:$0x5]  }
0x6d: {  	[sflag:s1] =	ssyncadd.s32 $0xFFFFFC00;
	s7 =	sadd.s32 s11, s7  }
0x6e: {  	[tilespmem:s5], [sflag:$0x5] =	stream.linear.gather [hbm4b:s7+s25], $0x400, $0x38;
	[tilespmem:$0x1AA80] =	vst v63  }
0x6f: {  	_ =	swait.ge [sflag:s1], $0x400  }
0x70: {  	[sflag:s1] =	ssyncset.done $0x0  }
0x71: {  	[sflag:s1] =	ssyncadd.s32 $0xFFFFFC00  }
0x72: {  	[tilespmem:s31], [sflag:$0x1] =	stream.indirect.gather [hbm4b:s0+s2], $0x80, s25, s2, $0xb8;
	[tilespmem:$0x1AA80] =	vst v63  }
0x73: {  	s12 =	simm.s32 $0x18100;
	s24 =	sshll.u32 s26, $0x9;
	s30 =	rddreg [dreg:$0x9]  }
0x74: {  	[tilespmem:s12], [sflag:$0x1] =	stream.indirect.gather [hbm4b:s6+s2], $0x1, s25, s2, $0xb8;
	[tilespmem:$0x1AA80] =	vst v63  }
0x75: {  	s14 =	simm.s32 $0x18180;
	s29 =	simm.s32 $0x0;
	s28 =	sadd.s32 s30, s24  }
0x76: {  	[tilespmem:s14], [sflag:$0x1] =	stream.indirect.gather [hbm4b:s3+s2], $0x1, s5, s2, $0xb8;
	[tilespmem:$0x1AA80] =	vst v63  }
.LBB2_7:
0x77: {  	_ =	swait.ge [sflag:s15], $0x2000  }
0x78: {  	[sflag:s15] =	ssyncset.done $0x0  }
0x79: {  	[sflag:s15] =	ssyncadd.s32 $0xFFFFE000  }
0x7a: {  	_ =	swait.ge [sflag:s15], $0x40  }
0x7b: {  	[sflag:s15] =	ssyncset.done $0x0  }
0x7c: {  	[sflag:s15] =	ssyncadd.s32 $0xFFFFFFC0  }
0x7d: {  	_ =	swait.ge [sflag:s15], $0x40  }
0x7e: {  	p1 =	seq.s32 s29, $0x0;
	[sflag:s15] =	ssyncset.done $0x0  }
0x7f: {  	s7 =	simm.s32 @!p1 $0x4;
	[sflag:s15] =	ssyncadd.s32 $0xFFFFFFC0  }
0x80: {  	_ =	swait.ge @!p1 [sflag:s7], $0x2000  }
0x81: {  	s9 =	sshllo.u32 s29, $0x1;
	[sflag:s7] =	ssyncset.done @!p1 $0x0  }
0x82: {  	s11 =	sshll.u32 s9, $0x7;
	[sflag:s7] =	ssyncadd.s32 @!p1 $0xFFFFE000  }
0x83: {  	[tilespmem:s16], [sflag:$0x2] =	stream.indirect.gather [hbm4b:s0+s2], $0x80, s11, s2, $0xb8;
	[tilespmem:$0x1AA80] =	vst v63  }
0x84: {  	_ = 	snop  }
0x85: {  	[tilespmem:s17], [sflag:$0x2] =	stream.indirect.gather [hbm4b:s6+s2], $0x1, s11, s2, $0xb8;
	[tilespmem:$0x1AA80] =	vst v63  }
0x86: {  	s30 =	sadd.s32 $0x400, s11  }
0x87: {  	[tilespmem:s18], [sflag:$0x2] =	stream.indirect.gather [hbm4b:s3+s2], $0x1, s30, s2, $0xb8;
	[tilespmem:$0x1AA80] =	vst v63  }
0x88: {  	v1 =	vld [tilespmem:$0x18100]  }
0x89: {  	v2 =	vld [tilespmem:$0x18180];
	_ =	sdelay $0x4  }
0x8a: {  	v1 =	vadd.f32 v2, v1;
	_ =	sdelay $0x1  }
0x8b: {  	v2 =	vmul.f32 $2.000000030e-01, v1  }
0x8c: {  	vm0 =	vge.f32 v1, $0.0e+00  }
0x8d: {  	v1 =	vsel vm0, v1, v2  }
0x8e: {  	v1 =	vmul.f32 $1.442695020e+00, v1;
	_ =	sdelay $0x1  }
0x8f: {  	(erf) = vpow2.f32 v1;
	_ =	sdelay $0x2  }
0x90: {  	s24 =	sshll.u32 s29, $0x8  }
0x91: {  	v1 =	vld [tilespmem:s24+$0x400];
	_ =	sdelay $0x2  }
0x92: {  	s10 =	sshll.u32 s29, $0x7  }
0x93: {  	s7 =	sadd.s32 s28, s10  }
0x94: {  	p3 =	slt.u32 s7, $0x27100;
	v2 =	vpop (erf)  }
0x95: {  	v2 =	vpsel !p3, $0x0, v2  }
0x96: {  	[tilespmem:$0x4800] =	vst v2  }
0x97: {  	[tilespmem:v1+s19+$0x0] =	vst.idx.add.f32.msk $0xffff, v2  }
0x98: {  	v1 =	vld [tilespmem:$0x18110]  }
0x99: {  	v2 =	vld [tilespmem:$0x18190];
	_ =	sdelay $0x4  }
0x9a: {  	v1 =	vadd.f32 v2, v1;
	_ =	sdelay $0x1  }
0x9b: {  	v2 =	vmul.f32 $2.000000030e-01, v1  }
0x9c: {  	vm13 =	vge.f32 v1, $0.0e+00  }
0x9d: {  	v1 =	vsel vm13, v1, v2  }
0x9e: {  	v1 =	vmul.f32 $1.442695020e+00, v1;
	_ =	sdelay $0x1  }
0x9f: {  	(erf) = vpow2.f32 v1;
	_ =	sdelay $0x3  }
0xa0: {  	v1 =	vld [tilespmem:s24+$0x410];
	_ =	sdelay $0x3  }
0xa1: {  	s8 =	sor.u32 $0x10, s7  }
0xa2: {  	p4 =	slt.u32 s8, $0x27100;
	v2 =	vpop (erf)  }
0xa3: {  	v2 =	vpsel !p4, $0x0, v2  }
0xa4: {  	[tilespmem:$0x4810] =	vst v2  }
0xa5: {  	[tilespmem:v1+s19+$0x0] =	vst.idx.add.f32.msk $0xffff, v2  }
0xa6: {  	v1 =	vld [tilespmem:$0x18120]  }
0xa7: {  	v2 =	vld [tilespmem:$0x181A0];
	_ =	sdelay $0x4  }
0xa8: {  	v1 =	vadd.f32 v2, v1;
	_ =	sdelay $0x1  }
0xa9: {  	v2 =	vmul.f32 $2.000000030e-01, v1  }
0xaa: {  	vm14 =	vge.f32 v1, $0.0e+00  }
0xab: {  	v1 =	vsel vm14, v1, v2  }
0xac: {  	v1 =	vmul.f32 $1.442695020e+00, v1;
	_ =	sdelay $0x1  }
0xad: {  	(erf) = vpow2.f32 v1;
	_ =	sdelay $0x3  }
0xae: {  	v1 =	vld [tilespmem:s24+$0x420];
	_ =	sdelay $0x3  }
0xaf: {  	s12 =	sor.u32 $0x20, s7  }
0xb0: {  	p5 =	slt.u32 s12, $0x27100;
	v2 =	vpop (erf)  }
0xb1: {  	v2 =	vpsel !p5, $0x0, v2  }
0xb2: {  	[tilespmem:$0x4820] =	vst v2  }
0xb3: {  	[tilespmem:v1+s19+$0x0] =	vst.idx.add.f32.msk $0xffff, v2  }
0xb4: {  	v1 =	vld [tilespmem:$0x18130]  }
0xb5: {  	v2 =	vld [tilespmem:$0x181B0];
	_ =	sdelay $0x4  }
0xb6: {  	v1 =	vadd.f32 v2, v1;
	_ =	sdelay $0x1  }
0xb7: {  	v2 =	vmul.f32 $2.000000030e-01, v1  }
0xb8: {  	vm15 =	vge.f32 v1, $0.0e+00  }
0xb9: {  	v1 =	vsel vm15, v1, v2  }
0xba: {  	v1 =	vmul.f32 $1.442695020e+00, v1;
	_ =	sdelay $0x1  }
0xbb: {  	(erf) = vpow2.f32 v1;
	_ =	sdelay $0x3  }
0xbc: {  	v1 =	vld [tilespmem:s24+$0x430];
	_ =	sdelay $0x3  }
0xbd: {  	s7 =	sor.u32 $0x30, s7  }
0xbe: {  	p6 =	slt.u32 s7, $0x27100;
	v2 =	vpop (erf)  }
0xbf: {  	s14 =	simm.s32 $0x0;
	v2 =	vpsel !p6, $0x0, v2  }
0xc0: {  	v3 =	vmov s14;
	[tilespmem:$0x4830] =	vst v2  }
0xc1: {  	s10 =	simm.s32 $0x840;
	[tilespmem:v1+s19+$0x0] =	vst.idx.add.f32.msk $0xffff, v2  }
0xc2: {  	v5 =	vld [tilespmem:s10+$0x30]  }
0xc3: {  	v8 =	vld [tilespmem:s10+$0x10]  }
0xc4: {  	v6 =	vld [tilespmem:s10+$0xFFFFFFC0]  }
0xc5: {  	v2 =	vld.idx.msk [tilespmem:v3+s20+$0x0], $0xffff  }
0xc6: {  	v10 =	vld [tilespmem:s10+$0xFFFFFFE0]  }
0xc7: {  	v1 =	vld [tilespmem:s10+$0xFFFFFFF0]  }
0xc8: {  	v3 =	vld [tilespmem:s10+$0x20]  }
0xc9: {  	v4 =	vld [tilespmem:s10+$0xFFFFFFD0]  }
0xca: {  	v9 =	vmul.f32 v5, v2;
	v5 =	vld [tilespmem:s10+$0x0]  }
0xcb: {  	v7 =	vmul.f32 v6, v2  }
0xcc: {  	s14 =	sadd.s32 $0x400, s24;
	s7 =	simm.s32 $0x1;
	s8 =	simm.s32 $0x840;
	v6 =	vmul.f32 v10, v2;
	v8 =	vmul.f32 v8, v2  }
.LBB2_8:
0xcd: {  	p1 =	sne.s32 s7, $0x3F  }
0xce: {  	v4 =	vmul.f32 v4, v2;
	v3 =	vmul.f32 v3, v2;
	[tilespmem:s10+$0x30] =	vst v9;
	s8 =	sadd.s32 $0x80, s8;
	s12 =	smov.u32 s7;
	s7 =	sadd.s32 $0x1, s7  }
0xcf: {  	[tilespmem:s10+$0xFFFFFFC0] =	vst v7;
	v7 =	vmul.f32 v1, v2;
	v2 =	vmul.f32 v5, v2  }
0xd0: {  	[tilespmem:s10+$0x10] =	vst v8  }
0xd1: {  	v5 =	vmov s12;
	[tilespmem:s10+$0xFFFFFFE0] =	vst v6  }
0xd2: {  	v1 =	vld [tilespmem:s8+$0xFFFFFFF0];
	[tilespmem:s10+$0xFFFFFFF0] =	vst v7  }
0xd3: {  	v6 =	vld [tilespmem:s8+$0x30];
	[tilespmem:s10+$0x0] =	vst v2  }
0xd4: {  	v8 =	vld [tilespmem:s8+$0x10];
	[tilespmem:s10+$0x20] =	vst v3  }
0xd5: {  	v7 =	vld [tilespmem:s8+$0xFFFFFFC0];
	[tilespmem:s10+$0xFFFFFFD0] =	vst v4;
	s10 =	smov.u32 s8  }
0xd6: {  	v2 =	vld.idx.msk [tilespmem:v5+s20+$0x0], $0xffff  }
0xd7: {  	v10 =	vld [tilespmem:s8+$0xFFFFFFE0]  }
0xd8: {  	v3 =	vld [tilespmem:s8+$0x20]  }
.Ltmp2:
0xd9: {  	v4 =	vld [tilespmem:s8+$0xFFFFFFD0];
	(pc) =	sbr.rel @p1 .LBB2_8-.Ltmp2, $3  }
0xda: {  	v5 =	vld [tilespmem:s8+$0x0];
	_ =	sdelay $0x1  }
0xdb: {  	v7 =	vmul.f32 v7, v2;
	v9 =	vmul.f32 v6, v2  }
0xdc: {  	v8 =	vmul.f32 v8, v2;
	v6 =	vmul.f32 v10, v2  }
0xdd: {  	[tilespmem:s10+$0x30] =	vst v9  }
0xde: {  	[tilespmem:s10+$0xFFFFFFC0] =	vst v7  }
0xdf: {  	v1 =	vmul.f32 v1, v2;
	[tilespmem:s10+$0x10] =	vst v8  }
0xe0: {  	v3 =	vmul.f32 v3, v2;
	[tilespmem:s10+$0xFFFFFFE0] =	vst v6  }
0xe1: {  	v5 =	vmul.f32 v5, v2;
	[tilespmem:s10+$0xFFFFFFF0] =	vst v1  }
0xe2: {  	v1 =	vmul.f32 v4, v2;
	[tilespmem:s10+$0x20] =	vst v3  }
0xe3: {  	[tilespmem:s10+$0x0] =	vst v5  }
0xe4: {  	[tilespmem:s10+$0xFFFFFFD0] =	vst v1  }
0xe5: {  	[spmem:s4] =	stream.indirect.scatter.add.f32 [tilespmem:s31], [sflag:$0x3], $0x80, s14, s2, $0xb8;
	[tilespmem:$0x1AA80] =	vst v63  }
0xe6: {  	_ =	swait.ge [sflag:s21], $0x2000  }
0xe7: {  	[sflag:s21] =	ssyncset.done $0x0  }
0xe8: {  	[sflag:s21] =	ssyncadd.s32 $0xFFFFE000  }
0xe9: {  	_ =	swait.ge [sflag:s21], $0x40  }
0xea: {  	[sflag:s21] =	ssyncset.done $0x0  }
0xeb: {  	[sflag:s21] =	ssyncadd.s32 $0xFFFFFFC0  }
0xec: {  	_ =	swait.ge [sflag:s21], $0x40  }
0xed: {  	p1 =	seq.s32 s29, $0x3;
	[sflag:s21] =	ssyncset.done $0x0  }
0xee: {  	s7 =	simm.s32 @!p1 $0x3;
	[sflag:s21] =	ssyncadd.s32 $0xFFFFFFC0  }
0xef: {  	_ =	swait.ge @!p1 [sflag:s7], $0x2000  }
0xf0: {  	s8 =	simm.s32 @!p1 $0x40;
	[sflag:s7] =	ssyncset.done @!p1 $0x0  }
0xf1: {  	s10 =	simm.s32 @!p1 $0x800;
	[sflag:s7] =	ssyncadd.s32 @!p1 $0xFFFFE000;
	s7 =	sadd.s32 @!p1 $0x100, s24  }
0xf2: {  	[tilespmem:s10], [sflag:$0x1] =	stream.indirect.gather @!p1 [hbm4b:s0+s8], $0x80, s7, s8, $0xb8;
	[tilespmem:$0x1AA80] =	vst v63  }
0xf3: {  	s10 =	simm.s32 @!p1 $0x18100  }
0xf4: {  	[tilespmem:s10], [sflag:$0x1] =	stream.indirect.gather @!p1 [hbm4b:s6+s8], $0x1, s7, s8, $0xb8;
	[tilespmem:$0x1AA80] =	vst v63  }
0xf5: {  	s7 =	sadd.s32 @!p1 $0x500, s24;
	s10 =	simm.s32 @!p1 $0x18180  }
0xf6: {  	[tilespmem:s10], [sflag:$0x1] =	stream.indirect.gather @!p1 [hbm4b:s3+s8], $0x1, s7, s8, $0xb8;
	[tilespmem:$0x1AA80] =	vst v63  }
0xf7: {  	v1 =	vld [tilespmem:$0x18200]  }
0xf8: {  	v2 =	vld [tilespmem:$0x18280];
	_ =	sdelay $0x4  }
0xf9: {  	v1 =	vadd.f32 v2, v1;
	_ =	sdelay $0x1  }
0xfa: {  	v2 =	vmul.f32 $2.000000030e-01, v1  }
0xfb: {  	vm0 =	vge.f32 v1, $0.0e+00  }
0xfc: {  	v1 =	vsel vm0, v1, v2  }
0xfd: {  	v1 =	vmul.f32 $1.442695020e+00, v1;
	_ =	sdelay $0x1  }
0xfe: {  	(erf) = vpow2.f32 v1;
	_ =	sdelay $0x3  }
0xff: {  	v1 =	vld [tilespmem:s11+$0x400];
	_ =	sdelay $0x2  }
0x100: {  	s10 =	sshll.u32 s9, $0x6  }
0x101: {  	s7 =	sadd.s32 s28, s10  }
0x102: {  	p3 =	slt.u32 s7, $0x27100;
	v2 =	vpop (erf)  }
0x103: {  	v2 =	vpsel !p3, $0x0, v2  }
0x104: {  	[tilespmem:$0x4800] =	vst v2  }
0x105: {  	[tilespmem:v1+s19+$0x0] =	vst.idx.add.f32.msk $0xffff, v2  }
0x106: {  	v1 =	vld [tilespmem:$0x18210]  }
0x107: {  	v2 =	vld [tilespmem:$0x18290];
	_ =	sdelay $0x4  }
0x108: {  	v1 =	vadd.f32 v2, v1;
	_ =	sdelay $0x1  }
0x109: {  	v2 =	vmul.f32 $2.000000030e-01, v1  }
0x10a: {  	vm13 =	vge.f32 v1, $0.0e+00  }
0x10b: {  	v1 =	vsel vm13, v1, v2  }
0x10c: {  	v1 =	vmul.f32 $1.442695020e+00, v1;
	_ =	sdelay $0x1  }
0x10d: {  	(erf) = vpow2.f32 v1;
	_ =	sdelay $0x3  }
0x10e: {  	v1 =	vld [tilespmem:s11+$0x410];
	_ =	sdelay $0x3  }
0x10f: {  	s12 =	sor.u32 $0x10, s7  }
0x110: {  	p4 =	slt.u32 s12, $0x27100;
	v2 =	vpop (erf)  }
0x111: {  	v2 =	vpsel !p4, $0x0, v2  }
0x112: {  	[tilespmem:$0x4810] =	vst v2  }
0x113: {  	[tilespmem:v1+s19+$0x0] =	vst.idx.add.f32.msk $0xffff, v2  }
0x114: {  	v1 =	vld [tilespmem:$0x18220]  }
0x115: {  	v2 =	vld [tilespmem:$0x182A0];
	_ =	sdelay $0x4  }
0x116: {  	v1 =	vadd.f32 v2, v1;
	_ =	sdelay $0x1  }
0x117: {  	v2 =	vmul.f32 $2.000000030e-01, v1  }
0x118: {  	vm14 =	vge.f32 v1, $0.0e+00  }
0x119: {  	v1 =	vsel vm14, v1, v2  }
0x11a: {  	v1 =	vmul.f32 $1.442695020e+00, v1;
	_ =	sdelay $0x1  }
0x11b: {  	(erf) = vpow2.f32 v1;
	_ =	sdelay $0x3  }
0x11c: {  	v1 =	vld [tilespmem:s11+$0x420];
	_ =	sdelay $0x3  }
0x11d: {  	s14 =	sor.u32 $0x20, s7  }
0x11e: {  	p5 =	slt.u32 s14, $0x27100;
	v2 =	vpop (erf)  }
0x11f: {  	v2 =	vpsel !p5, $0x0, v2  }
0x120: {  	[tilespmem:$0x4820] =	vst v2  }
0x121: {  	[tilespmem:v1+s19+$0x0] =	vst.idx.add.f32.msk $0xffff, v2  }
0x122: {  	v1 =	vld [tilespmem:$0x18230]  }
0x123: {  	v2 =	vld [tilespmem:$0x182B0];
	_ =	sdelay $0x4  }
0x124: {  	v1 =	vadd.f32 v2, v1;
	_ =	sdelay $0x1  }
0x125: {  	v2 =	vmul.f32 $2.000000030e-01, v1  }
0x126: {  	vm15 =	vge.f32 v1, $0.0e+00  }
0x127: {  	v1 =	vsel vm15, v1, v2  }
0x128: {  	v1 =	vmul.f32 $1.442695020e+00, v1;
	_ =	sdelay $0x1  }
0x129: {  	(erf) = vpow2.f32 v1;
	_ =	sdelay $0x3  }
0x12a: {  	v1 =	vld [tilespmem:s11+$0x430];
	_ =	sdelay $0x3  }
0x12b: {  	s7 =	sor.u32 $0x30, s7  }
0x12c: {  	p6 =	slt.u32 s7, $0x27100;
	v2 =	vpop (erf)  }
0x12d: {  	s24 =	simm.s32 $0x0;
	v2 =	vpsel !p6, $0x0, v2  }
0x12e: {  	v3 =	vmov s24;
	[tilespmem:$0x4830] =	vst v2  }
0x12f: {  	s9 =	simm.s32 $0x2840;
	[tilespmem:v1+s19+$0x0] =	vst.idx.add.f32.msk $0xffff, v2  }
0x130: {  	v5 =	vld [tilespmem:s9+$0x30]  }
0x131: {  	v8 =	vld [tilespmem:s9+$0x10]  }
0x132: {  	v6 =	vld [tilespmem:s9+$0xFFFFFFC0]  }
0x133: {  	v2 =	vld.idx.msk [tilespmem:v3+s20+$0x0], $0xffff  }
0x134: {  	v10 =	vld [tilespmem:s9+$0xFFFFFFE0]  }
0x135: {  	v1 =	vld [tilespmem:s9+$0xFFFFFFF0]  }
0x136: {  	v3 =	vld [tilespmem:s9+$0x20]  }
0x137: {  	v4 =	vld [tilespmem:s9+$0xFFFFFFD0]  }
0x138: {  	v9 =	vmul.f32 v5, v2;
	v5 =	vld [tilespmem:s9+$0x0]  }
0x139: {  	v7 =	vmul.f32 v6, v2  }
0x13a: {  	s8 =	simm.s32 $0x2840;
	s7 =	simm.s32 $0x1;
	v6 =	vmul.f32 v10, v2;
	v8 =	vmul.f32 v8, v2  }
.LBB2_10:
0x13b: {  	p1 =	sne.s32 s7, $0x3F  }
0x13c: {  	v4 =	vmul.f32 v4, v2;
	v3 =	vmul.f32 v3, v2;
	[tilespmem:s9+$0x30] =	vst v9;
	s8 =	sadd.s32 $0x80, s8;
	s10 =	smov.u32 s7;
	s7 =	sadd.s32 $0x1, s7  }
0x13d: {  	[tilespmem:s9+$0xFFFFFFC0] =	vst v7;
	v7 =	vmul.f32 v1, v2;
	v2 =	vmul.f32 v5, v2  }
0x13e: {  	[tilespmem:s9+$0x10] =	vst v8  }
0x13f: {  	v5 =	vmov s10;
	[tilespmem:s9+$0xFFFFFFE0] =	vst v6  }
0x140: {  	v1 =	vld [tilespmem:s8+$0xFFFFFFF0];
	[tilespmem:s9+$0xFFFFFFF0] =	vst v7  }
0x141: {  	v6 =	vld [tilespmem:s8+$0x30];
	[tilespmem:s9+$0x0] =	vst v2  }
0x142: {  	v8 =	vld [tilespmem:s8+$0x10];
	[tilespmem:s9+$0x20] =	vst v3  }
0x143: {  	v7 =	vld [tilespmem:s8+$0xFFFFFFC0];
	[tilespmem:s9+$0xFFFFFFD0] =	vst v4;
	s9 =	smov.u32 s8  }
0x144: {  	v2 =	vld.idx.msk [tilespmem:v5+s20+$0x0], $0xffff  }
0x145: {  	v10 =	vld [tilespmem:s8+$0xFFFFFFE0]  }
0x146: {  	v3 =	vld [tilespmem:s8+$0x20]  }
.Ltmp3:
0x147: {  	v4 =	vld [tilespmem:s8+$0xFFFFFFD0];
	(pc) =	sbr.rel @p1 .LBB2_10-.Ltmp3, $3  }
0x148: {  	v5 =	vld [tilespmem:s8+$0x0];
	_ =	sdelay $0x1  }
0x149: {  	v7 =	vmul.f32 v7, v2;
	v9 =	vmul.f32 v6, v2  }
0x14a: {  	v8 =	vmul.f32 v8, v2;
	v6 =	vmul.f32 v10, v2  }
0x14b: {  	[tilespmem:s9+$0x30] =	vst v9  }
0x14c: {  	[tilespmem:s9+$0xFFFFFFC0] =	vst v7  }
0x14d: {  	v1 =	vmul.f32 v1, v2;
	s29 =	sadd.s32 $0x1, s29;
	[tilespmem:s9+$0x10] =	vst v8  }
0x14e: {  	v3 =	vmul.f32 v3, v2;
	[tilespmem:s9+$0xFFFFFFE0] =	vst v6;
	p1 =	sne.s32 s29, $0x4  }
.Ltmp4:
0x14f: {  	v5 =	vmul.f32 v5, v2;
	[tilespmem:s9+$0xFFFFFFF0] =	vst v1;
	(pc) =	sbr.rel @p1 .LBB2_7-.Ltmp4, $4  }
0x150: {  	v1 =	vmul.f32 v4, v2;
	[tilespmem:s9+$0x20] =	vst v3  }
0x151: {  	[tilespmem:s9+$0x0] =	vst v5  }
0x152: {  	[tilespmem:s9+$0xFFFFFFD0] =	vst v1  }
0x153: {  	[spmem:s4] =	stream.indirect.scatter.add.f32 [tilespmem:s16], [sflag:$0x4], $0x80, s30, s2, $0xb8;
	[tilespmem:$0x1AA80] =	vst v63  }
0x154: {  	s26 =	sadd.s32 $0x1, s26  }
0x155: {  	_ =	swait.ge [sflag:s22], $0x2000;
	p1 =	sne.s32 s26, $0xA  }
.Ltmp5:
0x156: {  	[sflag:s22] =	ssyncset.done $0x0;
	(pc) =	sbr.rel @p1 .LBB2_6-.Ltmp5, $4  }
0x157: {  	[sflag:s22] =	ssyncadd.s32 $0xFFFFE000  }
0x158: {  	_ =	swait.ge [sflag:s23], $0x2000  }
0x159: {  	[sflag:s23] =	ssyncset.done $0x0  }
0x15a: {  	[sflag:s23] =	ssyncadd.s32 $0xFFFFE000  }
0x15b: {  	s7 =	simm.s32 $0x0;
	s8 =	rddreg [dreg:$0xa]  }
0x15c: {  	[hbm4b:s8+s7] =	stream.linear.scatter [tilespmem:s19], [sflag:$0x5], $0x2710, $0x38;
	[tilespmem:$0x1AA80] =	vst v63  }
0x15d: {  	_ =	swait.ge [sflag:s1], $0x2710  }
0x15e: {  	[sflag:s1] =	ssyncset.done $0x0  }
0x15f: {  	[sflag:s1] =	ssyncadd.s32 $0xFFFFD8F0  }
0x160: {  	s10 =	stileid.u32;
	[bflag:$0x0] =	sbarrier.arrive $0xFFFF  }
0x161: {  	s7 =	sshll.u32 s10, $0x6;
	s12 =	rddreg [dreg:$0x6]  }
0x162: {  	s7 =	sor.u32 $0x1C05, s7;
	s9 =	rddreg [dreg:$0x10];
	s11 =	sshrl.u32 s12, $0x3  }
0x163: {  	[hbm:s9], [sflag:s7] =	dma.local [spmem:s11], $0xD00  }
0x164: {  	_ =	swait.ge [sflag:s1], $0xD00  }
0x165: {  	[sflag:s1] =	ssyncset.done $0x0;
	s14 =	rddreg [dreg:$0x11]  }
0x166: {  	s24 =	rddreg [dreg:$0x14];
	[sflag:s1] =	ssyncadd.s32 $0xFFFFF300  }
0x167: {  	[hbm:s14], [sflag:s7] =	dma.local [spmem:s24], $0xD00  }
0x168: {  	_ =	swait.ge [sflag:s1], $0xD00  }
0x169: {  	[sflag:s1] =	ssyncset.done $0x0;
	s26 =	rddreg [dreg:$0x12]  }
0x16a: {  	s28 =	rddreg [dreg:$0x15];
	[sflag:s1] =	ssyncadd.s32 $0xFFFFF300  }
0x16b: {  	[hbm:s26], [sflag:s7] =	dma.local [spmem:s28], $0xD00  }
0x16c: {  	_ =	swait.ge [sflag:s1], $0xD00  }
0x16d: {  	s8 =	simm.s32 @!p0 $0x1FC5;
	[sflag:s1] =	ssyncset.done $0x0;
	s14 =	rddreg [dreg:$0x8]  }
0x16e: {  	s9 =	rddreg [dreg:$0xb];
	[sflag:s1] =	ssyncadd.s32 $0xFFFFF300;
	s7 =	sshrl.u32 @!p0 s14, $0x3  }
0x16f: {  	[hbm:s9], [sflag:s8] =	dma.local @!p0 [spmem:s7], $0x100  }
0x170: {  	s7 =	simm.s32 @!p0 $0x5  }
0x171: {  	_ =	swait.ge @!p0 [sflag:s7], $0x100  }
0x172: {  	s29 =	rddreg [dreg:$0x1a]  }
0x173: {  	s30 =	rddreg [dreg:$0xc];
	s9 =	sadd.s32 $0x1, s29  }
0x174: {  	p1 =	sne.s32 s9, s30  }
.Ltmp6:
0x175: {  	_ = 	snop;
	(pc) =	sbr.rel @p1 .LBB2_1-.Ltmp6, $3  }
0x176: {  	_ =	sdelay $0x1  }
0x177: {  	[sflag:s7] =	ssyncset.done @!p0 $0x0  }
0x178: {  	[sflag:s7] =	ssyncadd.s32 @!p0 $0xFFFFFF00  }
0x179: {  	_ =	sfence.sel $0x180000  }
0x17a: {  	[bflag:$0x0] =	sbarrier.arrive $0xFFFF  }
0x17b: {  	_ =	strace $0x9000004A  }
0x17c: {  	s0 =	stileid.u32;
	[bflag:$0x2] =	sbarrier.arrive $0xFFFF  }
0x17d: {  	p0 =	sne.s32 s0, $0x0;
	s0 =	rddreg [dreg:$0x3]  }
0x17e: {  	s0 =	sadd.s32 @!p0 $0x100000, s0  }
0x17f: {  	[sflag:s0] =	ssyncadd.tile.s32 @!p0 $0x1;
	_ =	shalt  }
.Lfunc_end2:
_tile_overlayer_lowered:
.L_overlay_start_2:
0x180: {  	(tag) =	ssettag $0x2  }
0x181: {  	s0 =	rddreg [dreg:$0x0];
	s2 =	stileid.u32  }
0x182: {  	s1 =	rddreg [dreg:$0x1];
	p0 =	sne.s32 s2, $0x0  }
0x183: {  	s3 =	rddreg [dreg:$0x2];
	[bflag:$0x3] =	sbarrier.arrive $0xFFFF;
	s2 =	simm.s32 @!p0 $0x1C05  }
0x184: {  	[timem:s3], [sflag:s2] =	dma.local @!p0 [hbm:s0], s1  }
0x185: {  	s0 =	simm.s32 @!p0 $0x5  }
0x186: {  	_ =	swait.ge @!p0 [sflag:s0], s1  }
0x187: {  	s1 =	ssub.s32 @!p0 $0x0, s1;
	[sflag:s0] =	ssyncset.done @!p0 $0x0  }
0x188: {  	[sflag:s0] =	ssyncadd.s32 @!p0 s1  }
0x189: {  	[bflag:$0x3] =	sbarrier.arrive $0xFFFF  }
0x18a: {  	_ =	shalt  }

</sc_bundles>
